<compile_context>
chip_gen: v7x
topology: tpu7x:2x2x1
jax: 0.10.2.dev20260603
libtpu: 0.0.44.dev20260713+nightly
codegen_flags: <defaults>
</compile_context>

<pallas_src>
import functools

import jax
import jax.numpy as jnp
from jax import lax
from jax.experimental import pallas as pl
from jax.experimental.pallas import tpu as pltpu
from jax.experimental.pallas import tpu_sc as plsc

NN = 10000
EE = 320000
DD = 128
CC = 64

NC, NS = 2, 16
NW = NC * NS
CHUNK = 128
KCH = 80
EPT = KCH * CHUNK
EPAD = EPT * NW
NACC = 10240
STRIPE = NACC // NS
GB = 16


@functools.lru_cache(maxsize=None)
def _get_sc_agg():
  mesh = plsc.VectorSubcoreMesh(core_axis_name="c", subcore_axis_name="s")

  @functools.partial(
      pl.kernel, mesh=mesh,
      out_type=jax.ShapeDtypeStruct((NC, NACC, DD), jnp.float32),
      scratch_types=[
          pltpu.VMEM((GB, CHUNK), jnp.int32),
          pltpu.VMEM((GB, CHUNK), jnp.int32),
          pltpu.VMEM((CHUNK, DD), jnp.float32),
          pltpu.VMEM((CHUNK, DD), jnp.float32),
          pltpu.VMEM_SHARED((NACC, DD), jnp.float32),
          pltpu.SemaphoreType.DMA,
          pltpu.SemaphoreType.DMA,
      ],
  )
  def _sc_agg(h_hbm, src_hbm, dst_hbm, zstripe_hbm,
              out_f, src_v, dst_v, rows_a, rows_b, accf, sem_a, sem_b):
    c = lax.axis_index("c")
    s = lax.axis_index("s")
    wid = c * NS + s

    pltpu.sync_copy(zstripe_hbm, accf.at[pl.ds(s * STRIPE, STRIPE)])
    plsc.subcore_barrier()

    def window(b, carry):
        base = wid * KCH + b * GB
        pltpu.sync_copy(src_hbm.at[pl.ds(base, GB)], src_v)
        pltpu.sync_copy(dst_hbm.at[pl.ds(base, GB)], dst_v)
        pltpu.async_copy(h_hbm.at[src_v.at[0]], rows_a, sem_a)

        def step(t, carry2):
            pltpu.make_async_copy(h_hbm.at[src_v.at[2 * t]], rows_a,
                                  sem_a).wait()
            pltpu.async_copy(h_hbm.at[src_v.at[2 * t + 1]], rows_b, sem_b)
            pltpu.sync_copy(rows_a, accf.at[dst_v.at[2 * t]], add=True)
            pltpu.make_async_copy(h_hbm.at[src_v.at[2 * t + 1]], rows_b,
                                  sem_b).wait()

            @pl.when(t < GB // 2 - 1)
            def _nxt():
                pltpu.async_copy(h_hbm.at[src_v.at[2 * t + 2]], rows_a, sem_a)
            pltpu.sync_copy(rows_b, accf.at[dst_v.at[2 * t + 1]], add=True)
            return carry2
        lax.fori_loop(0, GB // 2, step, 0)
        return carry
    lax.fori_loop(0, KCH // GB, window, 0)

    plsc.subcore_barrier()
    pltpu.sync_copy(accf.at[pl.ds(s * STRIPE, STRIPE)],
                    out_f.at[c, pl.ds(s * STRIPE, STRIPE)])

  return _sc_agg


@functools.lru_cache(maxsize=None)
def _get_sc_cnt():
  mesh = plsc.VectorSubcoreMesh(core_axis_name="c", subcore_axis_name="s")

  @functools.partial(
      pl.kernel, mesh=mesh,
      out_type=jax.ShapeDtypeStruct((NC, NACC, DD), jnp.float32),
      scratch_types=[
          pltpu.VMEM((KCH, CHUNK), jnp.int32),
          pltpu.VMEM((CHUNK, DD), jnp.float32),
          pltpu.VMEM_SHARED((NACC, DD), jnp.float32),
      ],
  )
  def _sc_cnt(dst_hbm, zstripe_hbm, ones_hbm, out_c, dst_v, ones_v, accc):
    c = lax.axis_index("c")
    s = lax.axis_index("s")
    wid = c * NS + s

    pltpu.sync_copy(zstripe_hbm, accc.at[pl.ds(s * STRIPE, STRIPE)])
    pltpu.sync_copy(ones_hbm, ones_v)
    pltpu.sync_copy(dst_hbm.at[pl.ds(wid * KCH, KCH)], dst_v)
    plsc.subcore_barrier()

    def step(j, carry):
        pltpu.sync_copy(ones_v, accc.at[dst_v.at[j]], add=True)
        return carry
    lax.fori_loop(0, KCH, step, 0)

    plsc.subcore_barrier()
    pltpu.sync_copy(accc.at[pl.ds(s * STRIPE, STRIPE)],
                    out_c.at[c, pl.ds(s * STRIPE, STRIPE)])

  return _sc_cnt



RB = 1000


def _conv_body(h_ref, pf_ref, pc_ref, wl_ref, wr_ref, y_ref, st_ref, acc_ref):
    i = pl.program_id(0)

    @pl.when(i == 0)
    def _init():
        acc_ref[...] = jnp.zeros_like(acc_ref)

    psum = pf_ref[0] + pf_ref[1]
    cnt = pc_ref[0, :, 0:1] + pc_ref[1, :, 0:1]
    inv = 1.0 / jnp.maximum(cnt, 1.0)
    m = jnp.dot(psum, wl_ref[...], preferred_element_type=jnp.float32) * inv
    y = m + jnp.dot(h_ref[...], wr_ref[...], preferred_element_type=jnp.float32)
    y_ref[...] = y
    acc_ref[0:1, :] += jnp.sum(y, axis=0, keepdims=True)
    acc_ref[1:2, :] += jnp.sum(y * y, axis=0, keepdims=True)

    @pl.when(i == pl.num_programs(0) - 1)
    def _fin():
        st_ref[...] = acc_ref[...]


def _conv(h, pf, pc, wl, wr):
    return pl.pallas_call(
        _conv_body,
        grid=(NN // RB,),
        in_specs=[
            pl.BlockSpec((RB, DD), lambda i: (i, 0)),
            pl.BlockSpec((NC, RB, DD), lambda i: (0, i, 0)),
            pl.BlockSpec((NC, RB, DD), lambda i: (0, i, 0)),
            pl.BlockSpec((DD, DD), lambda i: (0, 0)),
            pl.BlockSpec((DD, DD), lambda i: (0, 0)),
        ],
        out_specs=[
            pl.BlockSpec((RB, DD), lambda i: (i, 0)),
            pl.BlockSpec((2, DD), lambda i: (0, 0)),
        ],
        out_shape=[
            jax.ShapeDtypeStruct((NN, DD), jnp.float32),
            jax.ShapeDtypeStruct((2, DD), jnp.float32),
        ],
        scratch_shapes=[pltpu.VMEM((2, DD), jnp.float32)],
    )(h, pf, pc, wl, wr)


def _bnrelu_body(y_ref, st_ref, g_ref, b_ref, o_ref):
    mu = st_ref[0:1, :] / NN
    var = st_ref[1:2, :] / NN - mu * mu
    scale = g_ref[...] * lax.rsqrt(var + 1e-5)
    o_ref[...] = jnp.maximum((y_ref[...] - mu) * scale + b_ref[...], 0.0)


def _bnrelu(y, st, g, b):
    return pl.pallas_call(
        _bnrelu_body,
        grid=(NN // RB,),
        in_specs=[
            pl.BlockSpec((RB, DD), lambda i: (i, 0)),
            pl.BlockSpec((2, DD), lambda i: (0, 0)),
            pl.BlockSpec((1, DD), lambda i: (0, 0)),
            pl.BlockSpec((1, DD), lambda i: (0, 0)),
        ],
        out_specs=pl.BlockSpec((RB, DD), lambda i: (i, 0)),
        out_shape=jax.ShapeDtypeStruct((NN, DD), jnp.float32),
    )(y, st, g.reshape(1, DD), b.reshape(1, DD))


def _mlp1_body(x_ref, h1_ref, h2_ref, y3_ref, st3_ref, g2_ref, b2_ref,
               w1_ref, bb1_ref, z_ref, st_ref, acc_ref):
    i = pl.program_id(0)

    @pl.when(i == 0)
    def _init():
        acc_ref[...] = jnp.zeros_like(acc_ref)

    mu3 = st3_ref[0:1, :] / NN
    var3 = st3_ref[1:2, :] / NN - mu3 * mu3
    sc3 = g2_ref[...] * lax.rsqrt(var3 + 1e-5)
    h3 = jnp.maximum((y3_ref[...] - mu3) * sc3 + b2_ref[...], 0.0)
    z = (jnp.dot(x_ref[...], w1_ref[0 * DD:1 * DD], preferred_element_type=jnp.float32)
         + jnp.dot(h1_ref[...], w1_ref[1 * DD:2 * DD], preferred_element_type=jnp.float32)
         + jnp.dot(h2_ref[...], w1_ref[2 * DD:3 * DD], preferred_element_type=jnp.float32)
         + jnp.dot(h3, w1_ref[3 * DD:4 * DD], preferred_element_type=jnp.float32)
         + bb1_ref[...])
    z_ref[...] = z
    acc_ref[0:1, :] += jnp.sum(z, axis=0, keepdims=True)
    acc_ref[1:2, :] += jnp.sum(z * z, axis=0, keepdims=True)

    @pl.when(i == pl.num_programs(0) - 1)
    def _fin():
        st_ref[...] = acc_ref[...]


def _mlp1(x, h1, h2, y3, st3, g2, b2, w1, bb1):
    return pl.pallas_call(
        _mlp1_body,
        grid=(NN // RB,),
        in_specs=[
            pl.BlockSpec((RB, DD), lambda i: (i, 0)),
            pl.BlockSpec((RB, DD), lambda i: (i, 0)),
            pl.BlockSpec((RB, DD), lambda i: (i, 0)),
            pl.BlockSpec((RB, DD), lambda i: (i, 0)),
            pl.BlockSpec((2, DD), lambda i: (0, 0)),
            pl.BlockSpec((1, DD), lambda i: (0, 0)),
            pl.BlockSpec((1, DD), lambda i: (0, 0)),
            pl.BlockSpec((4 * DD, 2 * CC), lambda i: (0, 0)),
            pl.BlockSpec((1, 2 * CC), lambda i: (0, 0)),
        ],
        out_specs=[
            pl.BlockSpec((RB, 2 * CC), lambda i: (i, 0)),
            pl.BlockSpec((2, 2 * CC), lambda i: (0, 0)),
        ],
        out_shape=[
            jax.ShapeDtypeStruct((NN, 2 * CC), jnp.float32),
            jax.ShapeDtypeStruct((2, 2 * CC), jnp.float32),
        ],
        scratch_shapes=[pltpu.VMEM((2, 2 * CC), jnp.float32)],
    )(x, h1, h2, y3, st3, g2.reshape(1, DD), b2.reshape(1, DD), w1,
      bb1.reshape(1, 2 * CC))


def _mlp2_body(z_ref, st_ref, gm_ref, bm_ref, w2_ref, bb2_ref, o_ref):
    mu = st_ref[0:1, :] / NN
    var = st_ref[1:2, :] / NN - mu * mu
    scale = gm_ref[...] * lax.rsqrt(var + 1e-5)
    t = (z_ref[...] - mu) * scale + bm_ref[...]
    t = jnp.where(t >= 0.0, t, 0.01 * t)
    o_ref[...] = jnp.dot(t, w2_ref[...], preferred_element_type=jnp.float32) + bb2_ref[...]


def _mlp2(z, st, gm, bm, w2, bb2):
    return pl.pallas_call(
        _mlp2_body,
        grid=(NN // RB,),
        in_specs=[
            pl.BlockSpec((RB, 2 * CC), lambda i: (i, 0)),
            pl.BlockSpec((2, 2 * CC), lambda i: (0, 0)),
            pl.BlockSpec((1, 2 * CC), lambda i: (0, 0)),
            pl.BlockSpec((1, 2 * CC), lambda i: (0, 0)),
            pl.BlockSpec((2 * CC, CC), lambda i: (0, 0)),
            pl.BlockSpec((1, CC), lambda i: (0, 0)),
        ],
        out_specs=pl.BlockSpec((RB, CC), lambda i: (i, 0)),
        out_shape=jax.ShapeDtypeStruct((NN, CC), jnp.float32),
    )(z, st, gm.reshape(1, 2 * CC), bm.reshape(1, 2 * CC), w2, bb2.reshape(1, CC))



def kernel(x, edge_index, Wl0, Wr0, Wl1, Wr1, Wl2, Wr2,
           g0, b0, g1, b1, g2, b2, W1, bb1, gm, bm, W2, bb2):
    src = edge_index[0]
    dst = edge_index[1]
    pad = EPAD - EE
    pad_src = jnp.arange(pad, dtype=jnp.int32) % NN
    src2d = jnp.concatenate([src, pad_src]).reshape(EPAD // CHUNK, CHUNK)
    pad_dst = NN + (jnp.arange(pad, dtype=jnp.int32) % (NACC - NN))
    dst2d = jnp.concatenate([dst, pad_dst]).reshape(EPAD // CHUNK, CHUNK)
    zstripe = jnp.zeros((STRIPE, DD), jnp.float32)
    ones = jnp.ones((CHUNK, DD), jnp.float32)

    sc_cnt = _get_sc_cnt()
    sc_agg = _get_sc_agg()
    pc = sc_cnt(dst2d, zstripe, ones)
    pf0 = sc_agg(x, src2d, dst2d, zstripe)
    y1, st1 = _conv(x, pf0, pc, Wl0, Wr0)
    h1 = _bnrelu(y1, st1, g0, b0)

    pf1 = sc_agg(h1, src2d, dst2d, zstripe)
    y2, st2 = _conv(h1, pf1, pc, Wl1, Wr1)
    h2 = _bnrelu(y2, st2, g1, b1)

    pf2 = sc_agg(h2, src2d, dst2d, zstripe)
    y3, st3 = _conv(h2, pf2, pc, Wl2, Wr2)

    z, stz = _mlp1(x, h1, h2, y3, st3, g2, b2, W1, bb1)
    return _mlp2(z, stz, gm, bm, W2, bb2)

# --- scband reference (transcript-rebuilt; emitter-appended) ---
"""Pipeline reference for scband-sage-57105885167813 (READ-ONLY COPY).

The authoritative reference and input builder live on the scoring server;
editing this copy changes nothing except your own understanding.
"""

import jax, jax.numpy as jnp
import numpy as np

N = 10000
E = 320000
D = 128
H = 128
C = 64

def setup_inputs(seed: int = 0):
    key = jax.random.key(seed)
    def k(i):
        return jax.random.fold_in(key, i)
    inp = {}
    inp['x'] = jax.random.normal(k(0), (N, D), dtype=jnp.float32)
    inp['edge_index'] = jax.random.randint(k(1), (2, E), 0, N, dtype=jnp.int32)
    inp['Wl0'] = jax.random.normal(k(2), (D, H), dtype=jnp.float32) * (1.0 / np.sqrt(D))
    inp['Wr0'] = jax.random.normal(k(3), (D, H), dtype=jnp.float32) * (1.0 / np.sqrt(D))
    inp['Wl1'] = jax.random.normal(k(4), (H, H), dtype=jnp.float32) * (1.0 / np.sqrt(H))
    inp['Wr1'] = jax.random.normal(k(5), (H, H), dtype=jnp.float32) * (1.0 / np.sqrt(H))
    inp['Wl2'] = jax.random.normal(k(6), (H, H), dtype=jnp.float32) * (1.0 / np.sqrt(H))
    inp['Wr2'] = jax.random.normal(k(7), (H, H), dtype=jnp.float32) * (1.0 / np.sqrt(H))
    inp['g0'] = jnp.ones((H,), dtype=jnp.float32)
    inp['b0'] = jnp.zeros((H,), dtype=jnp.float32)
    inp['g1'] = jnp.ones((H,), dtype=jnp.float32)
    inp['b1'] = jnp.zeros((H,), dtype=jnp.float32)
    inp['g2'] = jnp.ones((H,), dtype=jnp.float32)
    inp['b2'] = jnp.zeros((H,), dtype=jnp.float32)
    inp['W1'] = jax.random.normal(k(8), (D + 3 * H, 2 * C), dtype=jnp.float32) * (1.0 / np.sqrt(D + 3 * H))
    inp['bb1'] = jnp.zeros((2 * C,), dtype=jnp.float32)
    inp['gm'] = jnp.ones((2 * C,), dtype=jnp.float32)
    inp['bm'] = jnp.zeros((2 * C,), dtype=jnp.float32)
    inp['W2'] = jax.random.normal(k(9), (2 * C, C), dtype=jnp.float32) * (1.0 / np.sqrt(2 * C))
    inp['bb2'] = jnp.zeros((C,), dtype=jnp.float32)
    return inp

def reference(x, edge_index, Wl0, Wr0, Wl1, Wr1, Wl2, Wr2, g0, b0, g1, b1, g2, b2, W1, bb1, gm, bm, W2, bb2):
    src = edge_index[0]
    dst = edge_index[1]
    def bn(h, g, b):
        mu = h.mean(axis=0)
        v = h.var(axis=0)
        return (h - mu) / jnp.sqrt(v + 1e-5) * g + b
    def conv(h, Wl, Wr):
        s = jax.ops.segment_sum(h[src], dst, num_segments=N)
        cnt = jax.ops.segment_sum(jnp.ones((E, 1), h.dtype), dst, num_segments=N)
        m = s / jnp.clip(cnt, 1.0, None)
        return m @ Wl + h @ Wr
    collect = [x]
    h = x
    for (Wl, Wr, g, b) in ((Wl0, Wr0, g0, b0), (Wl1, Wr1, g1, b1), (Wl2, Wr2, g2, b2)):
        h = conv(h, Wl, Wr)
        h = bn(h, g, b)
        h = jax.nn.relu(h)
        collect.append(h)
    z = jnp.concatenate(collect, axis=1)
    z = z @ W1 + bb1
    z = bn(z, gm, bm)
    z = jax.nn.leaky_relu(z, 0.01)
    return z @ W2 + bb2

if __name__ == "__main__":
    import jax
    _d = setup_inputs()
    print(jax.jit(kernel)(*tuple(_d.values())))

</pallas_src>

<mosaic_0001>
#map = affine_map<(d0, d1) -> (0, 0)>
#map1 = affine_map<(d0, d1) -> (0, 0, 0)>
module attributes {stable_mosaic.version = 14 : i64} {
  func.func @_sc_agg(%arg0: i32, %arg1: i32, %arg2: memref<10000x128xf32, #tpu.memory_space<hbm>>, %arg3: memref<2560x128xi32, #tpu.memory_space<hbm>>, %arg4: memref<2560x128xi32, #tpu.memory_space<hbm>>, %arg5: memref<640x128xf32, #tpu.memory_space<hbm>>, %arg6: memref<2x10240x128xf32, #tpu.memory_space<hbm>>, %arg7: memref<16x128xi32, #tpu.memory_space<vmem>>, %arg8: memref<16x128xi32, #tpu.memory_space<vmem>>, %arg9: memref<128x128xf32, #tpu.memory_space<vmem>>, %arg10: memref<128x128xf32, #tpu.memory_space<vmem>>, %arg11: memref<10240x128xf32, #tpu.memory_space<vmem_shared>>, %arg12: memref<!tpu.dma_semaphore, #tpu.memory_space<semaphore_mem>>, %arg13: memref<!tpu.dma_semaphore, #tpu.memory_space<semaphore_mem>>) attributes {dimension_semantics = [#tpu.dimension_semantics<core_parallel>, #tpu.dimension_semantics<subcore_parallel>], iteration_bounds = array<i64: 2, 16>, scalar_prefetch = 0 : i64, scratch_operands = 7 : i64, tpu.core_type = #tpu.core_type<sc_vector_subcore>, window_params = [{transform_indices = #map}, {transform_indices = #map}, {transform_indices = #map}, {transform_indices = #map}, {transform_indices = #map1}]} {
    %mul3A = arith.constant 16 : i32
    %mul3A_0 = arith.muli %arg0, %mul3A : i32
    %add3A = arith.addi %mul3A_0, %arg1 : i32
    %mul3A_1 = arith.constant 640 : i32
    %mul3A_2 = arith.muli %arg1, %mul3A_1 : i32
    "tpu.region"() ({
      %run_scoped3A = tpu.sem_alloc : memref<!tpu.dma_semaphore, #tpu.memory_space<semaphore_mem>>
      %dma_start3A = arith.constant 0 : i32
      %dma_start3A_13 = tpu.memref_slice %arg11[%mul3A_2, %dma_start3A] : memref<10240x128xf32, #tpu.memory_space<vmem_shared>> -> memref<640x128xf32, #tpu.memory_space<vmem_shared>>
      tpu.enqueue_dma source(%arg5 : memref<640x128xf32, #tpu.memory_space<hbm>>) target(%dma_start3A_13 : memref<640x128xf32, #tpu.memory_space<vmem_shared>>) target_semaphore(%run_scoped3A : memref<!tpu.dma_semaphore, #tpu.memory_space<semaphore_mem>>)
      %dma_wait3A = arith.constant 0 : i32
      %dma_wait3A_14 = tpu.memref_slice %arg11[%mul3A_2, %dma_wait3A] : memref<10240x128xf32, #tpu.memory_space<vmem_shared>> -> memref<640x128xf32, #tpu.memory_space<vmem_shared>>
      tpu.wait_dma2 semaphore(%run_scoped3A : memref<!tpu.dma_semaphore, #tpu.memory_space<semaphore_mem>>) src(%arg5 : memref<640x128xf32, #tpu.memory_space<hbm>>) dst(%dma_wait3A_14 : memref<640x128xf32, #tpu.memory_space<vmem_shared>>)
      tpu.yield
    }) : () -> ()
    %barrier3A = arith.constant 0 : index
    tpu.barrier barrier_id(%barrier3A)
    %scan3A = arith.constant 0 : i32
    %scan3A_3 = arith.constant 0 : i32
    %scan3A_4 = arith.constant 5 : i32
    %scan3A_5 = arith.addi %scan3A_3, %scan3A_4 : i32
    %scan3A_6 = arith.constant 1 : i32
    scf.for %scan3A_13 = %scan3A_3 to %scan3A_5 step %scan3A_6  : i32 {
      %mul3A_14 = arith.constant 80 : i32
      %mul3A_15 = arith.muli %add3A, %mul3A_14 : i32
      %mul3A_16 = arith.constant 16 : i32
      %mul3A_17 = arith.muli %scan3A_13, %mul3A_16 : i32
      %add3A_18 = arith.addi %mul3A_15, %mul3A_17 : i32
      "tpu.region"() ({
        %run_scoped3A = tpu.sem_alloc : memref<!tpu.dma_semaphore, #tpu.memory_space<semaphore_mem>>
        %dma_start3A_31 = arith.constant 0 : i32
        %dma_start3A_32 = tpu.memref_slice %arg3[%add3A_18, %dma_start3A_31] : memref<2560x128xi32, #tpu.memory_space<hbm>> -> memref<16x128xi32, #tpu.memory_space<hbm>>
        %dma_start3A_33 = arith.constant 0 : i32
        %dma_start3A_34 = tpu.memref_slice %arg3[%add3A_18, %dma_start3A_33] : memref<2560x128xi32, #tpu.memory_space<hbm>> -> memref<16x128xi32, #tpu.memory_space<hbm>>
        tpu.enqueue_dma source(%dma_start3A_34 : memref<16x128xi32, #tpu.memory_space<hbm>>) target(%arg7 : memref<16x128xi32, #tpu.memory_space<vmem>>) target_semaphore(%run_scoped3A : memref<!tpu.dma_semaphore, #tpu.memory_space<semaphore_mem>>)
        %dma_wait3A = arith.constant 0 : i32
        %dma_wait3A_35 = tpu.memref_slice %arg3[%add3A_18, %dma_wait3A] : memref<2560x128xi32, #tpu.memory_space<hbm>> -> memref<16x128xi32, #tpu.memory_space<hbm>>
        %dma_wait3A_36 = arith.constant 0 : i32
        %dma_wait3A_37 = tpu.memref_slice %arg3[%add3A_18, %dma_wait3A_36] : memref<2560x128xi32, #tpu.memory_space<hbm>> -> memref<16x128xi32, #tpu.memory_space<hbm>>
        tpu.wait_dma2 semaphore(%run_scoped3A : memref<!tpu.dma_semaphore, #tpu.memory_space<semaphore_mem>>) src(%dma_wait3A_37 : memref<16x128xi32, #tpu.memory_space<hbm>>) dst(%arg7 : memref<16x128xi32, #tpu.memory_space<vmem>>)
        tpu.yield
      }) : () -> ()
      "tpu.region"() ({
        %run_scoped3A = tpu.sem_alloc : memref<!tpu.dma_semaphore, #tpu.memory_space<semaphore_mem>>
        %dma_start3A_31 = arith.constant 0 : i32
        %dma_start3A_32 = tpu.memref_slice %arg4[%add3A_18, %dma_start3A_31] : memref<2560x128xi32, #tpu.memory_space<hbm>> -> memref<16x128xi32, #tpu.memory_space<hbm>>
        %dma_start3A_33 = arith.constant 0 : i32
        %dma_start3A_34 = tpu.memref_slice %arg4[%add3A_18, %dma_start3A_33] : memref<2560x128xi32, #tpu.memory_space<hbm>> -> memref<16x128xi32, #tpu.memory_space<hbm>>
        tpu.enqueue_dma source(%dma_start3A_34 : memref<16x128xi32, #tpu.memory_space<hbm>>) target(%arg8 : memref<16x128xi32, #tpu.memory_space<vmem>>) target_semaphore(%run_scoped3A : memref<!tpu.dma_semaphore, #tpu.memory_space<semaphore_mem>>)
        %dma_wait3A = arith.constant 0 : i32
        %dma_wait3A_35 = tpu.memref_slice %arg4[%add3A_18, %dma_wait3A] : memref<2560x128xi32, #tpu.memory_space<hbm>> -> memref<16x128xi32, #tpu.memory_space<hbm>>
        %dma_wait3A_36 = arith.constant 0 : i32
        %dma_wait3A_37 = tpu.memref_slice %arg4[%add3A_18, %dma_wait3A_36] : memref<2560x128xi32, #tpu.memory_space<hbm>> -> memref<16x128xi32, #tpu.memory_space<hbm>>
        tpu.wait_dma2 semaphore(%run_scoped3A : memref<!tpu.dma_semaphore, #tpu.memory_space<semaphore_mem>>) src(%dma_wait3A_37 : memref<16x128xi32, #tpu.memory_space<hbm>>) dst(%arg8 : memref<16x128xi32, #tpu.memory_space<vmem>>)
        tpu.yield
      }) : () -> ()
      %dma_start3A = arith.constant 0 : i32
      %dma_start3A_19 = arith.constant 0 : i32
      %dma_start3A_20 = tpu.memref_slice %arg7[%dma_start3A, %dma_start3A_19] : memref<16x128xi32, #tpu.memory_space<vmem>> -> memref<1x128xi32, #tpu.memory_space<vmem>>
      %dma_start3A_21 = tpu.memref_squeeze %dma_start3A_20 : memref<1x128xi32, #tpu.memory_space<vmem>> -> memref<128xi32, #tpu.memory_space<vmem>>
      %dma_start3A_22 = arith.constant 0 : i32
      %dma_start3A_23 = arith.constant 0 : i32
      %dma_start3A_24 = tpu.memref_slice %arg2[%dma_start3A_22, %dma_start3A_23] : memref<10000x128xf32, #tpu.memory_space<hbm>> -> memref<10000x128xf32, #tpu.memory_space<hbm>>
      tpu.enqueue_indirect_dma source(%dma_start3A_24 : memref<10000x128xf32, #tpu.memory_space<hbm>>) target(%arg9 : memref<128x128xf32, #tpu.memory_space<vmem>>) offsets(%dma_start3A_21 : memref<128xi32, #tpu.memory_space<vmem>>) semaphore(%arg12 : memref<!tpu.dma_semaphore, #tpu.memory_space<semaphore_mem>>)
      %scan3A_25 = arith.constant 0 : i32
      %scan3A_26 = arith.constant 0 : i32
      %scan3A_27 = arith.constant 8 : i32
      %scan3A_28 = arith.addi %scan3A_26, %scan3A_27 : i32
      %scan3A_29 = arith.constant 1 : i32
      scf.for %scan3A_31 = %scan3A_26 to %scan3A_28 step %scan3A_29  : i32 {
        %mul3A_32 = arith.constant 2 : i32
        %mul3A_33 = arith.muli %mul3A_32, %scan3A_31 : i32
        %dma_wait3A = arith.constant 0 : i32
        %dma_wait3A_34 = tpu.memref_slice %arg7[%mul3A_33, %dma_wait3A] : memref<16x128xi32, #tpu.memory_space<vmem>> -> memref<1x128xi32, #tpu.memory_space<vmem>>
        %dma_wait3A_35 = tpu.memref_squeeze %dma_wait3A_34 : memref<1x128xi32, #tpu.memory_space<vmem>> -> memref<128xi32, #tpu.memory_space<vmem>>
        %dma_wait3A_36 = arith.constant 0 : i32
        %dma_wait3A_37 = arith.constant 0 : i32
        %dma_wait3A_38 = tpu.memref_slice %arg2[%dma_wait3A_36, %dma_wait3A_37] : memref<10000x128xf32, #tpu.memory_space<hbm>> -> memref<10000x128xf32, #tpu.memory_space<hbm>>
        tpu.wait_indirect_dma semaphore(%arg12 : memref<!tpu.dma_semaphore, #tpu.memory_space<semaphore_mem>>) src(%dma_wait3A_38 : memref<10000x128xf32, #tpu.memory_space<hbm>>) dst(%arg9 : memref<128x128xf32, #tpu.memory_space<vmem>>)
        %mul3A_39 = arith.constant 2 : i32
        %mul3A_40 = arith.muli %mul3A_39, %scan3A_31 : i32
        %add3A_41 = arith.constant 1 : i32
        %add3A_42 = arith.addi %mul3A_40, %add3A_41 : i32
        %dma_start3A_43 = arith.constant 0 : i32
        %dma_start3A_44 = tpu.memref_slice %arg7[%add3A_42, %dma_start3A_43] : memref<16x128xi32, #tpu.memory_space<vmem>> -> memref<1x128xi32, #tpu.memory_space<vmem>>
        %dma_start3A_45 = tpu.memref_squeeze %dma_start3A_44 : memref<1x128xi32, #tpu.memory_space<vmem>> -> memref<128xi32, #tpu.memory_space<vmem>>
        %dma_start3A_46 = arith.constant 0 : i32
        %dma_start3A_47 = arith.constant 0 : i32
        %dma_start3A_48 = tpu.memref_slice %arg2[%dma_start3A_46, %dma_start3A_47] : memref<10000x128xf32, #tpu.memory_space<hbm>> -> memref<10000x128xf32, #tpu.memory_space<hbm>>
        tpu.enqueue_indirect_dma source(%dma_start3A_48 : memref<10000x128xf32, #tpu.memory_space<hbm>>) target(%arg10 : memref<128x128xf32, #tpu.memory_space<vmem>>) offsets(%dma_start3A_45 : memref<128xi32, #tpu.memory_space<vmem>>) semaphore(%arg13 : memref<!tpu.dma_semaphore, #tpu.memory_space<semaphore_mem>>)
        %mul3A_49 = arith.constant 2 : i32
        %mul3A_50 = arith.muli %mul3A_49, %scan3A_31 : i32
        "tpu.region"() ({
          %run_scoped3A = tpu.sem_alloc : memref<!tpu.dma_semaphore, #tpu.memory_space<semaphore_mem>>
          %dma_start3A_67 = arith.constant 0 : i32
          %dma_start3A_68 = tpu.memref_slice %arg8[%mul3A_50, %dma_start3A_67] : memref<16x128xi32, #tpu.memory_space<vmem>> -> memref<1x128xi32, #tpu.memory_space<vmem>>
          %dma_start3A_69 = tpu.memref_squeeze %dma_start3A_68 : memref<1x128xi32, #tpu.memory_space<vmem>> -> memref<128xi32, #tpu.memory_space<vmem>>
          %dma_start3A_70 = arith.constant 0 : i32
          %dma_start3A_71 = arith.constant 0 : i32
          %dma_start3A_72 = tpu.memref_slice %arg11[%dma_start3A_70, %dma_start3A_71] : memref<10240x128xf32, #tpu.memory_space<vmem_shared>> -> memref<10240x128xf32, #tpu.memory_space<vmem_shared>>
          tpu.enqueue_indirect_dma source(%arg9 : memref<128x128xf32, #tpu.memory_space<vmem>>) target(%dma_start3A_72 : memref<10240x128xf32, #tpu.memory_space<vmem_shared>>) offsets(%dma_start3A_69 : memref<128xi32, #tpu.memory_space<vmem>>) semaphore(%run_scoped3A : memref<!tpu.dma_semaphore, #tpu.memory_space<semaphore_mem>>) {add = true}
          %dma_wait3A_73 = arith.constant 0 : i32
          %dma_wait3A_74 = tpu.memref_slice %arg8[%mul3A_50, %dma_wait3A_73] : memref<16x128xi32, #tpu.memory_space<vmem>> -> memref<1x128xi32, #tpu.memory_space<vmem>>
          %dma_wait3A_75 = tpu.memref_squeeze %dma_wait3A_74 : memref<1x128xi32, #tpu.memory_space<vmem>> -> memref<128xi32, #tpu.memory_space<vmem>>
          %dma_wait3A_76 = arith.constant 0 : i32
          %dma_wait3A_77 = arith.constant 0 : i32
          %dma_wait3A_78 = tpu.memref_slice %arg11[%dma_wait3A_76, %dma_wait3A_77] : memref<10240x128xf32, #tpu.memory_space<vmem_shared>> -> memref<10240x128xf32, #tpu.memory_space<vmem_shared>>
          tpu.wait_indirect_dma semaphore(%run_scoped3A : memref<!tpu.dma_semaphore, #tpu.memory_space<semaphore_mem>>) src(%arg9 : memref<128x128xf32, #tpu.memory_space<vmem>>) dst(%dma_wait3A_78 : memref<10240x128xf32, #tpu.memory_space<vmem_shared>>)
          tpu.yield
        }) : () -> ()
        %mul3A_51 = arith.constant 2 : i32
        %mul3A_52 = arith.muli %mul3A_51, %scan3A_31 : i32
        %add3A_53 = arith.constant 1 : i32
        %add3A_54 = arith.addi %mul3A_52, %add3A_53 : i32
        %dma_wait3A_55 = arith.constant 0 : i32
        %dma_wait3A_56 = tpu.memref_slice %arg7[%add3A_54, %dma_wait3A_55] : memref<16x128xi32, #tpu.memory_space<vmem>> -> memref<1x128xi32, #tpu.memory_space<vmem>>
        %dma_wait3A_57 = tpu.memref_squeeze %dma_wait3A_56 : memref<1x128xi32, #tpu.memory_space<vmem>> -> memref<128xi32, #tpu.memory_space<vmem>>
        %dma_wait3A_58 = arith.constant 0 : i32
        %dma_wait3A_59 = arith.constant 0 : i32
        %dma_wait3A_60 = tpu.memref_slice %arg2[%dma_wait3A_58, %dma_wait3A_59] : memref<10000x128xf32, #tpu.memory_space<hbm>> -> memref<10000x128xf32, #tpu.memory_space<hbm>>
        tpu.wait_indirect_dma semaphore(%arg13 : memref<!tpu.dma_semaphore, #tpu.memory_space<semaphore_mem>>) src(%dma_wait3A_60 : memref<10000x128xf32, #tpu.memory_space<hbm>>) dst(%arg10 : memref<128x128xf32, #tpu.memory_space<vmem>>)
        %lt3A = arith.constant 7 : i32
        %lt3A_61 = arith.cmpi slt, %scan3A_31, %lt3A : i32
        %convert_element_type3A = arith.extui %lt3A_61 : i1 to i32
        %cond3A = arith.constant 0 : i32
        %cond3A_62 = arith.cmpi ne, %convert_element_type3A, %cond3A : i32
        scf.if %cond3A_62 {
          %mul3A_67 = arith.constant 2 : i32
          %mul3A_68 = arith.muli %mul3A_67, %scan3A_31 : i32
          %add3A_69 = arith.constant 2 : i32
          %add3A_70 = arith.addi %mul3A_68, %add3A_69 : i32
          %dma_start3A_71 = arith.constant 0 : i32
          %dma_start3A_72 = tpu.memref_slice %arg7[%add3A_70, %dma_start3A_71] : memref<16x128xi32, #tpu.memory_space<vmem>> -> memref<1x128xi32, #tpu.memory_space<vmem>>
          %dma_start3A_73 = tpu.memref_squeeze %dma_start3A_72 : memref<1x128xi32, #tpu.memory_space<vmem>> -> memref<128xi32, #tpu.memory_space<vmem>>
          %dma_start3A_74 = arith.constant 0 : i32
          %dma_start3A_75 = arith.constant 0 : i32
          %dma_start3A_76 = tpu.memref_slice %arg2[%dma_start3A_74, %dma_start3A_75] : memref<10000x128xf32, #tpu.memory_space<hbm>> -> memref<10000x128xf32, #tpu.memory_space<hbm>>
          tpu.enqueue_indirect_dma source(%dma_start3A_76 : memref<10000x128xf32, #tpu.memory_space<hbm>>) target(%arg9 : memref<128x128xf32, #tpu.memory_space<vmem>>) offsets(%dma_start3A_73 : memref<128xi32, #tpu.memory_space<vmem>>) semaphore(%arg12 : memref<!tpu.dma_semaphore, #tpu.memory_space<semaphore_mem>>)
        } else {
        }
        %mul3A_63 = arith.constant 2 : i32
        %mul3A_64 = arith.muli %mul3A_63, %scan3A_31 : i32
        %add3A_65 = arith.constant 1 : i32
        %add3A_66 = arith.addi %mul3A_64, %add3A_65 : i32
        "tpu.region"() ({
          %run_scoped3A = tpu.sem_alloc : memref<!tpu.dma_semaphore, #tpu.memory_space<semaphore_mem>>
          %dma_start3A_67 = arith.constant 0 : i32
          %dma_start3A_68 = tpu.memref_slice %arg8[%add3A_66, %dma_start3A_67] : memref<16x128xi32, #tpu.memory_space<vmem>> -> memref<1x128xi32, #tpu.memory_space<vmem>>
          %dma_start3A_69 = tpu.memref_squeeze %dma_start3A_68 : memref<1x128xi32, #tpu.memory_space<vmem>> -> memref<128xi32, #tpu.memory_space<vmem>>
          %dma_start3A_70 = arith.constant 0 : i32
          %dma_start3A_71 = arith.constant 0 : i32
          %dma_start3A_72 = tpu.memref_slice %arg11[%dma_start3A_70, %dma_start3A_71] : memref<10240x128xf32, #tpu.memory_space<vmem_shared>> -> memref<10240x128xf32, #tpu.memory_space<vmem_shared>>
          tpu.enqueue_indirect_dma source(%arg10 : memref<128x128xf32, #tpu.memory_space<vmem>>) target(%dma_start3A_72 : memref<10240x128xf32, #tpu.memory_space<vmem_shared>>) offsets(%dma_start3A_69 : memref<128xi32, #tpu.memory_space<vmem>>) semaphore(%run_scoped3A : memref<!tpu.dma_semaphore, #tpu.memory_space<semaphore_mem>>) {add = true}
          %dma_wait3A_73 = arith.constant 0 : i32
          %dma_wait3A_74 = tpu.memref_slice %arg8[%add3A_66, %dma_wait3A_73] : memref<16x128xi32, #tpu.memory_space<vmem>> -> memref<1x128xi32, #tpu.memory_space<vmem>>
          %dma_wait3A_75 = tpu.memref_squeeze %dma_wait3A_74 : memref<1x128xi32, #tpu.memory_space<vmem>> -> memref<128xi32, #tpu.memory_space<vmem>>
          %dma_wait3A_76 = arith.constant 0 : i32
          %dma_wait3A_77 = arith.constant 0 : i32
          %dma_wait3A_78 = tpu.memref_slice %arg11[%dma_wait3A_76, %dma_wait3A_77] : memref<10240x128xf32, #tpu.memory_space<vmem_shared>> -> memref<10240x128xf32, #tpu.memory_space<vmem_shared>>
          tpu.wait_indirect_dma semaphore(%run_scoped3A : memref<!tpu.dma_semaphore, #tpu.memory_space<semaphore_mem>>) src(%arg10 : memref<128x128xf32, #tpu.memory_space<vmem>>) dst(%dma_wait3A_78 : memref<10240x128xf32, #tpu.memory_space<vmem_shared>>)
          tpu.yield
        }) : () -> ()
      }
      %scan3A_30 = arith.constant 8 : i32
    }
    %scan3A_7 = arith.constant 5 : i32
    %barrier3A_8 = arith.constant 0 : index
    tpu.barrier barrier_id(%barrier3A_8)
    %mul3A_9 = arith.constant 640 : i32
    %mul3A_10 = arith.muli %arg1, %mul3A_9 : i32
    %mul3A_11 = arith.constant 640 : i32
    %mul3A_12 = arith.muli %arg1, %mul3A_11 : i32
    "tpu.region"() ({
      %run_scoped3A = tpu.sem_alloc : memref<!tpu.dma_semaphore, #tpu.memory_space<semaphore_mem>>
      %dma_start3A = arith.constant 0 : i32
      %dma_start3A_13 = tpu.memref_slice %arg6[%arg0, %mul3A_12, %dma_start3A] : memref<2x10240x128xf32, #tpu.memory_space<hbm>> -> memref<1x640x128xf32, #tpu.memory_space<hbm>>
      %dma_start3A_14 = tpu.memref_squeeze %dma_start3A_13 : memref<1x640x128xf32, #tpu.memory_space<hbm>> -> memref<640x128xf32, #tpu.memory_space<hbm>>
      %dma_start3A_15 = arith.constant 0 : i32
      %dma_start3A_16 = tpu.memref_slice %arg11[%mul3A_10, %dma_start3A_15] : memref<10240x128xf32, #tpu.memory_space<vmem_shared>> -> memref<640x128xf32, #tpu.memory_space<vmem_shared>>
      tpu.enqueue_dma source(%dma_start3A_16 : memref<640x128xf32, #tpu.memory_space<vmem_shared>>) target(%dma_start3A_14 : memref<640x128xf32, #tpu.memory_space<hbm>>) target_semaphore(%run_scoped3A : memref<!tpu.dma_semaphore, #tpu.memory_space<semaphore_mem>>)
      %dma_wait3A = arith.constant 0 : i32
      %dma_wait3A_17 = tpu.memref_slice %arg6[%arg0, %mul3A_12, %dma_wait3A] : memref<2x10240x128xf32, #tpu.memory_space<hbm>> -> memref<1x640x128xf32, #tpu.memory_space<hbm>>
      %dma_wait3A_18 = tpu.memref_squeeze %dma_wait3A_17 : memref<1x640x128xf32, #tpu.memory_space<hbm>> -> memref<640x128xf32, #tpu.memory_space<hbm>>
      %dma_wait3A_19 = arith.constant 0 : i32
      %dma_wait3A_20 = tpu.memref_slice %arg11[%mul3A_10, %dma_wait3A_19] : memref<10240x128xf32, #tpu.memory_space<vmem_shared>> -> memref<640x128xf32, #tpu.memory_space<vmem_shared>>
      tpu.wait_dma2 semaphore(%run_scoped3A : memref<!tpu.dma_semaphore, #tpu.memory_space<semaphore_mem>>) src(%dma_wait3A_20 : memref<640x128xf32, #tpu.memory_space<vmem_shared>>) dst(%dma_wait3A_18 : memref<640x128xf32, #tpu.memory_space<hbm>>)
      tpu.yield
    }) : () -> ()
    return
  }
}

#map = affine_map<(d0, d1) -> (0, 0)>
#map1 = affine_map<(d0, d1) -> (0, 0, 0)>
module attributes {stable_mosaic.version = 14 : i64} {
  func.func @_sc_agg(%arg0: i32, %arg1: i32, %arg2: memref<10000x128xf32, #tpu.memory_space<hbm>>, %arg3: memref<2560x128xi32, #tpu.memory_space<hbm>>, %arg4: memref<2560x128xi32, #tpu.memory_space<hbm>>, %arg5: memref<640x128xf32, #tpu.memory_space<hbm>>, %arg6: memref<2x10240x128xf32, #tpu.memory_space<hbm>>, %arg7: memref<16x128xi32, #tpu.memory_space<vmem>>, %arg8: memref<16x128xi32, #tpu.memory_space<vmem>>, %arg9: memref<128x128xf32, #tpu.memory_space<vmem>>, %arg10: memref<128x128xf32, #tpu.memory_space<vmem>>, %arg11: memref<10240x128xf32, #tpu.memory_space<vmem_shared>>, %arg12: memref<!tpu.dma_semaphore, #tpu.memory_space<semaphore_mem>>, %arg13: memref<!tpu.dma_semaphore, #tpu.memory_space<semaphore_mem>>) attributes {dimension_semantics = [#tpu.dimension_semantics<core_parallel>, #tpu.dimension_semantics<subcore_parallel>], iteration_bounds = array<i64: 2, 16>, scalar_prefetch = 0 : i64, scratch_operands = 7 : i64, tpu.core_type = #tpu.core_type<sc_vector_subcore>, window_params = [{transform_indices = #map}, {transform_indices = #map}, {transform_indices = #map}, {transform_indices = #map}, {transform_indices = #map1}]} {
    %mul3A = arith.constant 16 : i32
    %mul3A_0 = arith.muli %arg0, %mul3A : i32
    %add3A = arith.addi %mul3A_0, %arg1 : i32
    %mul3A_1 = arith.constant 640 : i32
    %mul3A_2 = arith.muli %arg1, %mul3A_1 : i32
    "tpu.region"() ({
      %run_scoped3A = tpu.sem_alloc : memref<!tpu.dma_semaphore, #tpu.memory_space<semaphore_mem>>
      %dma_start3A = arith.constant 0 : i32
      %dma_start3A_13 = tpu.memref_slice %arg11[%mul3A_2, %dma_start3A] : memref<10240x128xf32, #tpu.memory_space<vmem_shared>> -> memref<640x128xf32, #tpu.memory_space<vmem_shared>>
      tpu.enqueue_dma source(%arg5 : memref<640x128xf32, #tpu.memory_space<hbm>>) target(%dma_start3A_13 : memref<640x128xf32, #tpu.memory_space<vmem_shared>>) target_semaphore(%run_scoped3A : memref<!tpu.dma_semaphore, #tpu.memory_space<semaphore_mem>>)
      %dma_wait3A = arith.constant 0 : i32
      %dma_wait3A_14 = tpu.memref_slice %arg11[%mul3A_2, %dma_wait3A] : memref<10240x128xf32, #tpu.memory_space<vmem_shared>> -> memref<640x128xf32, #tpu.memory_space<vmem_shared>>
      tpu.wait_dma2 semaphore(%run_scoped3A : memref<!tpu.dma_semaphore, #tpu.memory_space<semaphore_mem>>) src(%arg5 : memref<640x128xf32, #tpu.memory_space<hbm>>) dst(%dma_wait3A_14 : memref<640x128xf32, #tpu.memory_space<vmem_shared>>)
      tpu.yield
    }) : () -> ()
    %barrier3A = arith.constant 0 : index
    tpu.barrier barrier_id(%barrier3A)
    %scan3A = arith.constant 0 : i32
    %scan3A_3 = arith.constant 0 : i32
    %scan3A_4 = arith.constant 5 : i32
    %scan3A_5 = arith.addi %scan3A_3, %scan3A_4 : i32
    %scan3A_6 = arith.constant 1 : i32
    scf.for %scan3A_13 = %scan3A_3 to %scan3A_5 step %scan3A_6  : i32 {
      %mul3A_14 = arith.constant 80 : i32
      %mul3A_15 = arith.muli %add3A, %mul3A_14 : i32
      %mul3A_16 = arith.constant 16 : i32
      %mul3A_17 = arith.muli %scan3A_13, %mul3A_16 : i32
      %add3A_18 = arith.addi %mul3A_15, %mul3A_17 : i32
      "tpu.region"() ({
        %run_scoped3A = tpu.sem_alloc : memref<!tpu.dma_semaphore, #tpu.memory_space<semaphore_mem>>
        %dma_start3A_31 = arith.constant 0 : i32
        %dma_start3A_32 = tpu.memref_slice %arg3[%add3A_18, %dma_start3A_31] : memref<2560x128xi32, #tpu.memory_space<hbm>> -> memref<16x128xi32, #tpu.memory_space<hbm>>
        %dma_start3A_33 = arith.constant 0 : i32
        %dma_start3A_34 = tpu.memref_slice %arg3[%add3A_18, %dma_start3A_33] : memref<2560x128xi32, #tpu.memory_space<hbm>> -> memref<16x128xi32, #tpu.memory_space<hbm>>
        tpu.enqueue_dma source(%dma_start3A_34 : memref<16x128xi32, #tpu.memory_space<hbm>>) target(%arg7 : memref<16x128xi32, #tpu.memory_space<vmem>>) target_semaphore(%run_scoped3A : memref<!tpu.dma_semaphore, #tpu.memory_space<semaphore_mem>>)
        %dma_wait3A = arith.constant 0 : i32
        %dma_wait3A_35 = tpu.memref_slice %arg3[%add3A_18, %dma_wait3A] : memref<2560x128xi32, #tpu.memory_space<hbm>> -> memref<16x128xi32, #tpu.memory_space<hbm>>
        %dma_wait3A_36 = arith.constant 0 : i32
        %dma_wait3A_37 = tpu.memref_slice %arg3[%add3A_18, %dma_wait3A_36] : memref<2560x128xi32, #tpu.memory_space<hbm>> -> memref<16x128xi32, #tpu.memory_space<hbm>>
        tpu.wait_dma2 semaphore(%run_scoped3A : memref<!tpu.dma_semaphore, #tpu.memory_space<semaphore_mem>>) src(%dma_wait3A_37 : memref<16x128xi32, #tpu.memory_space<hbm>>) dst(%arg7 : memref<16x128xi32, #tpu.memory_space<vmem>>)
        tpu.yield
      }) : () -> ()
      "tpu.region"() ({
        %run_scoped3A = tpu.sem_alloc : memref<!tpu.dma_semaphore, #tpu.memory_space<semaphore_mem>>
        %dma_start3A_31 = arith.constant 0 : i32
        %dma_start3A_32 = tpu.memref_slice %arg4[%add3A_18, %dma_start3A_31] : memref<2560x128xi32, #tpu.memory_space<hbm>> -> memref<16x128xi32, #tpu.memory_space<hbm>>
        %dma_start3A_33 = arith.constant 0 : i32
        %dma_start3A_34 = tpu.memref_slice %arg4[%add3A_18, %dma_start3A_33] : memref<2560x128xi32, #tpu.memory_space<hbm>> -> memref<16x128xi32, #tpu.memory_space<hbm>>
        tpu.enqueue_dma source(%dma_start3A_34 : memref<16x128xi32, #tpu.memory_space<hbm>>) target(%arg8 : memref<16x128xi32, #tpu.memory_space<vmem>>) target_semaphore(%run_scoped3A : memref<!tpu.dma_semaphore, #tpu.memory_space<semaphore_mem>>)
        %dma_wait3A = arith.constant 0 : i32
        %dma_wait3A_35 = tpu.memref_slice %arg4[%add3A_18, %dma_wait3A] : memref<2560x128xi32, #tpu.memory_space<hbm>> -> memref<16x128xi32, #tpu.memory_space<hbm>>
        %dma_wait3A_36 = arith.constant 0 : i32
        %dma_wait3A_37 = tpu.memref_slice %arg4[%add3A_18, %dma_wait3A_36] : memref<2560x128xi32, #tpu.memory_space<hbm>> -> memref<16x128xi32, #tpu.memory_space<hbm>>
        tpu.wait_dma2 semaphore(%run_scoped3A : memref<!tpu.dma_semaphore, #tpu.memory_space<semaphore_mem>>) src(%dma_wait3A_37 : memref<16x128xi32, #tpu.memory_space<hbm>>) dst(%arg8 : memref<16x128xi32, #tpu.memory_space<vmem>>)
        tpu.yield
      }) : () -> ()
      %dma_start3A = arith.constant 0 : i32
      %dma_start3A_19 = arith.constant 0 : i32
      %dma_start3A_20 = tpu.memref_slice %arg7[%dma_start3A, %dma_start3A_19] : memref<16x128xi32, #tpu.memory_space<vmem>> -> memref<1x128xi32, #tpu.memory_space<vmem>>
      %dma_start3A_21 = tpu.memref_squeeze %dma_start3A_20 : memref<1x128xi32, #tpu.memory_space<vmem>> -> memref<128xi32, #tpu.memory_space<vmem>>
      %dma_start3A_22 = arith.constant 0 : i32
      %dma_start3A_23 = arith.constant 0 : i32
      %dma_start3A_24 = tpu.memref_slice %arg2[%dma_start3A_22, %dma_start3A_23] : memref<10000x128xf32, #tpu.memory_space<hbm>> -> memref<10000x128xf32, #tpu.memory_space<hbm>>
      tpu.enqueue_indirect_dma source(%dma_start3A_24 : memref<10000x128xf32, #tpu.memory_space<hbm>>) target(%arg9 : memref<128x128xf32, #tpu.memory_space<vmem>>) offsets(%dma_start3A_21 : memref<128xi32, #tpu.memory_space<vmem>>) semaphore(%arg12 : memref<!tpu.dma_semaphore, #tpu.memory_space<semaphore_mem>>)
      %scan3A_25 = arith.constant 0 : i32
      %scan3A_26 = arith.constant 0 : i32
      %scan3A_27 = arith.constant 8 : i32
      %scan3A_28 = arith.addi %scan3A_26, %scan3A_27 : i32
      %scan3A_29 = arith.constant 1 : i32
      scf.for %scan3A_31 = %scan3A_26 to %scan3A_28 step %scan3A_29  : i32 {
        %mul3A_32 = arith.constant 2 : i32
        %mul3A_33 = arith.muli %mul3A_32, %scan3A_31 : i32
        %dma_wait3A = arith.constant 0 : i32
        %dma_wait3A_34 = tpu.memref_slice %arg7[%mul3A_33, %dma_wait3A] : memref<16x128xi32, #tpu.memory_space<vmem>> -> memref<1x128xi32, #tpu.memory_space<vmem>>
        %dma_wait3A_35 = tpu.memref_squeeze %dma_wait3A_34 : memref<1x128xi32, #tpu.memory_space<vmem>> -> memref<128xi32, #tpu.memory_space<vmem>>
        %dma_wait3A_36 = arith.constant 0 : i32
        %dma_wait3A_37 = arith.constant 0 : i32
        %dma_wait3A_38 = tpu.memref_slice %arg2[%dma_wait3A_36, %dma_wait3A_37] : memref<10000x128xf32, #tpu.memory_space<hbm>> -> memref<10000x128xf32, #tpu.memory_space<hbm>>
        tpu.wait_indirect_dma semaphore(%arg12 : memref<!tpu.dma_semaphore, #tpu.memory_space<semaphore_mem>>) src(%dma_wait3A_38 : memref<10000x128xf32, #tpu.memory_space<hbm>>) dst(%arg9 : memref<128x128xf32, #tpu.memory_space<vmem>>)
        %mul3A_39 = arith.constant 2 : i32
        %mul3A_40 = arith.muli %mul3A_39, %scan3A_31 : i32
        %add3A_41 = arith.constant 1 : i32
        %add3A_42 = arith.addi %mul3A_40, %add3A_41 : i32
        %dma_start3A_43 = arith.constant 0 : i32
        %dma_start3A_44 = tpu.memref_slice %arg7[%add3A_42, %dma_start3A_43] : memref<16x128xi32, #tpu.memory_space<vmem>> -> memref<1x128xi32, #tpu.memory_space<vmem>>
        %dma_start3A_45 = tpu.memref_squeeze %dma_start3A_44 : memref<1x128xi32, #tpu.memory_space<vmem>> -> memref<128xi32, #tpu.memory_space<vmem>>
        %dma_start3A_46 = arith.constant 0 : i32
        %dma_start3A_47 = arith.constant 0 : i32
        %dma_start3A_48 = tpu.memref_slice %arg2[%dma_start3A_46, %dma_start3A_47] : memref<10000x128xf32, #tpu.memory_space<hbm>> -> memref<10000x128xf32, #tpu.memory_space<hbm>>
        tpu.enqueue_indirect_dma source(%dma_start3A_48 : memref<10000x128xf32, #tpu.memory_space<hbm>>) target(%arg10 : memref<128x128xf32, #tpu.memory_space<vmem>>) offsets(%dma_start3A_45 : memref<128xi32, #tpu.memory_space<vmem>>) semaphore(%arg13 : memref<!tpu.dma_semaphore, #tpu.memory_space<semaphore_mem>>)
        %mul3A_49 = arith.constant 2 : i32
        %mul3A_50 = arith.muli %mul3A_49, %scan3A_31 : i32
        "tpu.region"() ({
          %run_scoped3A = tpu.sem_alloc : memref<!tpu.dma_semaphore, #tpu.memory_space<semaphore_mem>>
          %dma_start3A_67 = arith.constant 0 : i32
          %dma_start3A_68 = tpu.memref_slice %arg8[%mul3A_50, %dma_start3A_67] : memref<16x128xi32, #tpu.memory_space<vmem>> -> memref<1x128xi32, #tpu.memory_space<vmem>>
          %dma_start3A_69 = tpu.memref_squeeze %dma_start3A_68 : memref<1x128xi32, #tpu.memory_space<vmem>> -> memref<128xi32, #tpu.memory_space<vmem>>
          %dma_start3A_70 = arith.constant 0 : i32
          %dma_start3A_71 = arith.constant 0 : i32
          %dma_start3A_72 = tpu.memref_slice %arg11[%dma_start3A_70, %dma_start3A_71] : memref<10240x128xf32, #tpu.memory_space<vmem_shared>> -> memref<10240x128xf32, #tpu.memory_space<vmem_shared>>
          tpu.enqueue_indirect_dma source(%arg9 : memref<128x128xf32, #tpu.memory_space<vmem>>) target(%dma_start3A_72 : memref<10240x128xf32, #tpu.memory_space<vmem_shared>>) offsets(%dma_start3A_69 : memref<128xi32, #tpu.memory_space<vmem>>) semaphore(%run_scoped3A : memref<!tpu.dma_semaphore, #tpu.memory_space<semaphore_mem>>) {add = true}
          %dma_wait3A_73 = arith.constant 0 : i32
          %dma_wait3A_74 = tpu.memref_slice %arg8[%mul3A_50, %dma_wait3A_73] : memref<16x128xi32, #tpu.memory_space<vmem>> -> memref<1x128xi32, #tpu.memory_space<vmem>>
          %dma_wait3A_75 = tpu.memref_squeeze %dma_wait3A_74 : memref<1x128xi32, #tpu.memory_space<vmem>> -> memref<128xi32, #tpu.memory_space<vmem>>
          %dma_wait3A_76 = arith.constant 0 : i32
          %dma_wait3A_77 = arith.constant 0 : i32
          %dma_wait3A_78 = tpu.memref_slice %arg11[%dma_wait3A_76, %dma_wait3A_77] : memref<10240x128xf32, #tpu.memory_space<vmem_shared>> -> memref<10240x128xf32, #tpu.memory_space<vmem_shared>>
          tpu.wait_indirect_dma semaphore(%run_scoped3A : memref<!tpu.dma_semaphore, #tpu.memory_space<semaphore_mem>>) src(%arg9 : memref<128x128xf32, #tpu.memory_space<vmem>>) dst(%dma_wait3A_78 : memref<10240x128xf32, #tpu.memory_space<vmem_shared>>)
          tpu.yield
        }) : () -> ()
        %mul3A_51 = arith.constant 2 : i32
        %mul3A_52 = arith.muli %mul3A_51, %scan3A_31 : i32
        %add3A_53 = arith.constant 1 : i32
        %add3A_54 = arith.addi %mul3A_52, %add3A_53 : i32
        %dma_wait3A_55 = arith.constant 0 : i32
        %dma_wait3A_56 = tpu.memref_slice %arg7[%add3A_54, %dma_wait3A_55] : memref<16x128xi32, #tpu.memory_space<vmem>> -> memref<1x128xi32, #tpu.memory_space<vmem>>
        %dma_wait3A_57 = tpu.memref_squeeze %dma_wait3A_56 : memref<1x128xi32, #tpu.memory_space<vmem>> -> memref<128xi32, #tpu.memory_space<vmem>>
        %dma_wait3A_58 = arith.constant 0 : i32
        %dma_wait3A_59 = arith.constant 0 : i32
        %dma_wait3A_60 = tpu.memref_slice %arg2[%dma_wait3A_58, %dma_wait3A_59] : memref<10000x128xf32, #tpu.memory_space<hbm>> -> memref<10000x128xf32, #tpu.memory_space<hbm>>
        tpu.wait_indirect_dma semaphore(%arg13 : memref<!tpu.dma_semaphore, #tpu.memory_space<semaphore_mem>>) src(%dma_wait3A_60 : memref<10000x128xf32, #tpu.memory_space<hbm>>) dst(%arg10 : memref<128x128xf32, #tpu.memory_space<vmem>>)
        %lt3A = arith.constant 7 : i32
        %lt3A_61 = arith.cmpi slt, %scan3A_31, %lt3A : i32
        %convert_element_type3A = arith.extui %lt3A_61 : i1 to i32
        %cond3A = arith.constant 0 : i32
        %cond3A_62 = arith.cmpi ne, %convert_element_type3A, %cond3A : i32
        scf.if %cond3A_62 {
          %mul3A_67 = arith.constant 2 : i32
          %mul3A_68 = arith.muli %mul3A_67, %scan3A_31 : i32
          %add3A_69 = arith.constant 2 : i32
          %add3A_70 = arith.addi %mul3A_68, %add3A_69 : i32
          %dma_start3A_71 = arith.constant 0 : i32
          %dma_start3A_72 = tpu.memref_slice %arg7[%add3A_70, %dma_start3A_71] : memref<16x128xi32, #tpu.memory_space<vmem>> -> memref<1x128xi32, #tpu.memory_space<vmem>>
          %dma_start3A_73 = tpu.memref_squeeze %dma_start3A_72 : memref<1x128xi32, #tpu.memory_space<vmem>> -> memref<128xi32, #tpu.memory_space<vmem>>
          %dma_start3A_74 = arith.constant 0 : i32
          %dma_start3A_75 = arith.constant 0 : i32
          %dma_start3A_76 = tpu.memref_slice %arg2[%dma_start3A_74, %dma_start3A_75] : memref<10000x128xf32, #tpu.memory_space<hbm>> -> memref<10000x128xf32, #tpu.memory_space<hbm>>
          tpu.enqueue_indirect_dma source(%dma_start3A_76 : memref<10000x128xf32, #tpu.memory_space<hbm>>) target(%arg9 : memref<128x128xf32, #tpu.memory_space<vmem>>) offsets(%dma_start3A_73 : memref<128xi32, #tpu.memory_space<vmem>>) semaphore(%arg12 : memref<!tpu.dma_semaphore, #tpu.memory_space<semaphore_mem>>)
        } else {
        }
        %mul3A_63 = arith.constant 2 : i32
        %mul3A_64 = arith.muli %mul3A_63, %scan3A_31 : i32
        %add3A_65 = arith.constant 1 : i32
        %add3A_66 = arith.addi %mul3A_64, %add3A_65 : i32
        "tpu.region"() ({
          %run_scoped3A = tpu.sem_alloc : memref<!tpu.dma_semaphore, #tpu.memory_space<semaphore_mem>>
          %dma_start3A_67 = arith.constant 0 : i32
          %dma_start3A_68 = tpu.memref_slice %arg8[%add3A_66, %dma_start3A_67] : memref<16x128xi32, #tpu.memory_space<vmem>> -> memref<1x128xi32, #tpu.memory_space<vmem>>
          %dma_start3A_69 = tpu.memref_squeeze %dma_start3A_68 : memref<1x128xi32, #tpu.memory_space<vmem>> -> memref<128xi32, #tpu.memory_space<vmem>>
          %dma_start3A_70 = arith.constant 0 : i32
          %dma_start3A_71 = arith.constant 0 : i32
          %dma_start3A_72 = tpu.memref_slice %arg11[%dma_start3A_70, %dma_start3A_71] : memref<10240x128xf32, #tpu.memory_space<vmem_shared>> -> memref<10240x128xf32, #tpu.memory_space<vmem_shared>>
          tpu.enqueue_indirect_dma source(%arg10 : memref<128x128xf32, #tpu.memory_space<vmem>>) target(%dma_start3A_72 : memref<10240x128xf32, #tpu.memory_space<vmem_shared>>) offsets(%dma_start3A_69 : memref<128xi32, #tpu.memory_space<vmem>>) semaphore(%run_scoped3A : memref<!tpu.dma_semaphore, #tpu.memory_space<semaphore_mem>>) {add = true}
          %dma_wait3A_73 = arith.constant 0 : i32
          %dma_wait3A_74 = tpu.memref_slice %arg8[%add3A_66, %dma_wait3A_73] : memref<16x128xi32, #tpu.memory_space<vmem>> -> memref<1x128xi32, #tpu.memory_space<vmem>>
          %dma_wait3A_75 = tpu.memref_squeeze %dma_wait3A_74 : memref<1x128xi32, #tpu.memory_space<vmem>> -> memref<128xi32, #tpu.memory_space<vmem>>
          %dma_wait3A_76 = arith.constant 0 : i32
          %dma_wait3A_77 = arith.constant 0 : i32
          %dma_wait3A_78 = tpu.memref_slice %arg11[%dma_wait3A_76, %dma_wait3A_77] : memref<10240x128xf32, #tpu.memory_space<vmem_shared>> -> memref<10240x128xf32, #tpu.memory_space<vmem_shared>>
          tpu.wait_indirect_dma semaphore(%run_scoped3A : memref<!tpu.dma_semaphore, #tpu.memory_space<semaphore_mem>>) src(%arg10 : memref<128x128xf32, #tpu.memory_space<vmem>>) dst(%dma_wait3A_78 : memref<10240x128xf32, #tpu.memory_space<vmem_shared>>)
          tpu.yield
        }) : () -> ()
      }
      %scan3A_30 = arith.constant 8 : i32
    }
    %scan3A_7 = arith.constant 5 : i32
    %barrier3A_8 = arith.constant 0 : index
    tpu.barrier barrier_id(%barrier3A_8)
    %mul3A_9 = arith.constant 640 : i32
    %mul3A_10 = arith.muli %arg1, %mul3A_9 : i32
    %mul3A_11 = arith.constant 640 : i32
    %mul3A_12 = arith.muli %arg1, %mul3A_11 : i32
    "tpu.region"() ({
      %run_scoped3A = tpu.sem_alloc : memref<!tpu.dma_semaphore, #tpu.memory_space<semaphore_mem>>
      %dma_start3A = arith.constant 0 : i32
      %dma_start3A_13 = tpu.memref_slice %arg6[%arg0, %mul3A_12, %dma_start3A] : memref<2x10240x128xf32, #tpu.memory_space<hbm>> -> memref<1x640x128xf32, #tpu.memory_space<hbm>>
      %dma_start3A_14 = tpu.memref_squeeze %dma_start3A_13 : memref<1x640x128xf32, #tpu.memory_space<hbm>> -> memref<640x128xf32, #tpu.memory_space<hbm>>
      %dma_start3A_15 = arith.constant 0 : i32
      %dma_start3A_16 = tpu.memref_slice %arg11[%mul3A_10, %dma_start3A_15] : memref<10240x128xf32, #tpu.memory_space<vmem_shared>> -> memref<640x128xf32, #tpu.memory_space<vmem_shared>>
      tpu.enqueue_dma source(%dma_start3A_16 : memref<640x128xf32, #tpu.memory_space<vmem_shared>>) target(%dma_start3A_14 : memref<640x128xf32, #tpu.memory_space<hbm>>) target_semaphore(%run_scoped3A : memref<!tpu.dma_semaphore, #tpu.memory_space<semaphore_mem>>)
      %dma_wait3A = arith.constant 0 : i32
      %dma_wait3A_17 = tpu.memref_slice %arg6[%arg0, %mul3A_12, %dma_wait3A] : memref<2x10240x128xf32, #tpu.memory_space<hbm>> -> memref<1x640x128xf32, #tpu.memory_space<hbm>>
      %dma_wait3A_18 = tpu.memref_squeeze %dma_wait3A_17 : memref<1x640x128xf32, #tpu.memory_space<hbm>> -> memref<640x128xf32, #tpu.memory_space<hbm>>
      %dma_wait3A_19 = arith.constant 0 : i32
      %dma_wait3A_20 = tpu.memref_slice %arg11[%mul3A_10, %dma_wait3A_19] : memref<10240x128xf32, #tpu.memory_space<vmem_shared>> -> memref<640x128xf32, #tpu.memory_space<vmem_shared>>
      tpu.wait_dma2 semaphore(%run_scoped3A : memref<!tpu.dma_semaphore, #tpu.memory_space<semaphore_mem>>) src(%dma_wait3A_20 : memref<640x128xf32, #tpu.memory_space<vmem_shared>>) dst(%dma_wait3A_18 : memref<640x128xf32, #tpu.memory_space<hbm>>)
      tpu.yield
    }) : () -> ()
    return
  }
}

#map = affine_map<(d0, d1) -> (0, 0)>
#map1 = affine_map<(d0, d1) -> (0, 0, 0)>
module attributes {stable_mosaic.version = 14 : i64} {
  func.func @_sc_cnt(%arg0: i32, %arg1: i32, %arg2: memref<2560x128xi32, #tpu.memory_space<hbm>>, %arg3: memref<640x128xf32, #tpu.memory_space<hbm>>, %arg4: memref<128x128xf32, #tpu.memory_space<hbm>>, %arg5: memref<2x10240x128xf32, #tpu.memory_space<hbm>>, %arg6: memref<80x128xi32, #tpu.memory_space<vmem>>, %arg7: memref<128x128xf32, #tpu.memory_space<vmem>>, %arg8: memref<10240x128xf32, #tpu.memory_space<vmem_shared>>) attributes {dimension_semantics = [#tpu.dimension_semantics<core_parallel>, #tpu.dimension_semantics<subcore_parallel>], iteration_bounds = array<i64: 2, 16>, scalar_prefetch = 0 : i64, scratch_operands = 3 : i64, tpu.core_type = #tpu.core_type<sc_vector_subcore>, window_params = [{transform_indices = #map}, {transform_indices = #map}, {transform_indices = #map}, {transform_indices = #map1}]} {
    %mul3A = arith.constant 16 : i32
    %mul3A_0 = arith.muli %arg0, %mul3A : i32
    %add3A = arith.addi %mul3A_0, %arg1 : i32
    %mul3A_1 = arith.constant 640 : i32
    %mul3A_2 = arith.muli %arg1, %mul3A_1 : i32
    "tpu.region"() ({
      %run_scoped3A = tpu.sem_alloc : memref<!tpu.dma_semaphore, #tpu.memory_space<semaphore_mem>>
      %dma_start3A = arith.constant 0 : i32
      %dma_start3A_15 = tpu.memref_slice %arg8[%mul3A_2, %dma_start3A] : memref<10240x128xf32, #tpu.memory_space<vmem_shared>> -> memref<640x128xf32, #tpu.memory_space<vmem_shared>>
      tpu.enqueue_dma source(%arg3 : memref<640x128xf32, #tpu.memory_space<hbm>>) target(%dma_start3A_15 : memref<640x128xf32, #tpu.memory_space<vmem_shared>>) target_semaphore(%run_scoped3A : memref<!tpu.dma_semaphore, #tpu.memory_space<semaphore_mem>>)
      %dma_wait3A = arith.constant 0 : i32
      %dma_wait3A_16 = tpu.memref_slice %arg8[%mul3A_2, %dma_wait3A] : memref<10240x128xf32, #tpu.memory_space<vmem_shared>> -> memref<640x128xf32, #tpu.memory_space<vmem_shared>>
      tpu.wait_dma2 semaphore(%run_scoped3A : memref<!tpu.dma_semaphore, #tpu.memory_space<semaphore_mem>>) src(%arg3 : memref<640x128xf32, #tpu.memory_space<hbm>>) dst(%dma_wait3A_16 : memref<640x128xf32, #tpu.memory_space<vmem_shared>>)
      tpu.yield
    }) : () -> ()
    "tpu.region"() ({
      %run_scoped3A = tpu.sem_alloc : memref<!tpu.dma_semaphore, #tpu.memory_space<semaphore_mem>>
      tpu.enqueue_dma source(%arg4 : memref<128x128xf32, #tpu.memory_space<hbm>>) target(%arg7 : memref<128x128xf32, #tpu.memory_space<vmem>>) target_semaphore(%run_scoped3A : memref<!tpu.dma_semaphore, #tpu.memory_space<semaphore_mem>>)
      tpu.wait_dma2 semaphore(%run_scoped3A : memref<!tpu.dma_semaphore, #tpu.memory_space<semaphore_mem>>) src(%arg4 : memref<128x128xf32, #tpu.memory_space<hbm>>) dst(%arg7 : memref<128x128xf32, #tpu.memory_space<vmem>>)
      tpu.yield
    }) : () -> ()
    %mul3A_3 = arith.constant 80 : i32
    %mul3A_4 = arith.muli %add3A, %mul3A_3 : i32
    "tpu.region"() ({
      %run_scoped3A = tpu.sem_alloc : memref<!tpu.dma_semaphore, #tpu.memory_space<semaphore_mem>>
      %dma_start3A = arith.constant 0 : i32
      %dma_start3A_15 = tpu.memref_slice %arg2[%mul3A_4, %dma_start3A] : memref<2560x128xi32, #tpu.memory_space<hbm>> -> memref<80x128xi32, #tpu.memory_space<hbm>>
      %dma_start3A_16 = arith.constant 0 : i32
      %dma_start3A_17 = tpu.memref_slice %arg2[%mul3A_4, %dma_start3A_16] : memref<2560x128xi32, #tpu.memory_space<hbm>> -> memref<80x128xi32, #tpu.memory_space<hbm>>
      tpu.enqueue_dma source(%dma_start3A_17 : memref<80x128xi32, #tpu.memory_space<hbm>>) target(%arg6 : memref<80x128xi32, #tpu.memory_space<vmem>>) target_semaphore(%run_scoped3A : memref<!tpu.dma_semaphore, #tpu.memory_space<semaphore_mem>>)
      %dma_wait3A = arith.constant 0 : i32
      %dma_wait3A_18 = tpu.memref_slice %arg2[%mul3A_4, %dma_wait3A] : memref<2560x128xi32, #tpu.memory_space<hbm>> -> memref<80x128xi32, #tpu.memory_space<hbm>>
      %dma_wait3A_19 = arith.constant 0 : i32
      %dma_wait3A_20 = tpu.memref_slice %arg2[%mul3A_4, %dma_wait3A_19] : memref<2560x128xi32, #tpu.memory_space<hbm>> -> memref<80x128xi32, #tpu.memory_space<hbm>>
      tpu.wait_dma2 semaphore(%run_scoped3A : memref<!tpu.dma_semaphore, #tpu.memory_space<semaphore_mem>>) src(%dma_wait3A_20 : memref<80x128xi32, #tpu.memory_space<hbm>>) dst(%arg6 : memref<80x128xi32, #tpu.memory_space<vmem>>)
      tpu.yield
    }) : () -> ()
    %barrier3A = arith.constant 0 : index
    tpu.barrier barrier_id(%barrier3A)
    %scan3A = arith.constant 0 : i32
    %scan3A_5 = arith.constant 0 : i32
    %scan3A_6 = arith.constant 80 : i32
    %scan3A_7 = arith.addi %scan3A_5, %scan3A_6 : i32
    %scan3A_8 = arith.constant 1 : i32
    scf.for %scan3A_15 = %scan3A_5 to %scan3A_7 step %scan3A_8  : i32 {
      "tpu.region"() ({
        %run_scoped3A = tpu.sem_alloc : memref<!tpu.dma_semaphore, #tpu.memory_space<semaphore_mem>>
        %dma_start3A = arith.constant 0 : i32
        %dma_start3A_16 = tpu.memref_slice %arg6[%scan3A_15, %dma_start3A] : memref<80x128xi32, #tpu.memory_space<vmem>> -> memref<1x128xi32, #tpu.memory_space<vmem>>
        %dma_start3A_17 = tpu.memref_squeeze %dma_start3A_16 : memref<1x128xi32, #tpu.memory_space<vmem>> -> memref<128xi32, #tpu.memory_space<vmem>>
        %dma_start3A_18 = arith.constant 0 : i32
        %dma_start3A_19 = arith.constant 0 : i32
        %dma_start3A_20 = tpu.memref_slice %arg8[%dma_start3A_18, %dma_start3A_19] : memref<10240x128xf32, #tpu.memory_space<vmem_shared>> -> memref<10240x128xf32, #tpu.memory_space<vmem_shared>>
        tpu.enqueue_indirect_dma source(%arg7 : memref<128x128xf32, #tpu.memory_space<vmem>>) target(%dma_start3A_20 : memref<10240x128xf32, #tpu.memory_space<vmem_shared>>) offsets(%dma_start3A_17 : memref<128xi32, #tpu.memory_space<vmem>>) semaphore(%run_scoped3A : memref<!tpu.dma_semaphore, #tpu.memory_space<semaphore_mem>>) {add = true}
        %dma_wait3A = arith.constant 0 : i32
        %dma_wait3A_21 = tpu.memref_slice %arg6[%scan3A_15, %dma_wait3A] : memref<80x128xi32, #tpu.memory_space<vmem>> -> memref<1x128xi32, #tpu.memory_space<vmem>>
        %dma_wait3A_22 = tpu.memref_squeeze %dma_wait3A_21 : memref<1x128xi32, #tpu.memory_space<vmem>> -> memref<128xi32, #tpu.memory_space<vmem>>
        %dma_wait3A_23 = arith.constant 0 : i32
        %dma_wait3A_24 = arith.constant 0 : i32
        %dma_wait3A_25 = tpu.memref_slice %arg8[%dma_wait3A_23, %dma_wait3A_24] : memref<10240x128xf32, #tpu.memory_space<vmem_shared>> -> memref<10240x128xf32, #tpu.memory_space<vmem_shared>>
        tpu.wait_indirect_dma semaphore(%run_scoped3A : memref<!tpu.dma_semaphore, #tpu.memory_space<semaphore_mem>>) src(%arg7 : memref<128x128xf32, #tpu.memory_space<vmem>>) dst(%dma_wait3A_25 : memref<10240x128xf32, #tpu.memory_space<vmem_shared>>)
        tpu.yield
      }) : () -> ()
    }
    %scan3A_9 = arith.constant 80 : i32
    %barrier3A_10 = arith.constant 0 : index
    tpu.barrier barrier_id(%barrier3A_10)
    %mul3A_11 = arith.constant 640 : i32
    %mul3A_12 = arith.muli %arg1, %mul3A_11 : i32
    %mul3A_13 = arith.constant 640 : i32
    %mul3A_14 = arith.muli %arg1, %mul3A_13 : i32
    "tpu.region"() ({
      %run_scoped3A = tpu.sem_alloc : memref<!tpu.dma_semaphore, #tpu.memory_space<semaphore_mem>>
      %dma_start3A = arith.constant 0 : i32
      %dma_start3A_15 = tpu.memref_slice %arg5[%arg0, %mul3A_14, %dma_start3A] : memref<2x10240x128xf32, #tpu.memory_space<hbm>> -> memref<1x640x128xf32, #tpu.memory_space<hbm>>
      %dma_start3A_16 = tpu.memref_squeeze %dma_start3A_15 : memref<1x640x128xf32, #tpu.memory_space<hbm>> -> memref<640x128xf32, #tpu.memory_space<hbm>>
      %dma_start3A_17 = arith.constant 0 : i32
      %dma_start3A_18 = tpu.memref_slice %arg8[%mul3A_12, %dma_start3A_17] : memref<10240x128xf32, #tpu.memory_space<vmem_shared>> -> memref<640x128xf32, #tpu.memory_space<vmem_shared>>
      tpu.enqueue_dma source(%dma_start3A_18 : memref<640x128xf32, #tpu.memory_space<vmem_shared>>) target(%dma_start3A_16 : memref<640x128xf32, #tpu.memory_space<hbm>>) target_semaphore(%run_scoped3A : memref<!tpu.dma_semaphore, #tpu.memory_space<semaphore_mem>>)
      %dma_wait3A = arith.constant 0 : i32
      %dma_wait3A_19 = tpu.memref_slice %arg5[%arg0, %mul3A_14, %dma_wait3A] : memref<2x10240x128xf32, #tpu.memory_space<hbm>> -> memref<1x640x128xf32, #tpu.memory_space<hbm>>
      %dma_wait3A_20 = tpu.memref_squeeze %dma_wait3A_19 : memref<1x640x128xf32, #tpu.memory_space<hbm>> -> memref<640x128xf32, #tpu.memory_space<hbm>>
      %dma_wait3A_21 = arith.constant 0 : i32
      %dma_wait3A_22 = tpu.memref_slice %arg8[%mul3A_12, %dma_wait3A_21] : memref<10240x128xf32, #tpu.memory_space<vmem_shared>> -> memref<640x128xf32, #tpu.memory_space<vmem_shared>>
      tpu.wait_dma2 semaphore(%run_scoped3A : memref<!tpu.dma_semaphore, #tpu.memory_space<semaphore_mem>>) src(%dma_wait3A_22 : memref<640x128xf32, #tpu.memory_space<vmem_shared>>) dst(%dma_wait3A_20 : memref<640x128xf32, #tpu.memory_space<hbm>>)
      tpu.yield
    }) : () -> ()
    return
  }
}

#map = affine_map<(d0, d1) -> (0, 0)>
#map1 = affine_map<(d0, d1) -> (0, 0, 0)>
module attributes {stable_mosaic.version = 14 : i64} {
  func.func @_sc_agg(%arg0: i32, %arg1: i32, %arg2: memref<10000x128xf32, #tpu.memory_space<hbm>>, %arg3: memref<2560x128xi32, #tpu.memory_space<hbm>>, %arg4: memref<2560x128xi32, #tpu.memory_space<hbm>>, %arg5: memref<640x128xf32, #tpu.memory_space<hbm>>, %arg6: memref<2x10240x128xf32, #tpu.memory_space<hbm>>, %arg7: memref<16x128xi32, #tpu.memory_space<vmem>>, %arg8: memref<16x128xi32, #tpu.memory_space<vmem>>, %arg9: memref<128x128xf32, #tpu.memory_space<vmem>>, %arg10: memref<128x128xf32, #tpu.memory_space<vmem>>, %arg11: memref<10240x128xf32, #tpu.memory_space<vmem_shared>>, %arg12: memref<!tpu.dma_semaphore, #tpu.memory_space<semaphore_mem>>, %arg13: memref<!tpu.dma_semaphore, #tpu.memory_space<semaphore_mem>>) attributes {dimension_semantics = [#tpu.dimension_semantics<core_parallel>, #tpu.dimension_semantics<subcore_parallel>], iteration_bounds = array<i64: 2, 16>, scalar_prefetch = 0 : i64, scratch_operands = 7 : i64, tpu.core_type = #tpu.core_type<sc_vector_subcore>, window_params = [{transform_indices = #map}, {transform_indices = #map}, {transform_indices = #map}, {transform_indices = #map}, {transform_indices = #map1}]} {
    %mul3A = arith.constant 16 : i32
    %mul3A_0 = arith.muli %arg0, %mul3A : i32
    %add3A = arith.addi %mul3A_0, %arg1 : i32
    %mul3A_1 = arith.constant 640 : i32
    %mul3A_2 = arith.muli %arg1, %mul3A_1 : i32
    "tpu.region"() ({
      %run_scoped3A = tpu.sem_alloc : memref<!tpu.dma_semaphore, #tpu.memory_space<semaphore_mem>>
      %dma_start3A = arith.constant 0 : i32
      %dma_start3A_13 = tpu.memref_slice %arg11[%mul3A_2, %dma_start3A] : memref<10240x128xf32, #tpu.memory_space<vmem_shared>> -> memref<640x128xf32, #tpu.memory_space<vmem_shared>>
      tpu.enqueue_dma source(%arg5 : memref<640x128xf32, #tpu.memory_space<hbm>>) target(%dma_start3A_13 : memref<640x128xf32, #tpu.memory_space<vmem_shared>>) target_semaphore(%run_scoped3A : memref<!tpu.dma_semaphore, #tpu.memory_space<semaphore_mem>>)
      %dma_wait3A = arith.constant 0 : i32
      %dma_wait3A_14 = tpu.memref_slice %arg11[%mul3A_2, %dma_wait3A] : memref<10240x128xf32, #tpu.memory_space<vmem_shared>> -> memref<640x128xf32, #tpu.memory_space<vmem_shared>>
      tpu.wait_dma2 semaphore(%run_scoped3A : memref<!tpu.dma_semaphore, #tpu.memory_space<semaphore_mem>>) src(%arg5 : memref<640x128xf32, #tpu.memory_space<hbm>>) dst(%dma_wait3A_14 : memref<640x128xf32, #tpu.memory_space<vmem_shared>>)
      tpu.yield
    }) : () -> ()
    %barrier3A = arith.constant 0 : index
    tpu.barrier barrier_id(%barrier3A)
    %scan3A = arith.constant 0 : i32
    %scan3A_3 = arith.constant 0 : i32
    %scan3A_4 = arith.constant 5 : i32
    %scan3A_5 = arith.addi %scan3A_3, %scan3A_4 : i32
    %scan3A_6 = arith.constant 1 : i32
    scf.for %scan3A_13 = %scan3A_3 to %scan3A_5 step %scan3A_6  : i32 {
      %mul3A_14 = arith.constant 80 : i32
      %mul3A_15 = arith.muli %add3A, %mul3A_14 : i32
      %mul3A_16 = arith.constant 16 : i32
      %mul3A_17 = arith.muli %scan3A_13, %mul3A_16 : i32
      %add3A_18 = arith.addi %mul3A_15, %mul3A_17 : i32
      "tpu.region"() ({
        %run_scoped3A = tpu.sem_alloc : memref<!tpu.dma_semaphore, #tpu.memory_space<semaphore_mem>>
        %dma_start3A_31 = arith.constant 0 : i32
        %dma_start3A_32 = tpu.memref_slice %arg3[%add3A_18, %dma_start3A_31] : memref<2560x128xi32, #tpu.memory_space<hbm>> -> memref<16x128xi32, #tpu.memory_space<hbm>>
        %dma_start3A_33 = arith.constant 0 : i32
        %dma_start3A_34 = tpu.memref_slice %arg3[%add3A_18, %dma_start3A_33] : memref<2560x128xi32, #tpu.memory_space<hbm>> -> memref<16x128xi32, #tpu.memory_space<hbm>>
        tpu.enqueue_dma source(%dma_start3A_34 : memref<16x128xi32, #tpu.memory_space<hbm>>) target(%arg7 : memref<16x128xi32, #tpu.memory_space<vmem>>) target_semaphore(%run_scoped3A : memref<!tpu.dma_semaphore, #tpu.memory_space<semaphore_mem>>)
        %dma_wait3A = arith.constant 0 : i32
        %dma_wait3A_35 = tpu.memref_slice %arg3[%add3A_18, %dma_wait3A] : memref<2560x128xi32, #tpu.memory_space<hbm>> -> memref<16x128xi32, #tpu.memory_space<hbm>>
        %dma_wait3A_36 = arith.constant 0 : i32
        %dma_wait3A_37 = tpu.memref_slice %arg3[%add3A_18, %dma_wait3A_36] : memref<2560x128xi32, #tpu.memory_space<hbm>> -> memref<16x128xi32, #tpu.memory_space<hbm>>
        tpu.wait_dma2 semaphore(%run_scoped3A : memref<!tpu.dma_semaphore, #tpu.memory_space<semaphore_mem>>) src(%dma_wait3A_37 : memref<16x128xi32, #tpu.memory_space<hbm>>) dst(%arg7 : memref<16x128xi32, #tpu.memory_space<vmem>>)
        tpu.yield
      }) : () -> ()
      "tpu.region"() ({
        %run_scoped3A = tpu.sem_alloc : memref<!tpu.dma_semaphore, #tpu.memory_space<semaphore_mem>>
        %dma_start3A_31 = arith.constant 0 : i32
        %dma_start3A_32 = tpu.memref_slice %arg4[%add3A_18, %dma_start3A_31] : memref<2560x128xi32, #tpu.memory_space<hbm>> -> memref<16x128xi32, #tpu.memory_space<hbm>>
        %dma_start3A_33 = arith.constant 0 : i32
        %dma_start3A_34 = tpu.memref_slice %arg4[%add3A_18, %dma_start3A_33] : memref<2560x128xi32, #tpu.memory_space<hbm>> -> memref<16x128xi32, #tpu.memory_space<hbm>>
        tpu.enqueue_dma source(%dma_start3A_34 : memref<16x128xi32, #tpu.memory_space<hbm>>) target(%arg8 : memref<16x128xi32, #tpu.memory_space<vmem>>) target_semaphore(%run_scoped3A : memref<!tpu.dma_semaphore, #tpu.memory_space<semaphore_mem>>)
        %dma_wait3A = arith.constant 0 : i32
        %dma_wait3A_35 = tpu.memref_slice %arg4[%add3A_18, %dma_wait3A] : memref<2560x128xi32, #tpu.memory_space<hbm>> -> memref<16x128xi32, #tpu.memory_space<hbm>>
        %dma_wait3A_36 = arith.constant 0 : i32
        %dma_wait3A_37 = tpu.memref_slice %arg4[%add3A_18, %dma_wait3A_36] : memref<2560x128xi32, #tpu.memory_space<hbm>> -> memref<16x128xi32, #tpu.memory_space<hbm>>
        tpu.wait_dma2 semaphore(%run_scoped3A : memref<!tpu.dma_semaphore, #tpu.memory_space<semaphore_mem>>) src(%dma_wait3A_37 : memref<16x128xi32, #tpu.memory_space<hbm>>) dst(%arg8 : memref<16x128xi32, #tpu.memory_space<vmem>>)
        tpu.yield
      }) : () -> ()
      %dma_start3A = arith.constant 0 : i32
      %dma_start3A_19 = arith.constant 0 : i32
      %dma_start3A_20 = tpu.memref_slice %arg7[%dma_start3A, %dma_start3A_19] : memref<16x128xi32, #tpu.memory_space<vmem>> -> memref<1x128xi32, #tpu.memory_space<vmem>>
      %dma_start3A_21 = tpu.memref_squeeze %dma_start3A_20 : memref<1x128xi32, #tpu.memory_space<vmem>> -> memref<128xi32, #tpu.memory_space<vmem>>
      %dma_start3A_22 = arith.constant 0 : i32
      %dma_start3A_23 = arith.constant 0 : i32
      %dma_start3A_24 = tpu.memref_slice %arg2[%dma_start3A_22, %dma_start3A_23] : memref<10000x128xf32, #tpu.memory_space<hbm>> -> memref<10000x128xf32, #tpu.memory_space<hbm>>
      tpu.enqueue_indirect_dma source(%dma_start3A_24 : memref<10000x128xf32, #tpu.memory_space<hbm>>) target(%arg9 : memref<128x128xf32, #tpu.memory_space<vmem>>) offsets(%dma_start3A_21 : memref<128xi32, #tpu.memory_space<vmem>>) semaphore(%arg12 : memref<!tpu.dma_semaphore, #tpu.memory_space<semaphore_mem>>)
      %scan3A_25 = arith.constant 0 : i32
      %scan3A_26 = arith.constant 0 : i32
      %scan3A_27 = arith.constant 8 : i32
      %scan3A_28 = arith.addi %scan3A_26, %scan3A_27 : i32
      %scan3A_29 = arith.constant 1 : i32
      scf.for %scan3A_31 = %scan3A_26 to %scan3A_28 step %scan3A_29  : i32 {
        %mul3A_32 = arith.constant 2 : i32
        %mul3A_33 = arith.muli %mul3A_32, %scan3A_31 : i32
        %dma_wait3A = arith.constant 0 : i32
        %dma_wait3A_34 = tpu.memref_slice %arg7[%mul3A_33, %dma_wait3A] : memref<16x128xi32, #tpu.memory_space<vmem>> -> memref<1x128xi32, #tpu.memory_space<vmem>>
        %dma_wait3A_35 = tpu.memref_squeeze %dma_wait3A_34 : memref<1x128xi32, #tpu.memory_space<vmem>> -> memref<128xi32, #tpu.memory_space<vmem>>
        %dma_wait3A_36 = arith.constant 0 : i32
        %dma_wait3A_37 = arith.constant 0 : i32
        %dma_wait3A_38 = tpu.memref_slice %arg2[%dma_wait3A_36, %dma_wait3A_37] : memref<10000x128xf32, #tpu.memory_space<hbm>> -> memref<10000x128xf32, #tpu.memory_space<hbm>>
        tpu.wait_indirect_dma semaphore(%arg12 : memref<!tpu.dma_semaphore, #tpu.memory_space<semaphore_mem>>) src(%dma_wait3A_38 : memref<10000x128xf32, #tpu.memory_space<hbm>>) dst(%arg9 : memref<128x128xf32, #tpu.memory_space<vmem>>)
        %mul3A_39 = arith.constant 2 : i32
        %mul3A_40 = arith.muli %mul3A_39, %scan3A_31 : i32
        %add3A_41 = arith.constant 1 : i32
        %add3A_42 = arith.addi %mul3A_40, %add3A_41 : i32
        %dma_start3A_43 = arith.constant 0 : i32
        %dma_start3A_44 = tpu.memref_slice %arg7[%add3A_42, %dma_start3A_43] : memref<16x128xi32, #tpu.memory_space<vmem>> -> memref<1x128xi32, #tpu.memory_space<vmem>>
        %dma_start3A_45 = tpu.memref_squeeze %dma_start3A_44 : memref<1x128xi32, #tpu.memory_space<vmem>> -> memref<128xi32, #tpu.memory_space<vmem>>
        %dma_start3A_46 = arith.constant 0 : i32
        %dma_start3A_47 = arith.constant 0 : i32
        %dma_start3A_48 = tpu.memref_slice %arg2[%dma_start3A_46, %dma_start3A_47] : memref<10000x128xf32, #tpu.memory_space<hbm>> -> memref<10000x128xf32, #tpu.memory_space<hbm>>
        tpu.enqueue_indirect_dma source(%dma_start3A_48 : memref<10000x128xf32, #tpu.memory_space<hbm>>) target(%arg10 : memref<128x128xf32, #tpu.memory_space<vmem>>) offsets(%dma_start3A_45 : memref<128xi32, #tpu.memory_space<vmem>>) semaphore(%arg13 : memref<!tpu.dma_semaphore, #tpu.memory_space<semaphore_mem>>)
        %mul3A_49 = arith.constant 2 : i32
        %mul3A_50 = arith.muli %mul3A_49, %scan3A_31 : i32
        "tpu.region"() ({
          %run_scoped3A = tpu.sem_alloc : memref<!tpu.dma_semaphore, #tpu.memory_space<semaphore_mem>>
          %dma_start3A_67 = arith.constant 0 : i32
          %dma_start3A_68 = tpu.memref_slice %arg8[%mul3A_50, %dma_start3A_67] : memref<16x128xi32, #tpu.memory_space<vmem>> -> memref<1x128xi32, #tpu.memory_space<vmem>>
          %dma_start3A_69 = tpu.memref_squeeze %dma_start3A_68 : memref<1x128xi32, #tpu.memory_space<vmem>> -> memref<128xi32, #tpu.memory_space<vmem>>
          %dma_start3A_70 = arith.constant 0 : i32
          %dma_start3A_71 = arith.constant 0 : i32
          %dma_start3A_72 = tpu.memref_slice %arg11[%dma_start3A_70, %dma_start3A_71] : memref<10240x128xf32, #tpu.memory_space<vmem_shared>> -> memref<10240x128xf32, #tpu.memory_space<vmem_shared>>
          tpu.enqueue_indirect_dma source(%arg9 : memref<128x128xf32, #tpu.memory_space<vmem>>) target(%dma_start3A_72 : memref<10240x128xf32, #tpu.memory_space<vmem_shared>>) offsets(%dma_start3A_69 : memref<128xi32, #tpu.memory_space<vmem>>) semaphore(%run_scoped3A : memref<!tpu.dma_semaphore, #tpu.memory_space<semaphore_mem>>) {add = true}
          %dma_wait3A_73 = arith.constant 0 : i32
          %dma_wait3A_74 = tpu.memref_slice %arg8[%mul3A_50, %dma_wait3A_73] : memref<16x128xi32, #tpu.memory_space<vmem>> -> memref<1x128xi32, #tpu.memory_space<vmem>>
          %dma_wait3A_75 = tpu.memref_squeeze %dma_wait3A_74 : memref<1x128xi32, #tpu.memory_space<vmem>> -> memref<128xi32, #tpu.memory_space<vmem>>
          %dma_wait3A_76 = arith.constant 0 : i32
          %dma_wait3A_77 = arith.constant 0 : i32
          %dma_wait3A_78 = tpu.memref_slice %arg11[%dma_wait3A_76, %dma_wait3A_77] : memref<10240x128xf32, #tpu.memory_space<vmem_shared>> -> memref<10240x128xf32, #tpu.memory_space<vmem_shared>>
          tpu.wait_indirect_dma semaphore(%run_scoped3A : memref<!tpu.dma_semaphore, #tpu.memory_space<semaphore_mem>>) src(%arg9 : memref<128x128xf32, #tpu.memory_space<vmem>>) dst(%dma_wait3A_78 : memref<10240x128xf32, #tpu.memory_space<vmem_shared>>)
          tpu.yield
        }) : () -> ()
        %mul3A_51 = arith.constant 2 : i32
        %mul3A_52 = arith.muli %mul3A_51, %scan3A_31 : i32
        %add3A_53 = arith.constant 1 : i32
        %add3A_54 = arith.addi %mul3A_52, %add3A_53 : i32
        %dma_wait3A_55 = arith.constant 0 : i32
        %dma_wait3A_56 = tpu.memref_slice %arg7[%add3A_54, %dma_wait3A_55] : memref<16x128xi32, #tpu.memory_space<vmem>> -> memref<1x128xi32, #tpu.memory_space<vmem>>
        %dma_wait3A_57 = tpu.memref_squeeze %dma_wait3A_56 : memref<1x128xi32, #tpu.memory_space<vmem>> -> memref<128xi32, #tpu.memory_space<vmem>>
        %dma_wait3A_58 = arith.constant 0 : i32
        %dma_wait3A_59 = arith.constant 0 : i32
        %dma_wait3A_60 = tpu.memref_slice %arg2[%dma_wait3A_58, %dma_wait3A_59] : memref<10000x128xf32, #tpu.memory_space<hbm>> -> memref<10000x128xf32, #tpu.memory_space<hbm>>
        tpu.wait_indirect_dma semaphore(%arg13 : memref<!tpu.dma_semaphore, #tpu.memory_space<semaphore_mem>>) src(%dma_wait3A_60 : memref<10000x128xf32, #tpu.memory_space<hbm>>) dst(%arg10 : memref<128x128xf32, #tpu.memory_space<vmem>>)
        %lt3A = arith.constant 7 : i32
        %lt3A_61 = arith.cmpi slt, %scan3A_31, %lt3A : i32
        %convert_element_type3A = arith.extui %lt3A_61 : i1 to i32
        %cond3A = arith.constant 0 : i32
        %cond3A_62 = arith.cmpi ne, %convert_element_type3A, %cond3A : i32
        scf.if %cond3A_62 {
          %mul3A_67 = arith.constant 2 : i32
          %mul3A_68 = arith.muli %mul3A_67, %scan3A_31 : i32
          %add3A_69 = arith.constant 2 : i32
          %add3A_70 = arith.addi %mul3A_68, %add3A_69 : i32
          %dma_start3A_71 = arith.constant 0 : i32
          %dma_start3A_72 = tpu.memref_slice %arg7[%add3A_70, %dma_start3A_71] : memref<16x128xi32, #tpu.memory_space<vmem>> -> memref<1x128xi32, #tpu.memory_space<vmem>>
          %dma_start3A_73 = tpu.memref_squeeze %dma_start3A_72 : memref<1x128xi32, #tpu.memory_space<vmem>> -> memref<128xi32, #tpu.memory_space<vmem>>
          %dma_start3A_74 = arith.constant 0 : i32
          %dma_start3A_75 = arith.constant 0 : i32
          %dma_start3A_76 = tpu.memref_slice %arg2[%dma_start3A_74, %dma_start3A_75] : memref<10000x128xf32, #tpu.memory_space<hbm>> -> memref<10000x128xf32, #tpu.memory_space<hbm>>
          tpu.enqueue_indirect_dma source(%dma_start3A_76 : memref<10000x128xf32, #tpu.memory_space<hbm>>) target(%arg9 : memref<128x128xf32, #tpu.memory_space<vmem>>) offsets(%dma_start3A_73 : memref<128xi32, #tpu.memory_space<vmem>>) semaphore(%arg12 : memref<!tpu.dma_semaphore, #tpu.memory_space<semaphore_mem>>)
        } else {
        }
        %mul3A_63 = arith.constant 2 : i32
        %mul3A_64 = arith.muli %mul3A_63, %scan3A_31 : i32
        %add3A_65 = arith.constant 1 : i32
        %add3A_66 = arith.addi %mul3A_64, %add3A_65 : i32
        "tpu.region"() ({
          %run_scoped3A = tpu.sem_alloc : memref<!tpu.dma_semaphore, #tpu.memory_space<semaphore_mem>>
          %dma_start3A_67 = arith.constant 0 : i32
          %dma_start3A_68 = tpu.memref_slice %arg8[%add3A_66, %dma_start3A_67] : memref<16x128xi32, #tpu.memory_space<vmem>> -> memref<1x128xi32, #tpu.memory_space<vmem>>
          %dma_start3A_69 = tpu.memref_squeeze %dma_start3A_68 : memref<1x128xi32, #tpu.memory_space<vmem>> -> memref<128xi32, #tpu.memory_space<vmem>>
          %dma_start3A_70 = arith.constant 0 : i32
          %dma_start3A_71 = arith.constant 0 : i32
          %dma_start3A_72 = tpu.memref_slice %arg11[%dma_start3A_70, %dma_start3A_71] : memref<10240x128xf32, #tpu.memory_space<vmem_shared>> -> memref<10240x128xf32, #tpu.memory_space<vmem_shared>>
          tpu.enqueue_indirect_dma source(%arg10 : memref<128x128xf32, #tpu.memory_space<vmem>>) target(%dma_start3A_72 : memref<10240x128xf32, #tpu.memory_space<vmem_shared>>) offsets(%dma_start3A_69 : memref<128xi32, #tpu.memory_space<vmem>>) semaphore(%run_scoped3A : memref<!tpu.dma_semaphore, #tpu.memory_space<semaphore_mem>>) {add = true}
          %dma_wait3A_73 = arith.constant 0 : i32
          %dma_wait3A_74 = tpu.memref_slice %arg8[%add3A_66, %dma_wait3A_73] : memref<16x128xi32, #tpu.memory_space<vmem>> -> memref<1x128xi32, #tpu.memory_space<vmem>>
          %dma_wait3A_75 = tpu.memref_squeeze %dma_wait3A_74 : memref<1x128xi32, #tpu.memory_space<vmem>> -> memref<128xi32, #tpu.memory_space<vmem>>
          %dma_wait3A_76 = arith.constant 0 : i32
          %dma_wait3A_77 = arith.constant 0 : i32
          %dma_wait3A_78 = tpu.memref_slice %arg11[%dma_wait3A_76, %dma_wait3A_77] : memref<10240x128xf32, #tpu.memory_space<vmem_shared>> -> memref<10240x128xf32, #tpu.memory_space<vmem_shared>>
          tpu.wait_indirect_dma semaphore(%run_scoped3A : memref<!tpu.dma_semaphore, #tpu.memory_space<semaphore_mem>>) src(%arg10 : memref<128x128xf32, #tpu.memory_space<vmem>>) dst(%dma_wait3A_78 : memref<10240x128xf32, #tpu.memory_space<vmem_shared>>)
          tpu.yield
        }) : () -> ()
      }
      %scan3A_30 = arith.constant 8 : i32
    }
    %scan3A_7 = arith.constant 5 : i32
    %barrier3A_8 = arith.constant 0 : index
    tpu.barrier barrier_id(%barrier3A_8)
    %mul3A_9 = arith.constant 640 : i32
    %mul3A_10 = arith.muli %arg1, %mul3A_9 : i32
    %mul3A_11 = arith.constant 640 : i32
    %mul3A_12 = arith.muli %arg1, %mul3A_11 : i32
    "tpu.region"() ({
      %run_scoped3A = tpu.sem_alloc : memref<!tpu.dma_semaphore, #tpu.memory_space<semaphore_mem>>
      %dma_start3A = arith.constant 0 : i32
      %dma_start3A_13 = tpu.memref_slice %arg6[%arg0, %mul3A_12, %dma_start3A] : memref<2x10240x128xf32, #tpu.memory_space<hbm>> -> memref<1x640x128xf32, #tpu.memory_space<hbm>>
      %dma_start3A_14 = tpu.memref_squeeze %dma_start3A_13 : memref<1x640x128xf32, #tpu.memory_space<hbm>> -> memref<640x128xf32, #tpu.memory_space<hbm>>
      %dma_start3A_15 = arith.constant 0 : i32
      %dma_start3A_16 = tpu.memref_slice %arg11[%mul3A_10, %dma_start3A_15] : memref<10240x128xf32, #tpu.memory_space<vmem_shared>> -> memref<640x128xf32, #tpu.memory_space<vmem_shared>>
      tpu.enqueue_dma source(%dma_start3A_16 : memref<640x128xf32, #tpu.memory_space<vmem_shared>>) target(%dma_start3A_14 : memref<640x128xf32, #tpu.memory_space<hbm>>) target_semaphore(%run_scoped3A : memref<!tpu.dma_semaphore, #tpu.memory_space<semaphore_mem>>)
      %dma_wait3A = arith.constant 0 : i32
      %dma_wait3A_17 = tpu.memref_slice %arg6[%arg0, %mul3A_12, %dma_wait3A] : memref<2x10240x128xf32, #tpu.memory_space<hbm>> -> memref<1x640x128xf32, #tpu.memory_space<hbm>>
      %dma_wait3A_18 = tpu.memref_squeeze %dma_wait3A_17 : memref<1x640x128xf32, #tpu.memory_space<hbm>> -> memref<640x128xf32, #tpu.memory_space<hbm>>
      %dma_wait3A_19 = arith.constant 0 : i32
      %dma_wait3A_20 = tpu.memref_slice %arg11[%mul3A_10, %dma_wait3A_19] : memref<10240x128xf32, #tpu.memory_space<vmem_shared>> -> memref<640x128xf32, #tpu.memory_space<vmem_shared>>
      tpu.wait_dma2 semaphore(%run_scoped3A : memref<!tpu.dma_semaphore, #tpu.memory_space<semaphore_mem>>) src(%dma_wait3A_20 : memref<640x128xf32, #tpu.memory_space<vmem_shared>>) dst(%dma_wait3A_18 : memref<640x128xf32, #tpu.memory_space<hbm>>)
      tpu.yield
    }) : () -> ()
    return
  }
}

module attributes {stable_mosaic.version = 14 : i64} {
  func.func @_bnrelu_body(%arg0: i32, %arg1: memref<1000x128xf32, #tpu.memory_space<vmem>>, %arg2: memref<2x128xf32, #tpu.memory_space<vmem>>, %arg3: memref<1x128xf32, #tpu.memory_space<vmem>>, %arg4: memref<1x128xf32, #tpu.memory_space<vmem>>, %arg5: memref<1000x128xf32, #tpu.memory_space<vmem>>) attributes {dimension_semantics = [#tpu.dimension_semantics<arbitrary>], iteration_bounds = array<i64: 10>, scalar_prefetch = 0 : i64, scratch_operands = 0 : i64, tpu.core_type = #tpu.core_type<tc>, window_params = [{transform_indices = @transform_0, window_bounds = array<i64: 1000, 128>}, {pipeline_mode = #tpu.pipeline_mode<synchronous>, transform_indices = @transform_1, window_bounds = array<i64: 2, 128>}, {pipeline_mode = #tpu.pipeline_mode<synchronous>, transform_indices = @transform_2, window_bounds = array<i64: 1, 128>}, {pipeline_mode = #tpu.pipeline_mode<synchronous>, transform_indices = @transform_3, window_bounds = array<i64: 1, 128>}, {transform_indices = @transform_4, window_bounds = array<i64: 1000, 128>}]} {
    %get3A = arith.constant 0 : index
    %get3A_0 = arith.constant 0 : index
    %get3A_1 = vector.load %arg2[%get3A, %get3A_0] : memref<2x128xf32, #tpu.memory_space<vmem>>, vector<1x128xf32>
    %div3A = arith.constant 1.000000e+04 : f32
    %div3A_2 = vector.broadcast %div3A : f32 to vector<1x128xf32>
    %div3A_3 = arith.divf %get3A_1, %div3A_2 : vector<1x128xf32>
    %get3A_4 = arith.constant 1 : index
    %get3A_5 = arith.constant 0 : index
    %get3A_6 = vector.load %arg2[%get3A_4, %get3A_5] : memref<2x128xf32, #tpu.memory_space<vmem>>, vector<1x128xf32>
    %div3A_7 = arith.constant 1.000000e+04 : f32
    %div3A_8 = vector.broadcast %div3A_7 : f32 to vector<1x128xf32>
    %div3A_9 = arith.divf %get3A_6, %div3A_8 : vector<1x128xf32>
    %mul3A = arith.mulf %div3A_3, %div3A_3 : vector<1x128xf32>
    %sub3A = arith.subf %div3A_9, %mul3A : vector<1x128xf32>
    %get3A_10 = arith.constant 0 : index
    %get3A_11 = arith.constant 0 : index
    %get3A_12 = vector.load %arg3[%get3A_10, %get3A_11] : memref<1x128xf32, #tpu.memory_space<vmem>>, vector<1x128xf32>
    %add3A = arith.constant 9.99999974E-6 : f32
    %add3A_13 = vector.broadcast %add3A : f32 to vector<1x128xf32>
    %add3A_14 = arith.addf %sub3A, %add3A_13 : vector<1x128xf32>
    %rsqrt3A = math.rsqrt %add3A_14 : vector<1x128xf32>
    %mul3A_15 = arith.mulf %get3A_12, %rsqrt3A : vector<1x128xf32>
    %get3A_16 = arith.constant 0 : index
    %get3A_17 = arith.constant 0 : index
    %get3A_18 = vector.load %arg1[%get3A_16, %get3A_17] : memref<1000x128xf32, #tpu.memory_space<vmem>>, vector<1000x128xf32>
    %sub3A_19 = vector.broadcast %div3A_3 : vector<1x128xf32> to vector<1000x128xf32>
    %sub3A_20 = arith.subf %get3A_18, %sub3A_19 : vector<1000x128xf32>
    %mul3A_21 = vector.broadcast %mul3A_15 : vector<1x128xf32> to vector<1000x128xf32>
    %mul3A_22 = arith.mulf %sub3A_20, %mul3A_21 : vector<1000x128xf32>
    %get3A_23 = arith.constant 0 : index
    %get3A_24 = arith.constant 0 : index
    %get3A_25 = vector.load %arg4[%get3A_23, %get3A_24] : memref<1x128xf32, #tpu.memory_space<vmem>>, vector<1x128xf32>
    %add3A_26 = vector.broadcast %get3A_25 : vector<1x128xf32> to vector<1000x128xf32>
    %add3A_27 = arith.addf %mul3A_22, %add3A_26 : vector<1000x128xf32>
    %max3A = arith.constant 0.000000e+00 : f32
    %max3A_28 = vector.broadcast %max3A : f32 to vector<1000x128xf32>
    %max3A_29 = arith.maximumf %add3A_27, %max3A_28 : vector<1000x128xf32>
    %swap3A = arith.constant 0 : index
    %swap3A_30 = arith.constant 0 : index
    %swap3A_31 = vector.load %arg5[%swap3A, %swap3A_30] : memref<1000x128xf32, #tpu.memory_space<vmem>>, vector<1000x128xf32>
    tpu.vector_store %arg5[%swap3A, %swap3A_30], %max3A_29 {strides = array<i32>} : memref<1000x128xf32, #tpu.memory_space<vmem>>, vector<1000x128xf32>,
    return
  }
  func.func @transform_0(%arg0: i32) -> (i32, i32) {
    %c0_i32 = arith.constant 0 : i32
    %c0_i32_0 = arith.constant 0 : i32
    return %arg0, %c0_i32 : i32, i32
  }
  func.func @transform_1(%arg0: i32) -> (i32, i32) {
    %c0_i32 = arith.constant 0 : i32
    %c0_i32_0 = arith.constant 0 : i32
    %c0_i32_1 = arith.constant 0 : i32
    return %c0_i32, %c0_i32_0 : i32, i32
  }
  func.func @transform_2(%arg0: i32) -> (i32, i32) {
    %c0_i32 = arith.constant 0 : i32
    %c0_i32_0 = arith.constant 0 : i32
    %c0_i32_1 = arith.constant 0 : i32
    return %c0_i32, %c0_i32_0 : i32, i32
  }
  func.func @transform_3(%arg0: i32) -> (i32, i32) {
    %c0_i32 = arith.constant 0 : i32
    %c0_i32_0 = arith.constant 0 : i32
    %c0_i32_1 = arith.constant 0 : i32
    return %c0_i32, %c0_i32_0 : i32, i32
  }
  func.func @transform_4(%arg0: i32) -> (i32, i32) {
    %c0_i32 = arith.constant 0 : i32
    %c0_i32_0 = arith.constant 0 : i32
    return %arg0, %c0_i32 : i32, i32
  }
}

module attributes {stable_mosaic.version = 14 : i64} {
  func.func @_conv_body(%arg0: i32, %arg1: memref<1000x128xf32, #tpu.memory_space<vmem>>, %arg2: memref<2x1000x128xf32, #tpu.memory_space<vmem>>, %arg3: memref<2x1000x128xf32, #tpu.memory_space<vmem>>, %arg4: memref<128x128xf32, #tpu.memory_space<vmem>>, %arg5: memref<128x128xf32, #tpu.memory_space<vmem>>, %arg6: memref<1000x128xf32, #tpu.memory_space<vmem>>, %arg7: memref<2x128xf32, #tpu.memory_space<vmem>>, %arg8: memref<2x128xf32, #tpu.memory_space<vmem>>) attributes {dimension_semantics = [#tpu.dimension_semantics<arbitrary>], iteration_bounds = array<i64: 10>, scalar_prefetch = 0 : i64, scratch_operands = 1 : i64, tpu.core_type = #tpu.core_type<tc>, window_params = [{transform_indices = @transform_0, window_bounds = array<i64: 1000, 128>}, {transform_indices = @transform_1, window_bounds = array<i64: 2, 1000, 128>}, {transform_indices = @transform_2, window_bounds = array<i64: 2, 1000, 128>}, {pipeline_mode = #tpu.pipeline_mode<synchronous>, transform_indices = @transform_3, window_bounds = array<i64: 128, 128>}, {pipeline_mode = #tpu.pipeline_mode<synchronous>, transform_indices = @transform_4, window_bounds = array<i64: 128, 128>}, {transform_indices = @transform_5, window_bounds = array<i64: 1000, 128>}, {pipeline_mode = #tpu.pipeline_mode<synchronous>, transform_indices = @transform_6, window_bounds = array<i64: 2, 128>}]} {
    %eq3A = arith.constant 0 : i32
    %eq3A_0 = arith.cmpi eq, %arg0, %eq3A : i32
    %convert_element_type3A = arith.extui %eq3A_0 : i1 to i32
    %cond3A = arith.constant 0 : i32
    %cond3A_1 = arith.cmpi ne, %convert_element_type3A, %cond3A : i32
    scf.if %cond3A_1 {
      %broadcast_in_dim3A_66 = arith.constant 0.000000e+00 : f32
      %broadcast_in_dim3A_67 = vector.broadcast %broadcast_in_dim3A_66 : f32 to vector<2x128xf32>
      %swap3A_68 = arith.constant 0 : index
      %swap3A_69 = arith.constant 0 : index
      %swap3A_70 = vector.load %arg8[%swap3A_68, %swap3A_69] : memref<2x128xf32, #tpu.memory_space<vmem>>, vector<2x128xf32>
      tpu.vector_store %arg8[%swap3A_68, %swap3A_69], %broadcast_in_dim3A_67 {strides = array<i32>} : memref<2x128xf32, #tpu.memory_space<vmem>>, vector<2x128xf32>,
    } else {
    }
    %get3A = arith.constant 0 : index
    %get3A_2 = arith.constant 0 : index
    %get3A_3 = arith.constant 0 : index
    %get3A_4 = vector.load %arg2[%get3A, %get3A_2, %get3A_3] : memref<2x1000x128xf32, #tpu.memory_space<vmem>>, vector<1x1000x128xf32>
    %get3A_5 = vector.shape_cast %get3A_4 : vector<1x1000x128xf32> to vector<1000x128xf32>
    %get3A_6 = arith.constant 1 : index
    %get3A_7 = arith.constant 0 : index
    %get3A_8 = arith.constant 0 : index
    %get3A_9 = vector.load %arg2[%get3A_6, %get3A_7, %get3A_8] : memref<2x1000x128xf32, #tpu.memory_space<vmem>>, vector<1x1000x128xf32>
    %get3A_10 = vector.shape_cast %get3A_9 : vector<1x1000x128xf32> to vector<1000x128xf32>
    %add3A = arith.addf %get3A_5, %get3A_10 : vector<1000x128xf32>
    %get3A_11 = arith.constant 0 : index
    %get3A_12 = arith.constant 0 : index
    %get3A_13 = arith.constant 0 : index
    %get3A_14 = vector.load %arg3[%get3A_11, %get3A_12, %get3A_13] : memref<2x1000x128xf32, #tpu.memory_space<vmem>>, vector<1x1000x1xf32>
    %get3A_15 = vector.shape_cast %get3A_14 : vector<1x1000x1xf32> to vector<1000x1xf32>
    %get3A_16 = arith.constant 1 : index
    %get3A_17 = arith.constant 0 : index
    %get3A_18 = arith.constant 0 : index
    %get3A_19 = vector.load %arg3[%get3A_16, %get3A_17, %get3A_18] : memref<2x1000x128xf32, #tpu.memory_space<vmem>>, vector<1x1000x1xf32>
    %get3A_20 = vector.shape_cast %get3A_19 : vector<1x1000x1xf32> to vector<1000x1xf32>
    %add3A_21 = arith.addf %get3A_15, %get3A_20 : vector<1000x1xf32>
    %max3A = arith.constant 1.000000e+00 : f32
    %max3A_22 = vector.broadcast %max3A : f32 to vector<1000x1xf32>
    %max3A_23 = arith.maximumf %add3A_21, %max3A_22 : vector<1000x1xf32>
    %div3A = arith.constant 1.000000e+00 : f32
    %div3A_24 = vector.broadcast %div3A : f32 to vector<1000x1xf32>
    %div3A_25 = arith.divf %div3A_24, %max3A_23 : vector<1000x1xf32>
    %get3A_26 = arith.constant 0 : index
    %get3A_27 = arith.constant 0 : index
    %get3A_28 = vector.load %arg4[%get3A_26, %get3A_27] : memref<128x128xf32, #tpu.memory_space<vmem>>, vector<128x128xf32>
    %dot_general3A = arith.constant dense<0.000000e+00> : vector<1000x128xf32>
    %dot_general3A_29 = tpu.matmul %add3A, %get3A_28, %dot_general3A {dimension_numbers = #tpu.dot_dimension_numbers<[1], [0], [0], [1], [0, 0, 1, 1], [], []>, transpose_lhs_hint = false} : vector<1000x128xf32>, vector<128x128xf32>, vector<1000x128xf32> -> vector<1000x128xf32>
    %mul3A = vector.broadcast %div3A_25 : vector<1000x1xf32> to vector<1000x128xf32>
    %mul3A_30 = arith.mulf %dot_general3A_29, %mul3A : vector<1000x128xf32>
    %get3A_31 = arith.constant 0 : index
    %get3A_32 = arith.constant 0 : index
    %get3A_33 = vector.load %arg1[%get3A_31, %get3A_32] : memref<1000x128xf32, #tpu.memory_space<vmem>>, vector<1000x128xf32>
    %get3A_34 = arith.constant 0 : index
    %get3A_35 = arith.constant 0 : index
    %get3A_36 = vector.load %arg5[%get3A_34, %get3A_35] : memref<128x128xf32, #tpu.memory_space<vmem>>, vector<128x128xf32>
    %dot_general3A_37 = arith.constant dense<0.000000e+00> : vector<1000x128xf32>
    %dot_general3A_38 = tpu.matmul %get3A_33, %get3A_36, %dot_general3A_37 {dimension_numbers = #tpu.dot_dimension_numbers<[1], [0], [0], [1], [0, 0, 1, 1], [], []>, transpose_lhs_hint = false} : vector<1000x128xf32>, vector<128x128xf32>, vector<1000x128xf32> -> vector<1000x128xf32>
    %add3A_39 = arith.addf %mul3A_30, %dot_general3A_38 : vector<1000x128xf32>
    %swap3A = arith.constant 0 : index
    %swap3A_40 = arith.constant 0 : index
    %swap3A_41 = vector.load %arg6[%swap3A, %swap3A_40] : memref<1000x128xf32, #tpu.memory_space<vmem>>, vector<1000x128xf32>
    tpu.vector_store %arg6[%swap3A, %swap3A_40], %add3A_39 {strides = array<i32>} : memref<1000x128xf32, #tpu.memory_space<vmem>>, vector<1000x128xf32>,
    %get3A_42 = arith.constant 0 : index
    %get3A_43 = arith.constant 0 : index
    %get3A_44 = vector.load %arg8[%get3A_42, %get3A_43] : memref<2x128xf32, #tpu.memory_space<vmem>>, vector<1x128xf32>
    %reduce_sum3A = arith.constant dense<0.000000e+00> : vector<128xf32>
    %reduce_sum3A_45 = vector.multi_reduction <add>, %add3A_39, %reduce_sum3A [0] : vector<1000x128xf32> to vector<128xf32>
    %broadcast_in_dim3A = vector.shape_cast %reduce_sum3A_45 : vector<128xf32> to vector<1x128xf32>
    %add3A_46 = arith.addf %get3A_44, %broadcast_in_dim3A : vector<1x128xf32>
    %swap3A_47 = arith.constant 0 : index
    %swap3A_48 = arith.constant 0 : index
    %swap3A_49 = vector.load %arg8[%swap3A_47, %swap3A_48] : memref<2x128xf32, #tpu.memory_space<vmem>>, vector<1x128xf32>
    tpu.vector_store %arg8[%swap3A_47, %swap3A_48], %add3A_46 {strides = array<i32>} : memref<2x128xf32, #tpu.memory_space<vmem>>, vector<1x128xf32>,
    %get3A_50 = arith.constant 1 : index
    %get3A_51 = arith.constant 0 : index
    %get3A_52 = vector.load %arg8[%get3A_50, %get3A_51] : memref<2x128xf32, #tpu.memory_space<vmem>>, vector<1x128xf32>
    %mul3A_53 = arith.mulf %add3A_39, %add3A_39 : vector<1000x128xf32>
    %reduce_sum3A_54 = arith.constant dense<0.000000e+00> : vector<128xf32>
    %reduce_sum3A_55 = vector.multi_reduction <add>, %mul3A_53, %reduce_sum3A_54 [0] : vector<1000x128xf32> to vector<128xf32>
    %broadcast_in_dim3A_56 = vector.shape_cast %reduce_sum3A_55 : vector<128xf32> to vector<1x128xf32>
    %add3A_57 = arith.addf %get3A_52, %broadcast_in_dim3A_56 : vector<1x128xf32>
    %swap3A_58 = arith.constant 1 : index
    %swap3A_59 = arith.constant 0 : index
    %swap3A_60 = vector.load %arg8[%swap3A_58, %swap3A_59] : memref<2x128xf32, #tpu.memory_space<vmem>>, vector<1x128xf32>
    tpu.vector_store %arg8[%swap3A_58, %swap3A_59], %add3A_57 {strides = array<i32>} : memref<2x128xf32, #tpu.memory_space<vmem>>, vector<1x128xf32>,
    %eq3A_61 = arith.constant 9 : i32
    %eq3A_62 = arith.cmpi eq, %arg0, %eq3A_61 : i32
    %convert_element_type3A_63 = arith.extui %eq3A_62 : i1 to i32
    %cond3A_64 = arith.constant 0 : i32
    %cond3A_65 = arith.cmpi ne, %convert_element_type3A_63, %cond3A_64 : i32
    scf.if %cond3A_65 {
      %get3A_66 = arith.constant 0 : index
      %get3A_67 = arith.constant 0 : index
      %get3A_68 = vector.load %arg8[%get3A_66, %get3A_67] : memref<2x128xf32, #tpu.memory_space<vmem>>, vector<2x128xf32>
      %swap3A_69 = arith.constant 0 : index
      %swap3A_70 = arith.constant 0 : index
      %swap3A_71 = vector.load %arg7[%swap3A_69, %swap3A_70] : memref<2x128xf32, #tpu.memory_space<vmem>>, vector<2x128xf32>
      tpu.vector_store %arg7[%swap3A_69, %swap3A_70], %get3A_68 {strides = array<i32>} : memref<2x128xf32, #tpu.memory_space<vmem>>, vector<2x128xf32>,
    } else {
    }
    return
  }
  func.func @transform_0(%arg0: i32) -> (i32, i32) {
    %c0_i32 = arith.constant 0 : i32
    %c0_i32_0 = arith.constant 0 : i32
    return %arg0, %c0_i32 : i32, i32
  }
  func.func @transform_1(%arg0: i32) -> (i32, i32, i32) {
    %c0_i32 = arith.constant 0 : i32
    %c0_i32_0 = arith.constant 0 : i32
    %c0_i32_1 = arith.constant 0 : i32
    return %c0_i32, %arg0, %c0_i32_0 : i32, i32, i32
  }
  func.func @transform_2(%arg0: i32) -> (i32, i32, i32) {
    %c0_i32 = arith.constant 0 : i32
    %c0_i32_0 = arith.constant 0 : i32
    %c0_i32_1 = arith.constant 0 : i32
    return %c0_i32, %arg0, %c0_i32_0 : i32, i32, i32
  }
  func.func @transform_3(%arg0: i32) -> (i32, i32) {
    %c0_i32 = arith.constant 0 : i32
    %c0_i32_0 = arith.constant 0 : i32
    %c0_i32_1 = arith.constant 0 : i32
    return %c0_i32, %c0_i32_0 : i32, i32
  }
  func.func @transform_4(%arg0: i32) -> (i32, i32) {
    %c0_i32 = arith.constant 0 : i32
    %c0_i32_0 = arith.constant 0 : i32
    %c0_i32_1 = arith.constant 0 : i32
    return %c0_i32, %c0_i32_0 : i32, i32
  }
  func.func @transform_5(%arg0: i32) -> (i32, i32) {
    %c0_i32 = arith.constant 0 : i32
    %c0_i32_0 = arith.constant 0 : i32
    return %arg0, %c0_i32 : i32, i32
  }
  func.func @transform_6(%arg0: i32) -> (i32, i32) {
    %c0_i32 = arith.constant 0 : i32
    %c0_i32_0 = arith.constant 0 : i32
    %c0_i32_1 = arith.constant 0 : i32
    return %c0_i32, %c0_i32_0 : i32, i32
  }
}

module attributes {stable_mosaic.version = 14 : i64} {
  func.func @_mlp2_body(%arg0: i32, %arg1: memref<1000x128xf32, #tpu.memory_space<vmem>>, %arg2: memref<2x128xf32, #tpu.memory_space<vmem>>, %arg3: memref<1x128xf32, #tpu.memory_space<vmem>>, %arg4: memref<1x128xf32, #tpu.memory_space<vmem>>, %arg5: memref<128x64xf32, #tpu.memory_space<vmem>>, %arg6: memref<1x64xf32, #tpu.memory_space<vmem>>, %arg7: memref<1000x64xf32, #tpu.memory_space<vmem>>) attributes {dimension_semantics = [#tpu.dimension_semantics<arbitrary>], iteration_bounds = array<i64: 10>, scalar_prefetch = 0 : i64, scratch_operands = 0 : i64, tpu.core_type = #tpu.core_type<tc>, window_params = [{transform_indices = @transform_0, window_bounds = array<i64: 1000, 128>}, {pipeline_mode = #tpu.pipeline_mode<synchronous>, transform_indices = @transform_1, window_bounds = array<i64: 2, 128>}, {pipeline_mode = #tpu.pipeline_mode<synchronous>, transform_indices = @transform_2, window_bounds = array<i64: 1, 128>}, {pipeline_mode = #tpu.pipeline_mode<synchronous>, transform_indices = @transform_3, window_bounds = array<i64: 1, 128>}, {pipeline_mode = #tpu.pipeline_mode<synchronous>, transform_indices = @transform_4, window_bounds = array<i64: 128, 64>}, {pipeline_mode = #tpu.pipeline_mode<synchronous>, transform_indices = @transform_5, window_bounds = array<i64: 1, 64>}, {transform_indices = @transform_6, window_bounds = array<i64: 1000, 64>}]} {
    %get3A = arith.constant 0 : index
    %get3A_0 = arith.constant 0 : index
    %get3A_1 = vector.load %arg2[%get3A, %get3A_0] : memref<2x128xf32, #tpu.memory_space<vmem>>, vector<1x128xf32>
    %div3A = arith.constant 1.000000e+04 : f32
    %div3A_2 = vector.broadcast %div3A : f32 to vector<1x128xf32>
    %div3A_3 = arith.divf %get3A_1, %div3A_2 : vector<1x128xf32>
    %get3A_4 = arith.constant 1 : index
    %get3A_5 = arith.constant 0 : index
    %get3A_6 = vector.load %arg2[%get3A_4, %get3A_5] : memref<2x128xf32, #tpu.memory_space<vmem>>, vector<1x128xf32>
    %div3A_7 = arith.constant 1.000000e+04 : f32
    %div3A_8 = vector.broadcast %div3A_7 : f32 to vector<1x128xf32>
    %div3A_9 = arith.divf %get3A_6, %div3A_8 : vector<1x128xf32>
    %mul3A = arith.mulf %div3A_3, %div3A_3 : vector<1x128xf32>
    %sub3A = arith.subf %div3A_9, %mul3A : vector<1x128xf32>
    %get3A_10 = arith.constant 0 : index
    %get3A_11 = arith.constant 0 : index
    %get3A_12 = vector.load %arg3[%get3A_10, %get3A_11] : memref<1x128xf32, #tpu.memory_space<vmem>>, vector<1x128xf32>
    %add3A = arith.constant 9.99999974E-6 : f32
    %add3A_13 = vector.broadcast %add3A : f32 to vector<1x128xf32>
    %add3A_14 = arith.addf %sub3A, %add3A_13 : vector<1x128xf32>
    %rsqrt3A = math.rsqrt %add3A_14 : vector<1x128xf32>
    %mul3A_15 = arith.mulf %get3A_12, %rsqrt3A : vector<1x128xf32>
    %get3A_16 = arith.constant 0 : index
    %get3A_17 = arith.constant 0 : index
    %get3A_18 = vector.load %arg1[%get3A_16, %get3A_17] : memref<1000x128xf32, #tpu.memory_space<vmem>>, vector<1000x128xf32>
    %sub3A_19 = vector.broadcast %div3A_3 : vector<1x128xf32> to vector<1000x128xf32>
    %sub3A_20 = arith.subf %get3A_18, %sub3A_19 : vector<1000x128xf32>
    %mul3A_21 = vector.broadcast %mul3A_15 : vector<1x128xf32> to vector<1000x128xf32>
    %mul3A_22 = arith.mulf %sub3A_20, %mul3A_21 : vector<1000x128xf32>
    %get3A_23 = arith.constant 0 : index
    %get3A_24 = arith.constant 0 : index
    %get3A_25 = vector.load %arg4[%get3A_23, %get3A_24] : memref<1x128xf32, #tpu.memory_space<vmem>>, vector<1x128xf32>
    %add3A_26 = vector.broadcast %get3A_25 : vector<1x128xf32> to vector<1000x128xf32>
    %add3A_27 = arith.addf %mul3A_22, %add3A_26 : vector<1000x128xf32>
    %ge3A = arith.constant 0.000000e+00 : f32
    %ge3A_28 = vector.broadcast %ge3A : f32 to vector<1000x128xf32>
    %ge3A_29 = arith.cmpf oge, %add3A_27, %ge3A_28 : vector<1000x128xf32>
    %mul3A_30 = arith.constant 0.00999999977 : f32
    %mul3A_31 = vector.broadcast %mul3A_30 : f32 to vector<1000x128xf32>
    %mul3A_32 = arith.mulf %mul3A_31, %add3A_27 : vector<1000x128xf32>
    %select_n3A = arith.select %ge3A_29, %add3A_27, %mul3A_32 : vector<1000x128xi1>, vector<1000x128xf32>
    %get3A_33 = arith.constant 0 : index
    %get3A_34 = arith.constant 0 : index
    %get3A_35 = vector.load %arg5[%get3A_33, %get3A_34] : memref<128x64xf32, #tpu.memory_space<vmem>>, vector<128x64xf32>
    %dot_general3A = arith.constant dense<0.000000e+00> : vector<1000x64xf32>
    %dot_general3A_36 = tpu.matmul %select_n3A, %get3A_35, %dot_general3A {dimension_numbers = #tpu.dot_dimension_numbers<[1], [0], [0], [1], [0, 0, 1, 1], [], []>, transpose_lhs_hint = false} : vector<1000x128xf32>, vector<128x64xf32>, vector<1000x64xf32> -> vector<1000x64xf32>
    %get3A_37 = arith.constant 0 : index
    %get3A_38 = arith.constant 0 : index
    %get3A_39 = vector.load %arg6[%get3A_37, %get3A_38] : memref<1x64xf32, #tpu.memory_space<vmem>>, vector<1x64xf32>
    %add3A_40 = vector.broadcast %get3A_39 : vector<1x64xf32> to vector<1000x64xf32>
    %add3A_41 = arith.addf %dot_general3A_36, %add3A_40 : vector<1000x64xf32>
    %swap3A = arith.constant 0 : index
    %swap3A_42 = arith.constant 0 : index
    %swap3A_43 = vector.load %arg7[%swap3A, %swap3A_42] : memref<1000x64xf32, #tpu.memory_space<vmem>>, vector<1000x64xf32>
    tpu.vector_store %arg7[%swap3A, %swap3A_42], %add3A_41 {strides = array<i32>} : memref<1000x64xf32, #tpu.memory_space<vmem>>, vector<1000x64xf32>,
    return
  }
  func.func @transform_0(%arg0: i32) -> (i32, i32) {
    %c0_i32 = arith.constant 0 : i32
    %c0_i32_0 = arith.constant 0 : i32
    return %arg0, %c0_i32 : i32, i32
  }
  func.func @transform_1(%arg0: i32) -> (i32, i32) {
    %c0_i32 = arith.constant 0 : i32
    %c0_i32_0 = arith.constant 0 : i32
    %c0_i32_1 = arith.constant 0 : i32
    return %c0_i32, %c0_i32_0 : i32, i32
  }
  func.func @transform_2(%arg0: i32) -> (i32, i32) {
    %c0_i32 = arith.constant 0 : i32
    %c0_i32_0 = arith.constant 0 : i32
    %c0_i32_1 = arith.constant 0 : i32
    return %c0_i32, %c0_i32_0 : i32, i32
  }
  func.func @transform_3(%arg0: i32) -> (i32, i32) {
    %c0_i32 = arith.constant 0 : i32
    %c0_i32_0 = arith.constant 0 : i32
    %c0_i32_1 = arith.constant 0 : i32
    return %c0_i32, %c0_i32_0 : i32, i32
  }
  func.func @transform_4(%arg0: i32) -> (i32, i32) {
    %c0_i32 = arith.constant 0 : i32
    %c0_i32_0 = arith.constant 0 : i32
    %c0_i32_1 = arith.constant 0 : i32
    return %c0_i32, %c0_i32_0 : i32, i32
  }
  func.func @transform_5(%arg0: i32) -> (i32, i32) {
    %c0_i32 = arith.constant 0 : i32
    %c0_i32_0 = arith.constant 0 : i32
    %c0_i32_1 = arith.constant 0 : i32
    return %c0_i32, %c0_i32_0 : i32, i32
  }
  func.func @transform_6(%arg0: i32) -> (i32, i32) {
    %c0_i32 = arith.constant 0 : i32
    %c0_i32_0 = arith.constant 0 : i32
    return %arg0, %c0_i32 : i32, i32
  }
}

module attributes {stable_mosaic.version = 14 : i64} {
  func.func @_mlp1_body(%arg0: i32, %arg1: memref<1000x128xf32, #tpu.memory_space<vmem>>, %arg2: memref<1000x128xf32, #tpu.memory_space<vmem>>, %arg3: memref<1000x128xf32, #tpu.memory_space<vmem>>, %arg4: memref<1000x128xf32, #tpu.memory_space<vmem>>, %arg5: memref<2x128xf32, #tpu.memory_space<vmem>>, %arg6: memref<1x128xf32, #tpu.memory_space<vmem>>, %arg7: memref<1x128xf32, #tpu.memory_space<vmem>>, %arg8: memref<512x128xf32, #tpu.memory_space<vmem>>, %arg9: memref<1x128xf32, #tpu.memory_space<vmem>>, %arg10: memref<1000x128xf32, #tpu.memory_space<vmem>>, %arg11: memref<2x128xf32, #tpu.memory_space<vmem>>, %arg12: memref<2x128xf32, #tpu.memory_space<vmem>>) attributes {dimension_semantics = [#tpu.dimension_semantics<arbitrary>], iteration_bounds = array<i64: 10>, scalar_prefetch = 0 : i64, scratch_operands = 1 : i64, tpu.core_type = #tpu.core_type<tc>, window_params = [{transform_indices = @transform_0, window_bounds = array<i64: 1000, 128>}, {transform_indices = @transform_1, window_bounds = array<i64: 1000, 128>}, {transform_indices = @transform_2, window_bounds = array<i64: 1000, 128>}, {transform_indices = @transform_3, window_bounds = array<i64: 1000, 128>}, {pipeline_mode = #tpu.pipeline_mode<synchronous>, transform_indices = @transform_4, window_bounds = array<i64: 2, 128>}, {pipeline_mode = #tpu.pipeline_mode<synchronous>, transform_indices = @transform_5, window_bounds = array<i64: 1, 128>}, {pipeline_mode = #tpu.pipeline_mode<synchronous>, transform_indices = @transform_6, window_bounds = array<i64: 1, 128>}, {pipeline_mode = #tpu.pipeline_mode<synchronous>, transform_indices = @transform_7, window_bounds = array<i64: 512, 128>}, {pipeline_mode = #tpu.pipeline_mode<synchronous>, transform_indices = @transform_8, window_bounds = array<i64: 1, 128>}, {transform_indices = @transform_9, window_bounds = array<i64: 1000, 128>}, {pipeline_mode = #tpu.pipeline_mode<synchronous>, transform_indices = @transform_10, window_bounds = array<i64: 2, 128>}]} {
    %eq3A = arith.constant 0 : i32
    %eq3A_0 = arith.cmpi eq, %arg0, %eq3A : i32
    %convert_element_type3A = arith.extui %eq3A_0 : i1 to i32
    %cond3A = arith.constant 0 : i32
    %cond3A_1 = arith.cmpi ne, %convert_element_type3A, %cond3A : i32
    scf.if %cond3A_1 {
      %broadcast_in_dim3A_94 = arith.constant 0.000000e+00 : f32
      %broadcast_in_dim3A_95 = vector.broadcast %broadcast_in_dim3A_94 : f32 to vector<2x128xf32>
      %swap3A_96 = arith.constant 0 : index
      %swap3A_97 = arith.constant 0 : index
      %swap3A_98 = vector.load %arg12[%swap3A_96, %swap3A_97] : memref<2x128xf32, #tpu.memory_space<vmem>>, vector<2x128xf32>
      tpu.vector_store %arg12[%swap3A_96, %swap3A_97], %broadcast_in_dim3A_95 {strides = array<i32>} : memref<2x128xf32, #tpu.memory_space<vmem>>, vector<2x128xf32>,
    } else {
    }
    %get3A = arith.constant 0 : index
    %get3A_2 = arith.constant 0 : index
    %get3A_3 = vector.load %arg5[%get3A, %get3A_2] : memref<2x128xf32, #tpu.memory_space<vmem>>, vector<1x128xf32>
    %div3A = arith.constant 1.000000e+04 : f32
    %div3A_4 = vector.broadcast %div3A : f32 to vector<1x128xf32>
    %div3A_5 = arith.divf %get3A_3, %div3A_4 : vector<1x128xf32>
    %get3A_6 = arith.constant 1 : index
    %get3A_7 = arith.constant 0 : index
    %get3A_8 = vector.load %arg5[%get3A_6, %get3A_7] : memref<2x128xf32, #tpu.memory_space<vmem>>, vector<1x128xf32>
    %div3A_9 = arith.constant 1.000000e+04 : f32
    %div3A_10 = vector.broadcast %div3A_9 : f32 to vector<1x128xf32>
    %div3A_11 = arith.divf %get3A_8, %div3A_10 : vector<1x128xf32>
    %mul3A = arith.mulf %div3A_5, %div3A_5 : vector<1x128xf32>
    %sub3A = arith.subf %div3A_11, %mul3A : vector<1x128xf32>
    %get3A_12 = arith.constant 0 : index
    %get3A_13 = arith.constant 0 : index
    %get3A_14 = vector.load %arg6[%get3A_12, %get3A_13] : memref<1x128xf32, #tpu.memory_space<vmem>>, vector<1x128xf32>
    %add3A = arith.constant 9.99999974E-6 : f32
    %add3A_15 = vector.broadcast %add3A : f32 to vector<1x128xf32>
    %add3A_16 = arith.addf %sub3A, %add3A_15 : vector<1x128xf32>
    %rsqrt3A = math.rsqrt %add3A_16 : vector<1x128xf32>
    %mul3A_17 = arith.mulf %get3A_14, %rsqrt3A : vector<1x128xf32>
    %get3A_18 = arith.constant 0 : index
    %get3A_19 = arith.constant 0 : index
    %get3A_20 = vector.load %arg4[%get3A_18, %get3A_19] : memref<1000x128xf32, #tpu.memory_space<vmem>>, vector<1000x128xf32>
    %sub3A_21 = vector.broadcast %div3A_5 : vector<1x128xf32> to vector<1000x128xf32>
    %sub3A_22 = arith.subf %get3A_20, %sub3A_21 : vector<1000x128xf32>
    %mul3A_23 = vector.broadcast %mul3A_17 : vector<1x128xf32> to vector<1000x128xf32>
    %mul3A_24 = arith.mulf %sub3A_22, %mul3A_23 : vector<1000x128xf32>
    %get3A_25 = arith.constant 0 : index
    %get3A_26 = arith.constant 0 : index
    %get3A_27 = vector.load %arg7[%get3A_25, %get3A_26] : memref<1x128xf32, #tpu.memory_space<vmem>>, vector<1x128xf32>
    %add3A_28 = vector.broadcast %get3A_27 : vector<1x128xf32> to vector<1000x128xf32>
    %add3A_29 = arith.addf %mul3A_24, %add3A_28 : vector<1000x128xf32>
    %max3A = arith.constant 0.000000e+00 : f32
    %max3A_30 = vector.broadcast %max3A : f32 to vector<1000x128xf32>
    %max3A_31 = arith.maximumf %add3A_29, %max3A_30 : vector<1000x128xf32>
    %get3A_32 = arith.constant 0 : index
    %get3A_33 = arith.constant 0 : index
    %get3A_34 = vector.load %arg1[%get3A_32, %get3A_33] : memref<1000x128xf32, #tpu.memory_space<vmem>>, vector<1000x128xf32>
    %get3A_35 = arith.constant 0 : index
    %get3A_36 = arith.constant 0 : index
    %get3A_37 = vector.load %arg8[%get3A_35, %get3A_36] : memref<512x128xf32, #tpu.memory_space<vmem>>, vector<128x128xf32>
    %dot_general3A = arith.constant dense<0.000000e+00> : vector<1000x128xf32>
    %dot_general3A_38 = tpu.matmul %get3A_34, %get3A_37, %dot_general3A {dimension_numbers = #tpu.dot_dimension_numbers<[1], [0], [0], [1], [0, 0, 1, 1], [], []>, transpose_lhs_hint = false} : vector<1000x128xf32>, vector<128x128xf32>, vector<1000x128xf32> -> vector<1000x128xf32>
    %get3A_39 = arith.constant 0 : index
    %get3A_40 = arith.constant 0 : index
    %get3A_41 = vector.load %arg2[%get3A_39, %get3A_40] : memref<1000x128xf32, #tpu.memory_space<vmem>>, vector<1000x128xf32>
    %get3A_42 = arith.constant 128 : index
    %get3A_43 = arith.constant 0 : index
    %get3A_44 = vector.load %arg8[%get3A_42, %get3A_43] : memref<512x128xf32, #tpu.memory_space<vmem>>, vector<128x128xf32>
    %dot_general3A_45 = arith.constant dense<0.000000e+00> : vector<1000x128xf32>
    %dot_general3A_46 = tpu.matmul %get3A_41, %get3A_44, %dot_general3A_45 {dimension_numbers = #tpu.dot_dimension_numbers<[1], [0], [0], [1], [0, 0, 1, 1], [], []>, transpose_lhs_hint = false} : vector<1000x128xf32>, vector<128x128xf32>, vector<1000x128xf32> -> vector<1000x128xf32>
    %add3A_47 = arith.addf %dot_general3A_38, %dot_general3A_46 : vector<1000x128xf32>
    %get3A_48 = arith.constant 0 : index
    %get3A_49 = arith.constant 0 : index
    %get3A_50 = vector.load %arg3[%get3A_48, %get3A_49] : memref<1000x128xf32, #tpu.memory_space<vmem>>, vector<1000x128xf32>
    %get3A_51 = arith.constant 256 : index
    %get3A_52 = arith.constant 0 : index
    %get3A_53 = vector.load %arg8[%get3A_51, %get3A_52] : memref<512x128xf32, #tpu.memory_space<vmem>>, vector<128x128xf32>
    %dot_general3A_54 = arith.constant dense<0.000000e+00> : vector<1000x128xf32>
    %dot_general3A_55 = tpu.matmul %get3A_50, %get3A_53, %dot_general3A_54 {dimension_numbers = #tpu.dot_dimension_numbers<[1], [0], [0], [1], [0, 0, 1, 1], [], []>, transpose_lhs_hint = false} : vector<1000x128xf32>, vector<128x128xf32>, vector<1000x128xf32> -> vector<1000x128xf32>
    %add3A_56 = arith.addf %add3A_47, %dot_general3A_55 : vector<1000x128xf32>
    %get3A_57 = arith.constant 384 : index
    %get3A_58 = arith.constant 0 : index
    %get3A_59 = vector.load %arg8[%get3A_57, %get3A_58] : memref<512x128xf32, #tpu.memory_space<vmem>>, vector<128x128xf32>
    %dot_general3A_60 = arith.constant dense<0.000000e+00> : vector<1000x128xf32>
    %dot_general3A_61 = tpu.matmul %max3A_31, %get3A_59, %dot_general3A_60 {dimension_numbers = #tpu.dot_dimension_numbers<[1], [0], [0], [1], [0, 0, 1, 1], [], []>, transpose_lhs_hint = false} : vector<1000x128xf32>, vector<128x128xf32>, vector<1000x128xf32> -> vector<1000x128xf32>
    %add3A_62 = arith.addf %add3A_56, %dot_general3A_61 : vector<1000x128xf32>
    %get3A_63 = arith.constant 0 : index
    %get3A_64 = arith.constant 0 : index
    %get3A_65 = vector.load %arg9[%get3A_63, %get3A_64] : memref<1x128xf32, #tpu.memory_space<vmem>>, vector<1x128xf32>
    %add3A_66 = vector.broadcast %get3A_65 : vector<1x128xf32> to vector<1000x128xf32>
    %add3A_67 = arith.addf %add3A_62, %add3A_66 : vector<1000x128xf32>
    %swap3A = arith.constant 0 : index
    %swap3A_68 = arith.constant 0 : index
    %swap3A_69 = vector.load %arg10[%swap3A, %swap3A_68] : memref<1000x128xf32, #tpu.memory_space<vmem>>, vector<1000x128xf32>
    tpu.vector_store %arg10[%swap3A, %swap3A_68], %add3A_67 {strides = array<i32>} : memref<1000x128xf32, #tpu.memory_space<vmem>>, vector<1000x128xf32>,
    %get3A_70 = arith.constant 0 : index
    %get3A_71 = arith.constant 0 : index
    %get3A_72 = vector.load %arg12[%get3A_70, %get3A_71] : memref<2x128xf32, #tpu.memory_space<vmem>>, vector<1x128xf32>
    %reduce_sum3A = arith.constant dense<0.000000e+00> : vector<128xf32>
    %reduce_sum3A_73 = vector.multi_reduction <add>, %add3A_67, %reduce_sum3A [0] : vector<1000x128xf32> to vector<128xf32>
    %broadcast_in_dim3A = vector.shape_cast %reduce_sum3A_73 : vector<128xf32> to vector<1x128xf32>
    %add3A_74 = arith.addf %get3A_72, %broadcast_in_dim3A : vector<1x128xf32>
    %swap3A_75 = arith.constant 0 : index
    %swap3A_76 = arith.constant 0 : index
    %swap3A_77 = vector.load %arg12[%swap3A_75, %swap3A_76] : memref<2x128xf32, #tpu.memory_space<vmem>>, vector<1x128xf32>
    tpu.vector_store %arg12[%swap3A_75, %swap3A_76], %add3A_74 {strides = array<i32>} : memref<2x128xf32, #tpu.memory_space<vmem>>, vector<1x128xf32>,
    %get3A_78 = arith.constant 1 : index
    %get3A_79 = arith.constant 0 : index
    %get3A_80 = vector.load %arg12[%get3A_78, %get3A_79] : memref<2x128xf32, #tpu.memory_space<vmem>>, vector<1x128xf32>
    %mul3A_81 = arith.mulf %add3A_67, %add3A_67 : vector<1000x128xf32>
    %reduce_sum3A_82 = arith.constant dense<0.000000e+00> : vector<128xf32>
    %reduce_sum3A_83 = vector.multi_reduction <add>, %mul3A_81, %reduce_sum3A_82 [0] : vector<1000x128xf32> to vector<128xf32>
    %broadcast_in_dim3A_84 = vector.shape_cast %reduce_sum3A_83 : vector<128xf32> to vector<1x128xf32>
    %add3A_85 = arith.addf %get3A_80, %broadcast_in_dim3A_84 : vector<1x128xf32>
    %swap3A_86 = arith.constant 1 : index
    %swap3A_87 = arith.constant 0 : index
    %swap3A_88 = vector.load %arg12[%swap3A_86, %swap3A_87] : memref<2x128xf32, #tpu.memory_space<vmem>>, vector<1x128xf32>
    tpu.vector_store %arg12[%swap3A_86, %swap3A_87], %add3A_85 {strides = array<i32>} : memref<2x128xf32, #tpu.memory_space<vmem>>, vector<1x128xf32>,
    %eq3A_89 = arith.constant 9 : i32
    %eq3A_90 = arith.cmpi eq, %arg0, %eq3A_89 : i32
    %convert_element_type3A_91 = arith.extui %eq3A_90 : i1 to i32
    %cond3A_92 = arith.constant 0 : i32
    %cond3A_93 = arith.cmpi ne, %convert_element_type3A_91, %cond3A_92 : i32
    scf.if %cond3A_93 {
      %get3A_94 = arith.constant 0 : index
      %get3A_95 = arith.constant 0 : index
      %get3A_96 = vector.load %arg12[%get3A_94, %get3A_95] : memref<2x128xf32, #tpu.memory_space<vmem>>, vector<2x128xf32>
      %swap3A_97 = arith.constant 0 : index
      %swap3A_98 = arith.constant 0 : index
      %swap3A_99 = vector.load %arg11[%swap3A_97, %swap3A_98] : memref<2x128xf32, #tpu.memory_space<vmem>>, vector<2x128xf32>
      tpu.vector_store %arg11[%swap3A_97, %swap3A_98], %get3A_96 {strides = array<i32>} : memref<2x128xf32, #tpu.memory_space<vmem>>, vector<2x128xf32>,
    } else {
    }
    return
  }
  func.func @transform_0(%arg0: i32) -> (i32, i32) {
    %c0_i32 = arith.constant 0 : i32
    %c0_i32_0 = arith.constant 0 : i32
    return %arg0, %c0_i32 : i32, i32
  }
  func.func @transform_1(%arg0: i32) -> (i32, i32) {
    %c0_i32 = arith.constant 0 : i32
    %c0_i32_0 = arith.constant 0 : i32
    return %arg0, %c0_i32 : i32, i32
  }
  func.func @transform_2(%arg0: i32) -> (i32, i32) {
    %c0_i32 = arith.constant 0 : i32
    %c0_i32_0 = arith.constant 0 : i32
    return %arg0, %c0_i32 : i32, i32
  }
  func.func @transform_3(%arg0: i32) -> (i32, i32) {
    %c0_i32 = arith.constant 0 : i32
    %c0_i32_0 = arith.constant 0 : i32
    return %arg0, %c0_i32 : i32, i32
  }
  func.func @transform_4(%arg0: i32) -> (i32, i32) {
    %c0_i32 = arith.constant 0 : i32
    %c0_i32_0 = arith.constant 0 : i32
    %c0_i32_1 = arith.constant 0 : i32
    return %c0_i32, %c0_i32_0 : i32, i32
  }
  func.func @transform_5(%arg0: i32) -> (i32, i32) {
    %c0_i32 = arith.constant 0 : i32
    %c0_i32_0 = arith.constant 0 : i32
    %c0_i32_1 = arith.constant 0 : i32
    return %c0_i32, %c0_i32_0 : i32, i32
  }
  func.func @transform_6(%arg0: i32) -> (i32, i32) {
    %c0_i32 = arith.constant 0 : i32
    %c0_i32_0 = arith.constant 0 : i32
    %c0_i32_1 = arith.constant 0 : i32
    return %c0_i32, %c0_i32_0 : i32, i32
  }
  func.func @transform_7(%arg0: i32) -> (i32, i32) {
    %c0_i32 = arith.constant 0 : i32
    %c0_i32_0 = arith.constant 0 : i32
    %c0_i32_1 = arith.constant 0 : i32
    return %c0_i32, %c0_i32_0 : i32, i32
  }
  func.func @transform_8(%arg0: i32) -> (i32, i32) {
    %c0_i32 = arith.constant 0 : i32
    %c0_i32_0 = arith.constant 0 : i32
    %c0_i32_1 = arith.constant 0 : i32
    return %c0_i32, %c0_i32_0 : i32, i32
  }
  func.func @transform_9(%arg0: i32) -> (i32, i32) {
    %c0_i32 = arith.constant 0 : i32
    %c0_i32_0 = arith.constant 0 : i32
    return %arg0, %c0_i32 : i32, i32
  }
  func.func @transform_10(%arg0: i32) -> (i32, i32) {
    %c0_i32 = arith.constant 0 : i32
    %c0_i32_0 = arith.constant 0 : i32
    %c0_i32_1 = arith.constant 0 : i32
    return %c0_i32, %c0_i32_0 : i32, i32
  }
}

</mosaic_0001>

<sc_bundles>
// kernel: kernel.13.cloned.1.call-start
scs
__scs_entry_jumppad:
0x0: {  	(pc) =	sbr.rel $0x88, $3  }
0x1: {  	(tag) =	ssettag $0x0;
	lr =	simm.s32 $0x1  }
0x2: {  	[smem:$0x3F8D] =	sst lr;
	_ =	strace $0xD0000000  }
0x3: {  	_ = 	snop  }
0x4: {  	_ = 	snop  }
0x5: {  	_ = 	snop  }
0x6: {  	_ = 	snop  }
0x7: {  	_ = 	snop  }
__scs_overlays_trampoline_lowered:
0x8: {  	[smem:$0x3F9C] =	sst s0  }
0x9: {  	[smem:$0x3F9D] =	sst s1  }
0xa: {  	[smem:$0x3F9E] =	sst s2  }
0xb: {  	[smem:$0x3F9F] =	sst s3  }
0xc: {  	[smem:$0x3FA0] =	sst s4  }
0xd: {  	[smem:$0x3FA1] =	sst s5  }
0xe: {  	[smem:$0x3FA2] =	sst s6  }
0xf: {  	[smem:$0x3FA3] =	sst s7  }
0x10: {  	[smem:$0x3FA4] =	sst s8  }
0x11: {  	[smem:$0x3FA5] =	sst s9;
	s0 =	simm.s32 @!p0 $0x0  }
0x12: {  	s1 =	sld [smem:$0x3F8B];
	s0 =	simm.s32 @p0 $0x1  }
0x13: {  	[smem:$0x3FA6] =	sst s0;
	s0 =	simm.s32 @!p1 $0x0  }
0x14: {  	s2 =	sld [smem:$0x3F8A];
	s0 =	simm.s32 @p1 $0x1  }
0x15: {  	[smem:$0x3FA7] =	sst s0;
	s0 =	simm.s32 @!p2 $0x0  }
0x16: {  	s3 =	sld [smem:$0x3FDB];
	s0 =	simm.s32 @p2 $0x1  }
0x17: {  	s4 =	simm.s32 $0x1BF5;
	[smem:$0x3FA9] =	sst s0  }
0x18: {  	s0 =	sld [smem:$0x3F8C];
	_ =	swait.ge [sflag:s4], $0x0  }
0x19: {  	s7 =	sld [smem:$0x3F8D]  }
0x1a: {  	s8 =	sadd.s32 $0xFFFFE003, lr  }
0x1b: {  	s9 =	sadd.s32 $0xFFFFFEF7, lr;
	s5 =	simm.s32 $0xFFFFFFFF;
	p2 =	slt.u32 s8, $0xFFFFF086  }
0x1c: {  	p1 =	slt.u32 s9, $0xF7A;
	s5 =	simm.s32 @!p2 $0x0  }
0x1d: {  	s5 =	simm.s32 @p1 $0x1;
	p0 =	seq.s32 s7, s2  }
0x1e: {  	s7 =	smul.u32 @!p0 $0xF7A, s2;
	p2 =	seq.s32 @!p0 s5, $0x0  }
0x1f: {  	s9 =	smul.u32 $0xF7A, s1;
	s8 =	simm.s32 @!p0 $0x1BF5;
	p2 =	por !p2, p0  }
0x20: {  	[sflag:s8] =	ssyncset.s32 @!p0 $0xFFFFF086;
	s6 =	sadd.s32 @!p0 s3, s7;
	s7 =	simm.s32 @!p0 $0x108  }
0x21: {  	s3 =	sadd.s32 s3, s9;
	s6 =	sadd.s32 @!p0 $0x88, s6;
	s7 =	simm.s32 @p2 $0x1082  }
0x22: {  	[simem:s7], [sflag:s8] =	dma.local @!p0 [hbm:s6], $0xF7A  }
0x23: {  	s9 =	sor.u32 $0xD0000000, s2;
	s6 =	simm.s32 $0x108;
	_ =	swait.ge @!p0 [sflag:s8], $0x0  }
0x24: {  	s3 =	sadd.s32 $0x88, s3;
	s6 =	simm.s32 @!p1 $0x1082;
	[sflag:s4] =	ssyncset.s32 $0xFFFFF086  }
0x25: {  	[simem:s6], [sflag:s4] =	dma.local [hbm:s3], $0xF7A  }
0x26: {  	[smem:$0x3F8D] =	sst s1;
	(tag) =	ssettag s2;
	_ =	strace s9  }
0x27: {  	s1 =	sld [smem:$0x3F9D]  }
0x28: {  	s2 =	sld [smem:$0x3F9E]  }
0x29: {  	s4 =	sld [smem:$0x3FA0]  }
0x2a: {  	p0 =	seq.s32 s5, $0x0;
	s5 =	sld [smem:$0x3FA1]  }
0x2b: {  	s6 =	sld [smem:$0x3FA2]  }
0x2c: {  	s7 =	sld [smem:$0x3FA3]  }
0x2d: {  	s3 =	simm.s32 $0x108;
	s8 =	sld [smem:$0x3FA4]  }
0x2e: {  	s3 =	simm.s32 @!p0 $0x1082;
	s9 =	sld [smem:$0x3FA5]  }
0x2f: {  	lr =	sadd.s32 s0, s3;
	s0 =	sld [smem:$0x3F9C]  }
0x30: {  	s3 =	sld [smem:$0x3F9F]  }
0x31: {  	[smem:$0x3FA8] =	sst s10  }
0x32: {  	s10 =	sld [smem:$0x3FA6];
	_ =	sdelay $0x3  }
0x33: {  	p0 =	seq.s32 s10, $0x1;
	s10 =	sld [smem:$0x3FA8];
	_ =	sdelay $0x3  }
0x34: {  	[smem:$0x3FA8] =	sst s10  }
0x35: {  	s10 =	sld [smem:$0x3FA7];
	_ =	sdelay $0x3  }
0x36: {  	p1 =	seq.s32 s10, $0x1;
	s10 =	sld [smem:$0x3FA8];
	_ =	sdelay $0x3  }
0x37: {  	[smem:$0x3FA8] =	sst s10  }
0x38: {  	s10 =	sld [smem:$0x3FA9]  }
0x39: {  	_ = 	snop;
	(pc) =	sbr.ind lr, $3  }
0x3a: {  	_ = 	snop  }
0x3b: {  	_ = 	snop  }
0x3c: {  	p2 =	seq.s32 s10, $0x1;
	s10 =	sld [smem:$0x3FA8]  }
0x3d: {  	_ =	shalt  }
0x3e: {  	_ =	shalt  }
0x3f: {  	_ =	shalt  }
0x40: {  	_ =	shalt  }
0x41: {  	_ =	shalt  }
0x42: {  	_ =	shalt  }
0x43: {  	_ =	shalt  }
0x44: {  	_ =	shalt  }
0x45: {  	_ =	shalt  }
0x46: {  	_ =	shalt  }
0x47: {  	_ =	shalt  }
0x48: {  	_ =	shalt  }
0x49: {  	_ =	shalt  }
0x4a: {  	_ =	shalt  }
0x4b: {  	_ =	shalt  }
0x4c: {  	_ =	shalt  }
0x4d: {  	_ =	shalt  }
0x4e: {  	_ =	shalt  }
0x4f: {  	_ =	shalt  }
0x50: {  	_ =	shalt  }
0x51: {  	_ =	shalt  }
0x52: {  	_ =	shalt  }
0x53: {  	_ =	shalt  }
0x54: {  	_ =	shalt  }
0x55: {  	_ =	shalt  }
0x56: {  	_ =	shalt  }
0x57: {  	_ =	shalt  }
0x58: {  	_ =	shalt  }
0x59: {  	_ =	shalt  }
0x5a: {  	_ =	shalt  }
0x5b: {  	_ =	shalt  }
0x5c: {  	_ =	shalt  }
0x5d: {  	_ =	shalt  }
0x5e: {  	_ =	shalt  }
0x5f: {  	_ =	shalt  }
0x60: {  	_ =	shalt  }
0x61: {  	_ =	shalt  }
0x62: {  	_ =	shalt  }
0x63: {  	_ =	shalt  }
0x64: {  	_ =	shalt  }
0x65: {  	_ =	shalt  }
0x66: {  	_ =	shalt  }
0x67: {  	_ =	shalt  }
0x68: {  	_ =	shalt  }
0x69: {  	_ =	shalt  }
0x6a: {  	_ =	shalt  }
0x6b: {  	_ =	shalt  }
0x6c: {  	_ =	shalt  }
0x6d: {  	_ =	shalt  }
0x6e: {  	_ =	shalt  }
0x6f: {  	_ =	shalt  }
0x70: {  	_ =	shalt  }
0x71: {  	_ =	shalt  }
0x72: {  	_ =	shalt  }
0x73: {  	_ =	shalt  }
0x74: {  	_ =	shalt  }
0x75: {  	_ =	shalt  }
0x76: {  	_ =	shalt  }
0x77: {  	_ =	shalt  }
0x78: {  	_ =	shalt  }
0x79: {  	_ =	shalt  }
0x7a: {  	_ =	shalt  }
0x7b: {  	_ =	shalt  }
0x7c: {  	_ =	shalt  }
0x7d: {  	_ =	shalt  }
0x7e: {  	_ =	shalt  }
0x7f: {  	_ =	shalt  }
0x80: {  	_ =	shalt  }
0x81: {  	_ =	shalt  }
0x82: {  	_ =	shalt  }
0x83: {  	_ =	shalt  }
0x84: {  	_ =	shalt  }
0x85: {  	_ =	shalt  }
0x86: {  	_ =	shalt  }
0x87: {  	_ =	shalt  }
.Lfunc_end0:
.L_simem_size_0:
called_computation_lowered:
.L_overlay_start_0:
0x88: {  	s2 =	sld [smem:$0x3FD9]  }
0x89: {  	s3 =	sld [smem:$0x3FFE];
	_ =	sdelay $0x1  }
0x8a: {  	s1 =	srdreg.scid  }
0x8b: {  	s0 =	sand.u32 $0x1, s1  }
0x8c: {  	s17 =	sshll.u32 s0, $0xA;
	s2 =	sadd.s32 s3, s2  }
0x8d: {  	s2 =	sadd.s32 s2, s17  }
0x8e: {  	[smem:$0x3FB4] =	sst s2  }
0x8f: {  	_ = 	snop  }
0x90: {  	(tm) =	ssettm $0x1  }
0x91: {  	s18 =	sld [smem:$0x3FFB];
	_ =	sdelay $0x3  }
0x92: {  	_ =	strace s18  }
0x93: {  	s2 =	sld [smem:$0x3FFC];
	_ =	sdelay $0x3  }
0x94: {  	_ =	strace s2  }
0x95: {  	s2 =	sld [smem:$0x3FFD];
	_ =	sdelay $0x3  }
0x96: {  	_ =	strace s2  }
0x97: {  	_ =	strace $0x8FFFFFFF  }
0x98: {  	s19 =	sld [smem:$0x3FDB];
	_ =	sdelay $0x1  }
0x99: {  	s20 =	simm.s32 $_scs_section_size  }
0x9a: {  	s4 =	simm.s32 $_size__tile_overlayer_lowered;
	s5 =	simm.s32 $_tile_overlayer_lowered  }
0x9b: {  	s6 =	simm.s32 $0x1BFF;
	s21 =	sshll.u32 s5, $0x1;
	s3 =	sadd.s32 s20, s19  }
0x9c: {  	s22 =	simm.s32 $0x0;
	s4 =	sshll.u32 s4, $0x1;
	s5 =	sadd.s32 s21, s3  }
0x9d: {  	[timem:s22], [sflag:s6] =	dma.local [hbm:s5], s4  }
0x9e: {  	_ =	swait.ge [sflag:s6], s4  }
0x9f: {  	s4 =	ssub.s32 $0x0, s4;
	[sflag:s6] =	ssyncset.done $0x0  }
0xa0: {  	[sflag:s6] =	ssyncadd.s32 s4;
	_ =	sdelay $0x1  }
0xa1: {  	s23 =	simm.s32 $0x1B8B  }
0xa2: {  	_ =	swait.ge [sflag:s23], $0x1  }
0xa3: {  	[sflag:s23] =	ssyncset.done $0x0  }
0xa4: {  	[sflag:s23] =	ssyncadd.s32 $0xFFFFFFFF  }
0xa5: {  	s4 =	sld [smem:$0x0]  }
0xa6: {  	s5 =	sand.u32 $0xFFFFFFFE, s1  }
0xa7: {  	p0 =	sne.s32 s1, s5  }
0xa8: {  	s5 =	sshll.u32 @p0 s5, $0xE  }
0xa9: {  	s5 =	sadd.s32 @p0 $0x11B8D, s5;
	s6 =	sshll.u32 @p0 s4, $0x11  }
0xaa: {  	s5 =	sor.u32 @p0 s6, s5  }
0xab: {  	[sflag:s5] =	ssyncadd.remote.s32 @p0 $0x1;
	_ =	sdelay $0x1  }
0xac: {  	s5 =	simm.s32 @p0 $0x1B8D  }
0xad: {  	_ =	swait.eq @p0 [sflag:s5], $0x1  }
0xae: {  	[sflag:s5] =	ssyncadd.s32 @p0 $0xFFFFFFFF  }
0xaf: {  	s6 =	sshll.u32 @!p0 s1, $0xE  }
0xb0: {  	s6 =	sor.u32 @!p0 $0x4000, s6;
	s5 =	simm.s32 @!p0 $0x1B8D  }
0xb1: {  	s4 =	sshll.u32 @!p0 s4, $0x11;
	s6 =	sadd.s32 @!p0 $0x11B8D, s6;
	_ =	swait.eq @!p0 [sflag:s5], $0x1  }
0xb2: {  	s4 =	sor.u32 @!p0 s4, s6;
	[sflag:s5] =	ssyncadd.s32 @!p0 $0xFFFFFFFF  }
0xb3: {  	s25 =	simm.s32 $0x1B8E;
	s24 =	sld [smem:$0x3FFE];
	[sflag:s4] =	ssyncadd.remote.s32 @!p0 $0x1  }
0xb4: {  	s26 =	simm.s32 $execute0_lowered;
	[smem:$0x3FD2] =	sst s25  }
0xb5: {  	s5 =	sshll.u32 s26, $0x1;
	_ =	strace $0x80000049;
	[dreg:$0x1] =	wrdreg $0xFFFFFFFF  }
0xb6: {  	s28 =	simm.s32 $_size_execute0_lowered;
	s3 =	sadd.s32 s3, s5;
	[dreg:$0x0] =	wrdreg $0x0  }
0xb7: {  	s5 =	sshll.u32 s28, $0x1;
	[dreg:$0x2] =	wrdreg s3  }
0xb8: {  	[dreg:$0x3] =	wrdreg s5  }
0xb9: {  	[dreg:$0x4] =	wrdreg $0xC0  }
0xba: {  	_ =	task [dreg:s22], $0x5FFFF  }
0xbb: {  	[dreg:$0x1] =	wrdreg $0xFFFFFFFF  }
0xbc: {  	[dreg:$0x0] =	wrdreg $0x60  }
0xbd: {  	[dreg:$0x2] =	wrdreg s24  }
0xbe: {  	[dreg:$0x3] =	wrdreg $0x68000  }
0xbf: {  	[dreg:$0x4] =	wrdreg $0x9  }
0xc0: {  	_ =	task.clear_ibuf [dreg:s22], $0x5FFFF;
	_ =	strace $0x90000049  }
0xc1: {  	s29 =	simm.s32 $0x9;
	_ =	strace $0x8000004B  }
0xc2: {  	_ =	swait.ge [sflag:s29], $0x1  }
0xc3: {  	[sflag:s29] =	ssyncadd.s32 $0xFFFFFFFF  }
0xc4: {  	_ =	strace $0x9000004B  }
0xc5: {  	_ =	sfence  }
0xc6: {  	s30 =	sld [smem:$0x0];
	_ =	sdelay $0x2  }
0xc7: {  	s31 =	sshll.u32 s1, $0xD;
	s1 =	sshrl.u32 s1, $0x2  }
0xc8: {  	s4 =	sand.u32 $0x4000, s31;
	s1 =	sadd.s32 s1, s30  }
0xc9: {  	s0 =	sor.u32 s4, s0;
	s1 =	sshll.u32 s1, $0x11  }
0xca: {  	s0 =	sor.u32 s1, s0  }
0xcb: {  	s0 =	sadd.s32 $0x8F2B, s0  }
0xcc: {  	[sflag:s0] =	ssyncadd.remote.s32 $0x1  }
0xcd: {  	_ =	sfence.sel $0xFFFF  }
0xce: {  	[dreg:$0x0] =	wrdreg $0xFFFFFFFF;
	(pc) =	sbr.abs _section_cstart, $3  }
0xcf: {  	[dreg:$0x1] =	wrdreg $0xFFFFFFFF  }
0xd0: {  	_ =	task.clear_ibuf [dreg:s22], $0x2FFFF;
	_ =	strace $0x9FFFFFFF  }
0xd1: {  	(tm) =	ssettm $0x7FFFFFFF  }
tec
execute0_lowered:
.L_overlay_start_1:
0x0: {  	(tag) =	ssettag $0x1  }
0x1: {  	s7 =	rddreg [dreg:$0x0]  }
0x2: {  	s0 =	srdreg.scid;
	s2 =	rddreg [dreg:$0x1]  }
0x3: {  	s3 =	simm.s32 $0x0;
	s12 =	simm.s32 $0x2800;
	s6 =	sand.u32 $0x1, s0  }
0x4: {  	s13 =	simm.s32 $0x80;
	s0 =	stileid.u32;
	s5 =	smul.u32 $0x140000, s6  }
0x5: {  	s14 =	simm.s32 $0x0;
	[smem:$0x7FF] =	sst s3;
	s8 =	smul.u32 $0x14000, s0  }
0x6: {  	s1 =	sshll.u32 s6, $0x4;
	s10 =	smul.u32 $0x50000, s0;
	s6 =	ssub.s32 $0x2, s6  }
0x7: {  	s31 =	sshll.u32 s0, $0x6;
	s1 =	sor.u32 s0, s1;
	s30 =	sshrl.u32 s6, $0x1  }
0x8: {  	s4 =	smul.u32 $0x500, s1;
	s1 =	rddreg [dreg:$0x2];
	_ =	strace $0x8000004A  }
0x9: {  	s8 =	sadd.s32 s8, s5;
	s5 =	sadd.s32 $0x61E00, s7;
	s10 =	sshrl.u32 s10, $0x2  }
0xa: {  	s11 =	ssub.s32 s6, s30;
	s6 =	sor.u32 $0x1C01, s31;
	s8 =	sshrl.u32 s8, $0x3  }
0xb: {  	s10 =	sadd.s32 s10, s2;
	s9 =	sadd.s32 s4, s7;
	s4 =	sadd.s32 $0xF600, s7  }
0xc: {  	s8 =	sadd.s32 s8, s7;
	s10 =	sshrl.u32 s10, $0x3;
	s7 =	sadd.s32 $0x5600, s9  }
0xd: {  	s8 =	sadd.s32 $0x62600, s8;
	s9 =	smax.u32 s11, $0x1;
	s11 =	simm.s32 $0x1  }
.LBB2_1:
0xe: {  	[spmem:s10], [sflag:s6] =	dma.local [hbm:s4], $0x2800  }
0xf: {  	_ =	swait.ge [sflag:s11], $0x2800  }
0x10: {  	[sflag:s11] =	ssyncset.done $0x0  }
0x11: {  	[sflag:s11] =	ssyncadd.s32 $0xFFFFD800  }
0x12: {  	[tilespmem:s12], [sflag:$0x1] =	stream.linear.gather [hbm4b:s5+s3], $0x4000, $0x38;
	[tilespmem:$0x1A800] =	vst v63  }
0x13: {  	_ =	swait.ge [sflag:s11], $0x4000  }
0x14: {  	[sflag:s11] =	ssyncset.done $0x0  }
0x15: {  	[sflag:s11] =	ssyncadd.s32 $0xFFFFC000  }
0x16: {  	[tilespmem:s3], [sflag:$0x1] =	stream.linear.gather [hbm4b:s7+s3], $0x2800, $0x38;
	[tilespmem:$0x1A800] =	vst v63  }
0x17: {  	_ =	swait.ge [sflag:s11], $0x2800  }
0x18: {  	[sflag:s11] =	ssyncset.done $0x0  }
0x19: {  	[sflag:s11] =	ssyncadd.s32 $0xFFFFD800  }
0x1a: {  	s15 =	simm.s32 $0x0;
	[bflag:$0x0] =	sbarrier.arrive $0xFFFF  }
0x1b: {  	[spmem:s2] =	stream.indirect.scatter.add.f32 [tilespmem:s12], [sflag:$0x1], $0x80, s15, s13, $0xb8;
	[tilespmem:$0x1A800] =	vst v63  }
0x1c: {  	_ =	swait.ge [sflag:s11], $0x4000  }
0x1d: {  	s15 =	simm.s32 $0x200;
	[sflag:s11] =	ssyncset.done $0x0  }
.LBB2_2:
0x1e: {  	s16 =	sshra.s32 s15, $0x2;
	[sflag:s11] =	ssyncadd.s32 $0xFFFFC000;
	p0 =	sne.s32 s15, $0x9E00  }
0x1f: {  	[spmem:s2] =	stream.indirect.scatter.add.f32 [tilespmem:s12], [sflag:$0x1], $0x80, s16, s13, $0xb8;
	[tilespmem:$0x1A800] =	vst v63  }
.Ltmp0:
0x20: {  	_ = 	snop;
	(pc) =	sbr.rel @p0 .LBB2_2-.Ltmp0, $4  }
0x21: {  	_ = 	snop  }
0x22: {  	s15 =	sadd.s32 $0x200, s15  }
0x23: {  	_ =	swait.ge [sflag:s11], $0x4000  }
0x24: {  	[sflag:s11] =	ssyncset.done $0x0  }
0x25: {  	s14 =	sadd.s32 $0x1, s14  }
0x26: {  	[sflag:s11] =	ssyncadd.s32 $0xFFFFC000;
	p0 =	sne.s32 s14, s9  }
.Ltmp1:
0x27: {  	[bflag:$0x0] =	sbarrier.arrive $0xFFFF;
	(pc) =	sbr.rel @p0 .LBB2_1-.Ltmp1, $4  }
0x28: {  	[hbm:s8], [sflag:s6] =	dma.local [spmem:s10], $0x2800  }
0x29: {  	_ =	swait.ge [sflag:s11], $0x2800  }
0x2a: {  	[sflag:s11] =	ssyncset.done $0x0  }
0x2b: {  	[sflag:s11] =	ssyncadd.s32 $0xFFFFD800  }
0x2c: {  	_ =	sfence.sel $0x180000  }
0x2d: {  	[bflag:$0x0] =	sbarrier.arrive $0xFFFF  }
0x2e: {  	p0 =	sne.s32 s0, $0x0;
	_ =	strace $0x9000004A  }
0x2f: {  	s0 =	sadd.s32 @!p0 $0x100000, s1;
	[bflag:$0x2] =	sbarrier.arrive $0xFFFF  }
0x30: {  	[sflag:s0] =	ssyncadd.tile.s32 @!p0 $0x1;
	_ =	shalt  }
.Lfunc_end2:
_tile_overlayer_lowered:
.L_overlay_start_2:
0x31: {  	(tag) =	ssettag $0x2  }
0x32: {  	s0 =	rddreg [dreg:$0x0];
	s2 =	stileid.u32  }
0x33: {  	s1 =	rddreg [dreg:$0x1];
	p0 =	sne.s32 s2, $0x0  }
0x34: {  	s3 =	rddreg [dreg:$0x2];
	[bflag:$0x3] =	sbarrier.arrive $0xFFFF;
	s2 =	simm.s32 @!p0 $0x1C01  }
0x35: {  	[timem:s3], [sflag:s2] =	dma.local @!p0 [hbm:s0], s1  }
0x36: {  	s0 =	simm.s32 @!p0 $0x1  }
0x37: {  	_ =	swait.ge @!p0 [sflag:s0], s1  }
0x38: {  	s1 =	ssub.s32 @!p0 $0x0, s1;
	[sflag:s0] =	ssyncset.done @!p0 $0x0  }
0x39: {  	[sflag:s0] =	ssyncadd.s32 @!p0 s1  }
0x3a: {  	[bflag:$0x3] =	sbarrier.arrive $0xFFFF  }
0x3b: {  	_ =	shalt  }

// kernel: kernel.16.cloned.1.call-start
scs
__scs_entry_jumppad:
0x0: {  	(pc) =	sbr.rel $0x88, $3  }
0x1: {  	(tag) =	ssettag $0x0;
	lr =	simm.s32 $0x1  }
0x2: {  	[smem:$0x3F8D] =	sst lr;
	_ =	strace $0xD0000000  }
0x3: {  	_ = 	snop  }
0x4: {  	_ = 	snop  }
0x5: {  	_ = 	snop  }
0x6: {  	_ = 	snop  }
0x7: {  	_ = 	snop  }
__scs_overlays_trampoline_lowered:
0x8: {  	[smem:$0x3F9C] =	sst s0  }
0x9: {  	[smem:$0x3F9D] =	sst s1  }
0xa: {  	[smem:$0x3F9E] =	sst s2  }
0xb: {  	[smem:$0x3F9F] =	sst s3  }
0xc: {  	[smem:$0x3FA0] =	sst s4  }
0xd: {  	[smem:$0x3FA1] =	sst s5  }
0xe: {  	[smem:$0x3FA2] =	sst s6  }
0xf: {  	[smem:$0x3FA3] =	sst s7  }
0x10: {  	[smem:$0x3FA4] =	sst s8  }
0x11: {  	[smem:$0x3FA5] =	sst s9;
	s0 =	simm.s32 @!p0 $0x0  }
0x12: {  	s1 =	sld [smem:$0x3F8B];
	s0 =	simm.s32 @p0 $0x1  }
0x13: {  	[smem:$0x3FA6] =	sst s0;
	s0 =	simm.s32 @!p1 $0x0  }
0x14: {  	s2 =	sld [smem:$0x3F8A];
	s0 =	simm.s32 @p1 $0x1  }
0x15: {  	[smem:$0x3FA7] =	sst s0;
	s0 =	simm.s32 @!p2 $0x0  }
0x16: {  	s3 =	sld [smem:$0x3FDB];
	s0 =	simm.s32 @p2 $0x1  }
0x17: {  	s4 =	simm.s32 $0x1BF5;
	[smem:$0x3FA9] =	sst s0  }
0x18: {  	s0 =	sld [smem:$0x3F8C];
	_ =	swait.ge [sflag:s4], $0x0  }
0x19: {  	s7 =	sld [smem:$0x3F8D]  }
0x1a: {  	s8 =	sadd.s32 $0xFFFFE003, lr  }
0x1b: {  	s9 =	sadd.s32 $0xFFFFFEF7, lr;
	s5 =	simm.s32 $0xFFFFFFFF;
	p2 =	slt.u32 s8, $0xFFFFF086  }
0x1c: {  	p1 =	slt.u32 s9, $0xF7A;
	s5 =	simm.s32 @!p2 $0x0  }
0x1d: {  	s5 =	simm.s32 @p1 $0x1;
	p0 =	seq.s32 s7, s2  }
0x1e: {  	s7 =	smul.u32 @!p0 $0xF7A, s2;
	p2 =	seq.s32 @!p0 s5, $0x0  }
0x1f: {  	s9 =	smul.u32 $0xF7A, s1;
	s8 =	simm.s32 @!p0 $0x1BF5;
	p2 =	por !p2, p0  }
0x20: {  	[sflag:s8] =	ssyncset.s32 @!p0 $0xFFFFF086;
	s6 =	sadd.s32 @!p0 s3, s7;
	s7 =	simm.s32 @!p0 $0x108  }
0x21: {  	s3 =	sadd.s32 s3, s9;
	s6 =	sadd.s32 @!p0 $0x88, s6;
	s7 =	simm.s32 @p2 $0x1082  }
0x22: {  	[simem:s7], [sflag:s8] =	dma.local @!p0 [hbm:s6], $0xF7A  }
0x23: {  	s9 =	sor.u32 $0xD0000000, s2;
	s6 =	simm.s32 $0x108;
	_ =	swait.ge @!p0 [sflag:s8], $0x0  }
0x24: {  	s3 =	sadd.s32 $0x88, s3;
	s6 =	simm.s32 @!p1 $0x1082;
	[sflag:s4] =	ssyncset.s32 $0xFFFFF086  }
0x25: {  	[simem:s6], [sflag:s4] =	dma.local [hbm:s3], $0xF7A  }
0x26: {  	[smem:$0x3F8D] =	sst s1;
	(tag) =	ssettag s2;
	_ =	strace s9  }
0x27: {  	s1 =	sld [smem:$0x3F9D]  }
0x28: {  	s2 =	sld [smem:$0x3F9E]  }
0x29: {  	s4 =	sld [smem:$0x3FA0]  }
0x2a: {  	p0 =	seq.s32 s5, $0x0;
	s5 =	sld [smem:$0x3FA1]  }
0x2b: {  	s6 =	sld [smem:$0x3FA2]  }
0x2c: {  	s7 =	sld [smem:$0x3FA3]  }
0x2d: {  	s3 =	simm.s32 $0x108;
	s8 =	sld [smem:$0x3FA4]  }
0x2e: {  	s3 =	simm.s32 @!p0 $0x1082;
	s9 =	sld [smem:$0x3FA5]  }
0x2f: {  	lr =	sadd.s32 s0, s3;
	s0 =	sld [smem:$0x3F9C]  }
0x30: {  	s3 =	sld [smem:$0x3F9F]  }
0x31: {  	[smem:$0x3FA8] =	sst s10  }
0x32: {  	s10 =	sld [smem:$0x3FA6];
	_ =	sdelay $0x3  }
0x33: {  	p0 =	seq.s32 s10, $0x1;
	s10 =	sld [smem:$0x3FA8];
	_ =	sdelay $0x3  }
0x34: {  	[smem:$0x3FA8] =	sst s10  }
0x35: {  	s10 =	sld [smem:$0x3FA7];
	_ =	sdelay $0x3  }
0x36: {  	p1 =	seq.s32 s10, $0x1;
	s10 =	sld [smem:$0x3FA8];
	_ =	sdelay $0x3  }
0x37: {  	[smem:$0x3FA8] =	sst s10  }
0x38: {  	s10 =	sld [smem:$0x3FA9]  }
0x39: {  	_ = 	snop;
	(pc) =	sbr.ind lr, $3  }
0x3a: {  	_ = 	snop  }
0x3b: {  	_ = 	snop  }
0x3c: {  	p2 =	seq.s32 s10, $0x1;
	s10 =	sld [smem:$0x3FA8]  }
0x3d: {  	_ =	shalt  }
0x3e: {  	_ =	shalt  }
0x3f: {  	_ =	shalt  }
0x40: {  	_ =	shalt  }
0x41: {  	_ =	shalt  }
0x42: {  	_ =	shalt  }
0x43: {  	_ =	shalt  }
0x44: {  	_ =	shalt  }
0x45: {  	_ =	shalt  }
0x46: {  	_ =	shalt  }
0x47: {  	_ =	shalt  }
0x48: {  	_ =	shalt  }
0x49: {  	_ =	shalt  }
0x4a: {  	_ =	shalt  }
0x4b: {  	_ =	shalt  }
0x4c: {  	_ =	shalt  }
0x4d: {  	_ =	shalt  }
0x4e: {  	_ =	shalt  }
0x4f: {  	_ =	shalt  }
0x50: {  	_ =	shalt  }
0x51: {  	_ =	shalt  }
0x52: {  	_ =	shalt  }
0x53: {  	_ =	shalt  }
0x54: {  	_ =	shalt  }
0x55: {  	_ =	shalt  }
0x56: {  	_ =	shalt  }
0x57: {  	_ =	shalt  }
0x58: {  	_ =	shalt  }
0x59: {  	_ =	shalt  }
0x5a: {  	_ =	shalt  }
0x5b: {  	_ =	shalt  }
0x5c: {  	_ =	shalt  }
0x5d: {  	_ =	shalt  }
0x5e: {  	_ =	shalt  }
0x5f: {  	_ =	shalt  }
0x60: {  	_ =	shalt  }
0x61: {  	_ =	shalt  }
0x62: {  	_ =	shalt  }
0x63: {  	_ =	shalt  }
0x64: {  	_ =	shalt  }
0x65: {  	_ =	shalt  }
0x66: {  	_ =	shalt  }
0x67: {  	_ =	shalt  }
0x68: {  	_ =	shalt  }
0x69: {  	_ =	shalt  }
0x6a: {  	_ =	shalt  }
0x6b: {  	_ =	shalt  }
0x6c: {  	_ =	shalt  }
0x6d: {  	_ =	shalt  }
0x6e: {  	_ =	shalt  }
0x6f: {  	_ =	shalt  }
0x70: {  	_ =	shalt  }
0x71: {  	_ =	shalt  }
0x72: {  	_ =	shalt  }
0x73: {  	_ =	shalt  }
0x74: {  	_ =	shalt  }
0x75: {  	_ =	shalt  }
0x76: {  	_ =	shalt  }
0x77: {  	_ =	shalt  }
0x78: {  	_ =	shalt  }
0x79: {  	_ =	shalt  }
0x7a: {  	_ =	shalt  }
0x7b: {  	_ =	shalt  }
0x7c: {  	_ =	shalt  }
0x7d: {  	_ =	shalt  }
0x7e: {  	_ =	shalt  }
0x7f: {  	_ =	shalt  }
0x80: {  	_ =	shalt  }
0x81: {  	_ =	shalt  }
0x82: {  	_ =	shalt  }
0x83: {  	_ =	shalt  }
0x84: {  	_ =	shalt  }
0x85: {  	_ =	shalt  }
0x86: {  	_ =	shalt  }
0x87: {  	_ =	shalt  }
.Lfunc_end0:
.L_simem_size_0:
called_computation.1_lowered:
.L_overlay_start_0:
0x88: {  	s2 =	sld [smem:$0x3FD9]  }
0x89: {  	s3 =	sld [smem:$0x3FFE];
	_ =	sdelay $0x1  }
0x8a: {  	s1 =	srdreg.scid  }
0x8b: {  	s0 =	sand.u32 $0x1, s1  }
0x8c: {  	s17 =	sshll.u32 s0, $0xA;
	s2 =	sadd.s32 s3, s2  }
0x8d: {  	s2 =	sadd.s32 s2, s17  }
0x8e: {  	[smem:$0x3FB4] =	sst s2  }
0x8f: {  	_ = 	snop  }
0x90: {  	s2 =	sld [smem:$0x3FC9]  }
0x91: {  	s18 =	sld [smem:$0x3FD0];
	(tm) =	ssettm $0x1  }
0x92: {  	s4 =	sld [smem:$0x3FFB];
	_ =	sdelay $0x3  }
0x93: {  	_ =	strace s4  }
0x94: {  	s4 =	sld [smem:$0x3FFC];
	_ =	sdelay $0x3  }
0x95: {  	_ =	strace s4  }
0x96: {  	s4 =	sld [smem:$0x3FFD];
	_ =	sdelay $0x3  }
0x97: {  	_ =	strace s4  }
0x98: {  	_ =	strace $0x8FFFFFFF  }
0x99: {  	s19 =	sld [smem:$0x3FDB];
	_ =	sdelay $0x1  }
0x9a: {  	s5 =	simm.s32 $_scs_section_size  }
0x9b: {  	s6 =	simm.s32 $_size__tile_overlayer_lowered;
	s7 =	simm.s32 $_tile_overlayer_lowered  }
0x9c: {  	s22 =	simm.s32 $0x1BFF;
	s21 =	sshll.u32 s7, $0x1;
	s4 =	sadd.s32 s5, s19  }
0x9d: {  	s8 =	simm.s32 $0x0;
	s20 =	sshll.u32 s6, $0x1;
	s6 =	sadd.s32 s21, s4  }
0x9e: {  	[timem:s8], [sflag:s22] =	dma.local [hbm:s6], s20  }
0x9f: {  	_ =	swait.ge [sflag:s22], s20  }
0xa0: {  	s5 =	ssub.s32 $0x0, s20;
	[sflag:s22] =	ssyncset.done $0x0  }
0xa1: {  	[sflag:s22] =	ssyncadd.s32 s5;
	_ =	sdelay $0x1  }
0xa2: {  	s23 =	simm.s32 $0x1B8B  }
0xa3: {  	_ =	swait.ge [sflag:s23], $0x1  }
0xa4: {  	[sflag:s23] =	ssyncset.done $0x0  }
0xa5: {  	s25 =	simm.s32 $0x1B8E;
	s24 =	sld [smem:$0x3FFE];
	[sflag:s23] =	ssyncadd.s32 $0xFFFFFFFF  }
0xa6: {  	s26 =	simm.s32 $execute0_lowered;
	[smem:$0x3FD2] =	sst s25  }
0xa7: {  	s6 =	sshll.u32 s26, $0x1;
	_ =	strace $0x80000046;
	[dreg:$0x1] =	wrdreg $0xFFFFFFFF  }
0xa8: {  	s28 =	simm.s32 $_size_execute0_lowered;
	s4 =	sadd.s32 s4, s6;
	[dreg:$0x0] =	wrdreg $0x0  }
0xa9: {  	s6 =	sshll.u32 s28, $0x1;
	[dreg:$0x2] =	wrdreg s4  }
0xaa: {  	[dreg:$0x3] =	wrdreg s6  }
0xab: {  	[dreg:$0x4] =	wrdreg $0xC0  }
0xac: {  	_ =	task [dreg:s8], $0x5FFFF  }
0xad: {  	[dreg:$0x1] =	wrdreg $0xFFFFFFFF  }
0xae: {  	[dreg:$0x0] =	wrdreg $0x60  }
0xaf: {  	[dreg:$0x2] =	wrdreg s2  }
0xb0: {  	[dreg:$0x3] =	wrdreg s18  }
0xb1: {  	[dreg:$0x4] =	wrdreg s24  }
0xb2: {  	[dreg:$0x5] =	wrdreg $0x90000  }
0xb3: {  	[dreg:$0x6] =	wrdreg $0xA  }
0xb4: {  	_ =	task.clear_ibuf [dreg:s8], $0x7FFFF;
	_ =	strace $0x90000046  }
0xb5: {  	s29 =	simm.s32 $0xA;
	_ =	strace $0x80000048  }
0xb6: {  	_ =	swait.ge [sflag:s29], $0x1  }
0xb7: {  	[sflag:s29] =	ssyncadd.s32 $0xFFFFFFFF  }
0xb8: {  	_ =	strace $0x90000048  }
0xb9: {  	_ =	sfence  }
0xba: {  	s30 =	sld [smem:$0x0];
	_ =	sdelay $0x2  }
0xbb: {  	s31 =	sshll.u32 s1, $0xD;
	s1 =	sshrl.u32 s1, $0x2  }
0xbc: {  	s3 =	sand.u32 $0x4000, s31;
	s1 =	sadd.s32 s1, s30  }
0xbd: {  	s0 =	sor.u32 s3, s0;
	s1 =	sshll.u32 s1, $0x11  }
0xbe: {  	s0 =	sor.u32 s1, s0  }
0xbf: {  	s0 =	sadd.s32 $0x8F2B, s0  }
0xc0: {  	[sflag:s0] =	ssyncadd.remote.s32 $0x1  }
0xc1: {  	_ =	sfence.sel $0xFFFF  }
0xc2: {  	[dreg:$0x0] =	wrdreg $0xFFFFFFFF;
	(pc) =	sbr.abs _section_cstart, $3  }
0xc3: {  	[dreg:$0x1] =	wrdreg $0xFFFFFFFF  }
0xc4: {  	_ =	task.clear_ibuf [dreg:s8], $0x2FFFF;
	_ =	strace $0x9FFFFFFF  }
0xc5: {  	(tm) =	ssettm $0x7FFFFFFF  }
tec
execute0_lowered:
.L_overlay_start_1:
0x0: {  	(tag) =	ssettag $0x1  }
0x1: {  	s1 =	rddreg [dreg:$0x0]  }
0x2: {  	s5 =	rddreg [dreg:$0x1]  }
0x3: {  	s0 =	srdreg.scid;
	s7 =	rddreg [dreg:$0x2]  }
0x4: {  	s10 =	stileid.u32;
	s3 =	rddreg [dreg:$0x3]  }
0x5: {  	s4 =	simm.s32 $0x0;
	s14 =	simm.s32 $0x100;
	s15 =	simm.s32 $0x880  }
0x6: {  	s17 =	simm.s32 $0x180;
	[smem:$0x7FF] =	sst s4;
	s26 =	sadd.s32 $0xF600, s7  }
0x7: {  	s18 =	simm.s32 $0x900;
	_ =	strace $0x80000047;
	[dreg:$0x13] =	wrdreg s26  }
0x8: {  	s19 =	simm.s32 $0x200;
	s20 =	simm.s32 $0x980;
	[dreg:$0x7] =	wrdreg s14  }
0x9: {  	s21 =	simm.s32 $0x280;
	s22 =	simm.s32 $0xA00;
	[dreg:$0x8] =	wrdreg s15  }
0xa: {  	s23 =	simm.s32 $0x300;
	s28 =	simm.s32 $0x680;
	[dreg:$0x9] =	wrdreg s17  }
0xb: {  	s29 =	simm.s32 $0xE00;
	s30 =	simm.s32 $0x700;
	[dreg:$0xa] =	wrdreg s18  }
0xc: {  	s31 =	simm.s32 $0xE80;
	s6 =	smul.u32 $0x2800, s10;
	[dreg:$0xb] =	wrdreg s19  }
0xd: {  	s0 =	sand.u32 $0x1, s0;
	s9 =	smul.u32 $0x14000, s10;
	[dreg:$0xc] =	wrdreg s20  }
0xe: {  	s12 =	smul.u32 $0x50000, s10;
	s16 =	sshll.u32 s10, $0x6;
	[dreg:$0xd] =	wrdreg s21  }
0xf: {  	s10 =	simm.s32 $0x3;
	s2 =	smul.u32 $0x28000, s0;
	[dreg:$0xe] =	wrdreg s22  }
0x10: {  	s8 =	smul.u32 $0x140000, s0;
	s0 =	ssub.s32 $0x2, s0;
	[dreg:$0xf] =	wrdreg s23  }
0x11: {  	s14 =	simm.s32 $0x1;
	s26 =	simm.s32 $0xB00;
	s15 =	simm.s32 $0x5000  }
0x12: {  	s17 =	simm.s32 $0x400;
	s18 =	simm.s32 $0xB80;
	s19 =	simm.s32 $0x480  }
0x13: {  	s20 =	simm.s32 $0xC00;
	s21 =	simm.s32 $0x500;
	s22 =	simm.s32 $0xC80  }
0x14: {  	s23 =	simm.s32 $0x580;
	s11 =	sshrl.u32 s0, $0x1;
	s13 =	sshrl.u32 s12, $0x2  }
0x15: {  	s12 =	simm.s32 $0x80;
	[dreg:$0x12] =	wrdreg s26;
	s26 =	simm.s32 $0xD80  }
0x16: {  	s2 =	sadd.s32 s6, s2;
	s24 =	sadd.s32 s9, s8;
	s0 =	ssub.s32 s0, s11  }
0x17: {  	s11 =	simm.s32 $0x800;
	s9 =	simm.s32 $0x0;
	s2 =	sshrl.u32 s2, $0x3  }
0x18: {  	s6 =	sshrl.u32 s24, $0x3;
	s0 =	smax.u32 s0, $0x1;
	s24 =	simm.s32 $0xA80  }
0x19: {  	s25 =	sadd.s32 s2, s7;
	s6 =	sadd.s32 s6, s7;
	[dreg:$0x16] =	wrdreg s0  }
0x1a: {  	s2 =	sadd.s32 s2, s5;
	s5 =	sadd.s32 s13, s3;
	[dreg:$0x10] =	wrdreg s24  }
0x1b: {  	s7 =	sor.u32 $0x1C03, s16;
	s13 =	simm.s32 $0x1000;
	[dreg:$0x6] =	wrdreg s2  }
0x1c: {  	s16 =	simm.s32 $0x2;
	s8 =	sadd.s32 $0x5600, s25;
	[dreg:$0x14] =	wrdreg s7  }
0x1d: {  	s24 =	simm.s32 $0xD00;
	s6 =	sadd.s32 $0x11E00, s6;
	[dreg:$0x5] =	wrdreg s8  }
0x1e: {  	s0 =	simm.s32 $0xF00;
	s25 =	simm.s32 $0x380;
	[dreg:$0x15] =	wrdreg s6  }
0x1f: {  	s2 =	simm.s32 $0x780;
	s8 =	sshrl.u32 s5, $0x3;
	[dreg:$0x11] =	wrdreg s25  }
0x20: {  	s25 =	simm.s32 $0x600;
	s5 =	simm.s32 $0xF80;
	[dreg:$0x17] =	wrdreg s8  }
.LBB2_1:
0x21: {  	[dreg:$0x18] =	wrdreg s9  }
0x22: {  	s6 =	rddreg [dreg:$0x13]  }
0x23: {  	[spmem:s8], [sflag:s7] =	dma.local [hbm:s6], $0x2800  }
0x24: {  	_ =	swait.ge [sflag:s10], $0x2800  }
0x25: {  	[sflag:s10] =	ssyncset.done $0x0  }
0x26: {  	[sflag:s10] =	ssyncadd.s32 $0xFFFFD800  }
0x27: {  	[bflag:$0x0] =	sbarrier.arrive $0xFFFF  }
0x28: {  	s7 =	rddreg [dreg:$0x6]  }
0x29: {  	s6 =	sadd.s32 $0x0, s7  }
0x2a: {  	[tilespmem:s4], [sflag:$0x3] =	stream.linear.gather [hbm4b:s6+s4], $0x800, $0x38;
	[tilespmem:$0x1D000] =	vst v63  }
0x2b: {  	_ =	swait.ge [sflag:s10], $0x800  }
0x2c: {  	s8 =	rddreg [dreg:$0x5];
	[sflag:s10] =	ssyncset.done $0x0  }
0x2d: {  	[sflag:s10] =	ssyncadd.s32 $0xFFFFF800;
	s6 =	sadd.s32 $0x0, s8  }
0x2e: {  	[tilespmem:s11], [sflag:$0x3] =	stream.linear.gather [hbm4b:s6+s4], $0x800, $0x38;
	[tilespmem:$0x1D000] =	vst v63  }
0x2f: {  	_ =	swait.ge [sflag:s10], $0x800  }
0x30: {  	[sflag:s10] =	ssyncset.done $0x0  }
0x31: {  	[sflag:s10] =	ssyncadd.s32 $0xFFFFF800  }
0x32: {  	[tilespmem:s13], [sflag:$0x1] =	stream.indirect.gather [hbm4b:s1+s12], $0x80, s4, s12, $0xb8;
	[tilespmem:$0x1D000] =	vst v63  }
0x33: {  	_ =	swait.ge [sflag:s14], $0x4000  }
0x34: {  	[sflag:s14] =	ssyncset.done $0x0  }
0x35: {  	[sflag:s14] =	ssyncadd.s32 $0xFFFFC000  }
0x36: {  	[tilespmem:s15], [sflag:$0x2] =	stream.indirect.gather [hbm4b:s1+s12], $0x80, s12, s12, $0xb8;
	[tilespmem:$0x1D000] =	vst v63  }
0x37: {  	_ = 	snop  }
0x38: {  	[spmem:s3] =	stream.indirect.scatter.add.f32 [tilespmem:s13], [sflag:$0x3], $0x80, s11, s12, $0xb8;
	[tilespmem:$0x1D000] =	vst v63  }
0x39: {  	_ =	swait.ge [sflag:s10], $0x4000  }
0x3a: {  	[sflag:s10] =	ssyncset.done $0x0  }
0x3b: {  	[sflag:s10] =	ssyncadd.s32 $0xFFFFC000  }
0x3c: {  	_ =	swait.ge [sflag:s16], $0x4000  }
0x3d: {  	[sflag:s16] =	ssyncset.done $0x0  }
0x3e: {  	s9 =	rddreg [dreg:$0x7];
	[sflag:s16] =	ssyncadd.s32 $0xFFFFC000  }
0x3f: {  	[tilespmem:s13], [sflag:$0x1] =	stream.indirect.gather [hbm4b:s1+s12], $0x80, s9, s12, $0xb8;
	[tilespmem:$0x1D000] =	vst v63  }
0x40: {  	s7 =	rddreg [dreg:$0x8]  }
0x41: {  	[spmem:s3] =	stream.indirect.scatter.add.f32 [tilespmem:s15], [sflag:$0x3], $0x80, s7, s12, $0xb8;
	[tilespmem:$0x1D000] =	vst v63  }
0x42: {  	_ =	swait.ge [sflag:s10], $0x4000  }
0x43: {  	[sflag:s10] =	ssyncset.done $0x0  }
0x44: {  	[sflag:s10] =	ssyncadd.s32 $0xFFFFC000  }
0x45: {  	_ =	swait.ge [sflag:s14], $0x4000  }
0x46: {  	[sflag:s14] =	ssyncset.done $0x0  }
0x47: {  	s9 =	rddreg [dreg:$0x9];
	[sflag:s14] =	ssyncadd.s32 $0xFFFFC000  }
0x48: {  	[tilespmem:s15], [sflag:$0x2] =	stream.indirect.gather [hbm4b:s1+s12], $0x80, s9, s12, $0xb8;
	[tilespmem:$0x1D000] =	vst v63  }
0x49: {  	s7 =	rddreg [dreg:$0xa]  }
0x4a: {  	[spmem:s3] =	stream.indirect.scatter.add.f32 [tilespmem:s13], [sflag:$0x3], $0x80, s7, s12, $0xb8;
	[tilespmem:$0x1D000] =	vst v63  }
0x4b: {  	_ =	swait.ge [sflag:s10], $0x4000  }
0x4c: {  	[sflag:s10] =	ssyncset.done $0x0  }
0x4d: {  	[sflag:s10] =	ssyncadd.s32 $0xFFFFC000  }
0x4e: {  	_ =	swait.ge [sflag:s16], $0x4000  }
0x4f: {  	[sflag:s16] =	ssyncset.done $0x0  }
0x50: {  	s9 =	rddreg [dreg:$0xb];
	[sflag:s16] =	ssyncadd.s32 $0xFFFFC000  }
0x51: {  	[tilespmem:s13], [sflag:$0x1] =	stream.indirect.gather [hbm4b:s1+s12], $0x80, s9, s12, $0xb8;
	[tilespmem:$0x1D000] =	vst v63  }
0x52: {  	s7 =	rddreg [dreg:$0xc]  }
0x53: {  	[spmem:s3] =	stream.indirect.scatter.add.f32 [tilespmem:s15], [sflag:$0x3], $0x80, s7, s12, $0xb8;
	[tilespmem:$0x1D000] =	vst v63  }
0x54: {  	_ =	swait.ge [sflag:s10], $0x4000  }
0x55: {  	[sflag:s10] =	ssyncset.done $0x0  }
0x56: {  	[sflag:s10] =	ssyncadd.s32 $0xFFFFC000  }
0x57: {  	_ =	swait.ge [sflag:s14], $0x4000  }
0x58: {  	[sflag:s14] =	ssyncset.done $0x0  }
0x59: {  	s9 =	rddreg [dreg:$0xd];
	[sflag:s14] =	ssyncadd.s32 $0xFFFFC000  }
0x5a: {  	[tilespmem:s15], [sflag:$0x2] =	stream.indirect.gather [hbm4b:s1+s12], $0x80, s9, s12, $0xb8;
	[tilespmem:$0x1D000] =	vst v63  }
0x5b: {  	s7 =	rddreg [dreg:$0xe]  }
0x5c: {  	[spmem:s3] =	stream.indirect.scatter.add.f32 [tilespmem:s13], [sflag:$0x3], $0x80, s7, s12, $0xb8;
	[tilespmem:$0x1D000] =	vst v63  }
0x5d: {  	_ =	swait.ge [sflag:s10], $0x4000  }
0x5e: {  	[sflag:s10] =	ssyncset.done $0x0  }
0x5f: {  	[sflag:s10] =	ssyncadd.s32 $0xFFFFC000  }
0x60: {  	_ =	swait.ge [sflag:s16], $0x4000  }
0x61: {  	[sflag:s16] =	ssyncset.done $0x0  }
0x62: {  	s9 =	rddreg [dreg:$0xf];
	[sflag:s16] =	ssyncadd.s32 $0xFFFFC000  }
0x63: {  	[tilespmem:s13], [sflag:$0x1] =	stream.indirect.gather [hbm4b:s1+s12], $0x80, s9, s12, $0xb8;
	[tilespmem:$0x1D000] =	vst v63  }
0x64: {  	s7 =	rddreg [dreg:$0x10]  }
0x65: {  	[spmem:s3] =	stream.indirect.scatter.add.f32 [tilespmem:s15], [sflag:$0x3], $0x80, s7, s12, $0xb8;
	[tilespmem:$0x1D000] =	vst v63  }
0x66: {  	_ =	swait.ge [sflag:s10], $0x4000  }
0x67: {  	[sflag:s10] =	ssyncset.done $0x0  }
0x68: {  	[sflag:s10] =	ssyncadd.s32 $0xFFFFC000  }
0x69: {  	_ =	swait.ge [sflag:s14], $0x4000  }
0x6a: {  	[sflag:s14] =	ssyncset.done $0x0  }
0x6b: {  	s8 =	rddreg [dreg:$0x11];
	[sflag:s14] =	ssyncadd.s32 $0xFFFFC000  }
0x6c: {  	[tilespmem:s15], [sflag:$0x2] =	stream.indirect.gather [hbm4b:s1+s12], $0x80, s8, s12, $0xb8;
	[tilespmem:$0x1D000] =	vst v63  }
0x6d: {  	s9 =	rddreg [dreg:$0x12]  }
0x6e: {  	[spmem:s3] =	stream.indirect.scatter.add.f32 [tilespmem:s13], [sflag:$0x3], $0x80, s9, s12, $0xb8;
	[tilespmem:$0x1D000] =	vst v63  }
0x6f: {  	_ =	swait.ge [sflag:s10], $0x4000  }
0x70: {  	[sflag:s10] =	ssyncset.done $0x0  }
0x71: {  	[sflag:s10] =	ssyncadd.s32 $0xFFFFC000  }
0x72: {  	_ =	swait.ge [sflag:s16], $0x4000  }
0x73: {  	[sflag:s16] =	ssyncset.done $0x0  }
0x74: {  	[sflag:s16] =	ssyncadd.s32 $0xFFFFC000  }
0x75: {  	[tilespmem:s13], [sflag:$0x1] =	stream.indirect.gather [hbm4b:s1+s12], $0x80, s17, s12, $0xb8;
	[tilespmem:$0x1D000] =	vst v63  }
0x76: {  	_ = 	snop  }
0x77: {  	[spmem:s3] =	stream.indirect.scatter.add.f32 [tilespmem:s15], [sflag:$0x3], $0x80, s18, s12, $0xb8;
	[tilespmem:$0x1D000] =	vst v63  }
0x78: {  	_ =	swait.ge [sflag:s10], $0x4000  }
0x79: {  	[sflag:s10] =	ssyncset.done $0x0  }
0x7a: {  	[sflag:s10] =	ssyncadd.s32 $0xFFFFC000  }
0x7b: {  	_ =	swait.ge [sflag:s14], $0x4000  }
0x7c: {  	[sflag:s14] =	ssyncset.done $0x0  }
0x7d: {  	[sflag:s14] =	ssyncadd.s32 $0xFFFFC000  }
0x7e: {  	[tilespmem:s15], [sflag:$0x2] =	stream.indirect.gather [hbm4b:s1+s12], $0x80, s19, s12, $0xb8;
	[tilespmem:$0x1D000] =	vst v63  }
0x7f: {  	_ = 	snop  }
0x80: {  	[spmem:s3] =	stream.indirect.scatter.add.f32 [tilespmem:s13], [sflag:$0x3], $0x80, s20, s12, $0xb8;
	[tilespmem:$0x1D000] =	vst v63  }
0x81: {  	_ =	swait.ge [sflag:s10], $0x4000  }
0x82: {  	[sflag:s10] =	ssyncset.done $0x0  }
0x83: {  	[sflag:s10] =	ssyncadd.s32 $0xFFFFC000  }
0x84: {  	_ =	swait.ge [sflag:s16], $0x4000  }
0x85: {  	[sflag:s16] =	ssyncset.done $0x0  }
0x86: {  	[sflag:s16] =	ssyncadd.s32 $0xFFFFC000  }
0x87: {  	[tilespmem:s13], [sflag:$0x1] =	stream.indirect.gather [hbm4b:s1+s12], $0x80, s21, s12, $0xb8;
	[tilespmem:$0x1D000] =	vst v63  }
0x88: {  	_ = 	snop  }
0x89: {  	[spmem:s3] =	stream.indirect.scatter.add.f32 [tilespmem:s15], [sflag:$0x3], $0x80, s22, s12, $0xb8;
	[tilespmem:$0x1D000] =	vst v63  }
0x8a: {  	_ =	swait.ge [sflag:s10], $0x4000  }
0x8b: {  	[sflag:s10] =	ssyncset.done $0x0  }
0x8c: {  	[sflag:s10] =	ssyncadd.s32 $0xFFFFC000  }
0x8d: {  	_ =	swait.ge [sflag:s14], $0x4000  }
0x8e: {  	[sflag:s14] =	ssyncset.done $0x0  }
0x8f: {  	[sflag:s14] =	ssyncadd.s32 $0xFFFFC000  }
0x90: {  	[tilespmem:s15], [sflag:$0x2] =	stream.indirect.gather [hbm4b:s1+s12], $0x80, s23, s12, $0xb8;
	[tilespmem:$0x1D000] =	vst v63  }
0x91: {  	_ = 	snop  }
0x92: {  	[spmem:s3] =	stream.indirect.scatter.add.f32 [tilespmem:s13], [sflag:$0x3], $0x80, s24, s12, $0xb8;
	[tilespmem:$0x1D000] =	vst v63  }
0x93: {  	_ =	swait.ge [sflag:s10], $0x4000  }
0x94: {  	[sflag:s10] =	ssyncset.done $0x0  }
0x95: {  	[sflag:s10] =	ssyncadd.s32 $0xFFFFC000  }
0x96: {  	_ =	swait.ge [sflag:s16], $0x4000  }
0x97: {  	[sflag:s16] =	ssyncset.done $0x0  }
0x98: {  	[sflag:s16] =	ssyncadd.s32 $0xFFFFC000  }
0x99: {  	[tilespmem:s13], [sflag:$0x1] =	stream.indirect.gather [hbm4b:s1+s12], $0x80, s25, s12, $0xb8;
	[tilespmem:$0x1D000] =	vst v63  }
0x9a: {  	_ = 	snop  }
0x9b: {  	[spmem:s3] =	stream.indirect.scatter.add.f32 [tilespmem:s15], [sflag:$0x3], $0x80, s26, s12, $0xb8;
	[tilespmem:$0x1D000] =	vst v63  }
0x9c: {  	_ =	swait.ge [sflag:s10], $0x4000  }
0x9d: {  	[sflag:s10] =	ssyncset.done $0x0  }
0x9e: {  	[sflag:s10] =	ssyncadd.s32 $0xFFFFC000  }
0x9f: {  	_ =	swait.ge [sflag:s14], $0x4000  }
0xa0: {  	[sflag:s14] =	ssyncset.done $0x0  }
0xa1: {  	[sflag:s14] =	ssyncadd.s32 $0xFFFFC000  }
0xa2: {  	[tilespmem:s15], [sflag:$0x2] =	stream.indirect.gather [hbm4b:s1+s12], $0x80, s28, s12, $0xb8;
	[tilespmem:$0x1D000] =	vst v63  }
0xa3: {  	_ = 	snop  }
0xa4: {  	[spmem:s3] =	stream.indirect.scatter.add.f32 [tilespmem:s13], [sflag:$0x3], $0x80, s29, s12, $0xb8;
	[tilespmem:$0x1D000] =	vst v63  }
0xa5: {  	_ =	swait.ge [sflag:s10], $0x4000  }
0xa6: {  	[sflag:s10] =	ssyncset.done $0x0  }
0xa7: {  	[sflag:s10] =	ssyncadd.s32 $0xFFFFC000  }
0xa8: {  	_ =	swait.ge [sflag:s16], $0x4000  }
0xa9: {  	[sflag:s16] =	ssyncset.done $0x0  }
0xaa: {  	[sflag:s16] =	ssyncadd.s32 $0xFFFFC000  }
0xab: {  	[tilespmem:s13], [sflag:$0x1] =	stream.indirect.gather [hbm4b:s1+s12], $0x80, s30, s12, $0xb8;
	[tilespmem:$0x1D000] =	vst v63  }
0xac: {  	_ = 	snop  }
0xad: {  	[spmem:s3] =	stream.indirect.scatter.add.f32 [tilespmem:s15], [sflag:$0x3], $0x80, s31, s12, $0xb8;
	[tilespmem:$0x1D000] =	vst v63  }
0xae: {  	_ =	swait.ge [sflag:s10], $0x4000  }
0xaf: {  	[sflag:s10] =	ssyncset.done $0x0  }
0xb0: {  	[sflag:s10] =	ssyncadd.s32 $0xFFFFC000  }
0xb1: {  	_ =	swait.ge [sflag:s14], $0x4000  }
0xb2: {  	[sflag:s14] =	ssyncset.done $0x0  }
0xb3: {  	[sflag:s14] =	ssyncadd.s32 $0xFFFFC000  }
0xb4: {  	[tilespmem:s15], [sflag:$0x2] =	stream.indirect.gather [hbm4b:s1+s12], $0x80, s2, s12, $0xb8;
	[tilespmem:$0x1D000] =	vst v63  }
0xb5: {  	_ = 	snop  }
0xb6: {  	[spmem:s3] =	stream.indirect.scatter.add.f32 [tilespmem:s13], [sflag:$0x3], $0x80, s0, s12, $0xb8;
	[tilespmem:$0x1D000] =	vst v63  }
0xb7: {  	_ =	swait.ge [sflag:s10], $0x4000  }
0xb8: {  	[sflag:s10] =	ssyncset.done $0x0  }
0xb9: {  	[sflag:s10] =	ssyncadd.s32 $0xFFFFC000  }
0xba: {  	_ =	swait.ge [sflag:s16], $0x4000  }
0xbb: {  	[sflag:s16] =	ssyncset.done $0x0  }
0xbc: {  	[sflag:s16] =	ssyncadd.s32 $0xFFFFC000  }
0xbd: {  	[spmem:s3] =	stream.indirect.scatter.add.f32 [tilespmem:s15], [sflag:$0x3], $0x80, s5, s12, $0xb8;
	[tilespmem:$0x1D000] =	vst v63  }
0xbe: {  	s6 =	simm.s32 $0x200;
	_ =	swait.ge [sflag:s10], $0x4000  }
0xbf: {  	s8 =	simm.s32 $0x100;
	s9 =	rddreg [dreg:$0x6];
	[sflag:s10] =	ssyncset.done $0x0  }
.LBB2_2:
0xc0: {  	[sflag:s10] =	ssyncadd.s32 $0xFFFFC000;
	s9 =	sadd.s32 s8, s9  }
0xc1: {  	[tilespmem:s4], [sflag:$0x3] =	stream.linear.gather [hbm4b:s9+s4], $0x800, $0x38;
	[tilespmem:$0x1D000] =	vst v63  }
0xc2: {  	_ =	swait.ge [sflag:s10], $0x800  }
0xc3: {  	s9 =	rddreg [dreg:$0x5];
	[sflag:s10] =	ssyncset.done $0x0  }
0xc4: {  	[sflag:s10] =	ssyncadd.s32 $0xFFFFF800;
	s9 =	sadd.s32 s8, s9  }
0xc5: {  	[tilespmem:s11], [sflag:$0x3] =	stream.linear.gather [hbm4b:s9+s4], $0x800, $0x38;
	[tilespmem:$0x1D000] =	vst v63  }
0xc6: {  	_ =	swait.ge [sflag:s10], $0x800  }
0xc7: {  	[sflag:s10] =	ssyncset.done $0x0  }
0xc8: {  	[sflag:s10] =	ssyncadd.s32 $0xFFFFF800  }
0xc9: {  	[tilespmem:s13], [sflag:$0x1] =	stream.indirect.gather [hbm4b:s1+s12], $0x80, s4, s12, $0xb8;
	[tilespmem:$0x1D000] =	vst v63  }
0xca: {  	_ =	swait.ge [sflag:s14], $0x4000  }
0xcb: {  	[sflag:s14] =	ssyncset.done $0x0  }
0xcc: {  	[sflag:s14] =	ssyncadd.s32 $0xFFFFC000  }
0xcd: {  	[tilespmem:s15], [sflag:$0x2] =	stream.indirect.gather [hbm4b:s1+s12], $0x80, s12, s12, $0xb8;
	[tilespmem:$0x1D000] =	vst v63  }
0xce: {  	_ = 	snop  }
0xcf: {  	[spmem:s3] =	stream.indirect.scatter.add.f32 [tilespmem:s13], [sflag:$0x3], $0x80, s11, s12, $0xb8;
	[tilespmem:$0x1D000] =	vst v63  }
0xd0: {  	_ =	swait.ge [sflag:s10], $0x4000  }
0xd1: {  	[sflag:s10] =	ssyncset.done $0x0  }
0xd2: {  	[sflag:s10] =	ssyncadd.s32 $0xFFFFC000  }
0xd3: {  	_ =	swait.ge [sflag:s16], $0x4000  }
0xd4: {  	s7 =	smov.u32 s6;
	[sflag:s16] =	ssyncset.done $0x0  }
0xd5: {  	s8 =	smov.u32 s7;
	s7 =	rddreg [dreg:$0x7];
	[sflag:s16] =	ssyncadd.s32 $0xFFFFC000  }
0xd6: {  	[tilespmem:s13], [sflag:$0x1] =	stream.indirect.gather [hbm4b:s1+s12], $0x80, s7, s12, $0xb8;
	[tilespmem:$0x1D000] =	vst v63  }
0xd7: {  	s9 =	rddreg [dreg:$0x8]  }
0xd8: {  	[spmem:s3] =	stream.indirect.scatter.add.f32 [tilespmem:s15], [sflag:$0x3], $0x80, s9, s12, $0xb8;
	[tilespmem:$0x1D000] =	vst v63  }
0xd9: {  	_ =	swait.ge [sflag:s10], $0x4000  }
0xda: {  	[sflag:s10] =	ssyncset.done $0x0  }
0xdb: {  	[sflag:s10] =	ssyncadd.s32 $0xFFFFC000  }
0xdc: {  	_ =	swait.ge [sflag:s14], $0x4000  }
0xdd: {  	[sflag:s14] =	ssyncset.done $0x0  }
0xde: {  	s7 =	rddreg [dreg:$0x9];
	[sflag:s14] =	ssyncadd.s32 $0xFFFFC000  }
0xdf: {  	[tilespmem:s15], [sflag:$0x2] =	stream.indirect.gather [hbm4b:s1+s12], $0x80, s7, s12, $0xb8;
	[tilespmem:$0x1D000] =	vst v63  }
0xe0: {  	s9 =	rddreg [dreg:$0xa]  }
0xe1: {  	[spmem:s3] =	stream.indirect.scatter.add.f32 [tilespmem:s13], [sflag:$0x3], $0x80, s9, s12, $0xb8;
	[tilespmem:$0x1D000] =	vst v63  }
0xe2: {  	_ =	swait.ge [sflag:s10], $0x4000  }
0xe3: {  	[sflag:s10] =	ssyncset.done $0x0  }
0xe4: {  	[sflag:s10] =	ssyncadd.s32 $0xFFFFC000  }
0xe5: {  	_ =	swait.ge [sflag:s16], $0x4000  }
0xe6: {  	[sflag:s16] =	ssyncset.done $0x0  }
0xe7: {  	s7 =	rddreg [dreg:$0xb];
	[sflag:s16] =	ssyncadd.s32 $0xFFFFC000  }
0xe8: {  	[tilespmem:s13], [sflag:$0x1] =	stream.indirect.gather [hbm4b:s1+s12], $0x80, s7, s12, $0xb8;
	[tilespmem:$0x1D000] =	vst v63  }
0xe9: {  	s9 =	rddreg [dreg:$0xc]  }
0xea: {  	[spmem:s3] =	stream.indirect.scatter.add.f32 [tilespmem:s15], [sflag:$0x3], $0x80, s9, s12, $0xb8;
	[tilespmem:$0x1D000] =	vst v63  }
0xeb: {  	_ =	swait.ge [sflag:s10], $0x4000  }
0xec: {  	[sflag:s10] =	ssyncset.done $0x0  }
0xed: {  	[sflag:s10] =	ssyncadd.s32 $0xFFFFC000  }
0xee: {  	_ =	swait.ge [sflag:s14], $0x4000  }
0xef: {  	[sflag:s14] =	ssyncset.done $0x0  }
0xf0: {  	s7 =	rddreg [dreg:$0xd];
	[sflag:s14] =	ssyncadd.s32 $0xFFFFC000  }
0xf1: {  	[tilespmem:s15], [sflag:$0x2] =	stream.indirect.gather [hbm4b:s1+s12], $0x80, s7, s12, $0xb8;
	[tilespmem:$0x1D000] =	vst v63  }
0xf2: {  	s9 =	rddreg [dreg:$0xe]  }
0xf3: {  	[spmem:s3] =	stream.indirect.scatter.add.f32 [tilespmem:s13], [sflag:$0x3], $0x80, s9, s12, $0xb8;
	[tilespmem:$0x1D000] =	vst v63  }
0xf4: {  	_ =	swait.ge [sflag:s10], $0x4000  }
0xf5: {  	[sflag:s10] =	ssyncset.done $0x0  }
0xf6: {  	[sflag:s10] =	ssyncadd.s32 $0xFFFFC000  }
0xf7: {  	_ =	swait.ge [sflag:s16], $0x4000  }
0xf8: {  	[sflag:s16] =	ssyncset.done $0x0  }
0xf9: {  	s7 =	rddreg [dreg:$0xf];
	[sflag:s16] =	ssyncadd.s32 $0xFFFFC000  }
0xfa: {  	[tilespmem:s13], [sflag:$0x1] =	stream.indirect.gather [hbm4b:s1+s12], $0x80, s7, s12, $0xb8;
	[tilespmem:$0x1D000] =	vst v63  }
0xfb: {  	s9 =	rddreg [dreg:$0x10]  }
0xfc: {  	[spmem:s3] =	stream.indirect.scatter.add.f32 [tilespmem:s15], [sflag:$0x3], $0x80, s9, s12, $0xb8;
	[tilespmem:$0x1D000] =	vst v63  }
0xfd: {  	_ =	swait.ge [sflag:s10], $0x4000  }
0xfe: {  	[sflag:s10] =	ssyncset.done $0x0  }
0xff: {  	[sflag:s10] =	ssyncadd.s32 $0xFFFFC000  }
0x100: {  	_ =	swait.ge [sflag:s14], $0x4000  }
0x101: {  	[sflag:s14] =	ssyncset.done $0x0  }
0x102: {  	s7 =	rddreg [dreg:$0x11];
	[sflag:s14] =	ssyncadd.s32 $0xFFFFC000  }
0x103: {  	[tilespmem:s15], [sflag:$0x2] =	stream.indirect.gather [hbm4b:s1+s12], $0x80, s7, s12, $0xb8;
	[tilespmem:$0x1D000] =	vst v63  }
0x104: {  	s9 =	rddreg [dreg:$0x12]  }
0x105: {  	[spmem:s3] =	stream.indirect.scatter.add.f32 [tilespmem:s13], [sflag:$0x3], $0x80, s9, s12, $0xb8;
	[tilespmem:$0x1D000] =	vst v63  }
0x106: {  	_ =	swait.ge [sflag:s10], $0x4000  }
0x107: {  	[sflag:s10] =	ssyncset.done $0x0  }
0x108: {  	[sflag:s10] =	ssyncadd.s32 $0xFFFFC000  }
0x109: {  	_ =	swait.ge [sflag:s16], $0x4000  }
0x10a: {  	[sflag:s16] =	ssyncset.done $0x0  }
0x10b: {  	[sflag:s16] =	ssyncadd.s32 $0xFFFFC000  }
0x10c: {  	[tilespmem:s13], [sflag:$0x1] =	stream.indirect.gather [hbm4b:s1+s12], $0x80, s17, s12, $0xb8;
	[tilespmem:$0x1D000] =	vst v63  }
0x10d: {  	_ = 	snop  }
0x10e: {  	[spmem:s3] =	stream.indirect.scatter.add.f32 [tilespmem:s15], [sflag:$0x3], $0x80, s18, s12, $0xb8;
	[tilespmem:$0x1D000] =	vst v63  }
0x10f: {  	_ =	swait.ge [sflag:s10], $0x4000  }
0x110: {  	[sflag:s10] =	ssyncset.done $0x0  }
0x111: {  	[sflag:s10] =	ssyncadd.s32 $0xFFFFC000  }
0x112: {  	_ =	swait.ge [sflag:s14], $0x4000  }
0x113: {  	[sflag:s14] =	ssyncset.done $0x0  }
0x114: {  	[sflag:s14] =	ssyncadd.s32 $0xFFFFC000  }
0x115: {  	[tilespmem:s15], [sflag:$0x2] =	stream.indirect.gather [hbm4b:s1+s12], $0x80, s19, s12, $0xb8;
	[tilespmem:$0x1D000] =	vst v63  }
0x116: {  	_ = 	snop  }
0x117: {  	[spmem:s3] =	stream.indirect.scatter.add.f32 [tilespmem:s13], [sflag:$0x3], $0x80, s20, s12, $0xb8;
	[tilespmem:$0x1D000] =	vst v63  }
0x118: {  	_ =	swait.ge [sflag:s10], $0x4000  }
0x119: {  	[sflag:s10] =	ssyncset.done $0x0  }
0x11a: {  	[sflag:s10] =	ssyncadd.s32 $0xFFFFC000  }
0x11b: {  	_ =	swait.ge [sflag:s16], $0x4000  }
0x11c: {  	[sflag:s16] =	ssyncset.done $0x0  }
0x11d: {  	[sflag:s16] =	ssyncadd.s32 $0xFFFFC000  }
0x11e: {  	[tilespmem:s13], [sflag:$0x1] =	stream.indirect.gather [hbm4b:s1+s12], $0x80, s21, s12, $0xb8;
	[tilespmem:$0x1D000] =	vst v63  }
0x11f: {  	_ = 	snop  }
0x120: {  	[spmem:s3] =	stream.indirect.scatter.add.f32 [tilespmem:s15], [sflag:$0x3], $0x80, s22, s12, $0xb8;
	[tilespmem:$0x1D000] =	vst v63  }
0x121: {  	_ =	swait.ge [sflag:s10], $0x4000  }
0x122: {  	[sflag:s10] =	ssyncset.done $0x0  }
0x123: {  	[sflag:s10] =	ssyncadd.s32 $0xFFFFC000  }
0x124: {  	_ =	swait.ge [sflag:s14], $0x4000  }
0x125: {  	[sflag:s14] =	ssyncset.done $0x0  }
0x126: {  	[sflag:s14] =	ssyncadd.s32 $0xFFFFC000  }
0x127: {  	[tilespmem:s15], [sflag:$0x2] =	stream.indirect.gather [hbm4b:s1+s12], $0x80, s23, s12, $0xb8;
	[tilespmem:$0x1D000] =	vst v63  }
0x128: {  	_ = 	snop  }
0x129: {  	[spmem:s3] =	stream.indirect.scatter.add.f32 [tilespmem:s13], [sflag:$0x3], $0x80, s24, s12, $0xb8;
	[tilespmem:$0x1D000] =	vst v63  }
0x12a: {  	_ =	swait.ge [sflag:s10], $0x4000  }
0x12b: {  	[sflag:s10] =	ssyncset.done $0x0  }
0x12c: {  	[sflag:s10] =	ssyncadd.s32 $0xFFFFC000  }
0x12d: {  	_ =	swait.ge [sflag:s16], $0x4000  }
0x12e: {  	[sflag:s16] =	ssyncset.done $0x0  }
0x12f: {  	[sflag:s16] =	ssyncadd.s32 $0xFFFFC000  }
0x130: {  	[tilespmem:s13], [sflag:$0x1] =	stream.indirect.gather [hbm4b:s1+s12], $0x80, s25, s12, $0xb8;
	[tilespmem:$0x1D000] =	vst v63  }
0x131: {  	_ = 	snop  }
0x132: {  	[spmem:s3] =	stream.indirect.scatter.add.f32 [tilespmem:s15], [sflag:$0x3], $0x80, s26, s12, $0xb8;
	[tilespmem:$0x1D000] =	vst v63  }
0x133: {  	_ =	swait.ge [sflag:s10], $0x4000  }
0x134: {  	[sflag:s10] =	ssyncset.done $0x0  }
0x135: {  	[sflag:s10] =	ssyncadd.s32 $0xFFFFC000  }
0x136: {  	_ =	swait.ge [sflag:s14], $0x4000  }
0x137: {  	[sflag:s14] =	ssyncset.done $0x0  }
0x138: {  	[sflag:s14] =	ssyncadd.s32 $0xFFFFC000  }
0x139: {  	[tilespmem:s15], [sflag:$0x2] =	stream.indirect.gather [hbm4b:s1+s12], $0x80, s28, s12, $0xb8;
	[tilespmem:$0x1D000] =	vst v63  }
0x13a: {  	_ = 	snop  }
0x13b: {  	[spmem:s3] =	stream.indirect.scatter.add.f32 [tilespmem:s13], [sflag:$0x3], $0x80, s29, s12, $0xb8;
	[tilespmem:$0x1D000] =	vst v63  }
0x13c: {  	_ =	swait.ge [sflag:s10], $0x4000  }
0x13d: {  	[sflag:s10] =	ssyncset.done $0x0  }
0x13e: {  	[sflag:s10] =	ssyncadd.s32 $0xFFFFC000  }
0x13f: {  	_ =	swait.ge [sflag:s16], $0x4000  }
0x140: {  	[sflag:s16] =	ssyncset.done $0x0  }
0x141: {  	[sflag:s16] =	ssyncadd.s32 $0xFFFFC000  }
0x142: {  	[tilespmem:s13], [sflag:$0x1] =	stream.indirect.gather [hbm4b:s1+s12], $0x80, s30, s12, $0xb8;
	[tilespmem:$0x1D000] =	vst v63  }
0x143: {  	_ = 	snop  }
0x144: {  	[spmem:s3] =	stream.indirect.scatter.add.f32 [tilespmem:s15], [sflag:$0x3], $0x80, s31, s12, $0xb8;
	[tilespmem:$0x1D000] =	vst v63  }
0x145: {  	_ =	swait.ge [sflag:s10], $0x4000  }
0x146: {  	[sflag:s10] =	ssyncset.done $0x0  }
0x147: {  	[sflag:s10] =	ssyncadd.s32 $0xFFFFC000  }
0x148: {  	_ =	swait.ge [sflag:s14], $0x4000  }
0x149: {  	[sflag:s14] =	ssyncset.done $0x0  }
0x14a: {  	[sflag:s14] =	ssyncadd.s32 $0xFFFFC000  }
0x14b: {  	[tilespmem:s15], [sflag:$0x2] =	stream.indirect.gather [hbm4b:s1+s12], $0x80, s2, s12, $0xb8;
	[tilespmem:$0x1D000] =	vst v63  }
0x14c: {  	_ = 	snop  }
0x14d: {  	[spmem:s3] =	stream.indirect.scatter.add.f32 [tilespmem:s13], [sflag:$0x3], $0x80, s0, s12, $0xb8;
	[tilespmem:$0x1D000] =	vst v63  }
0x14e: {  	_ =	swait.ge [sflag:s10], $0x4000  }
0x14f: {  	[sflag:s10] =	ssyncset.done $0x0  }
0x150: {  	[sflag:s10] =	ssyncadd.s32 $0xFFFFC000  }
0x151: {  	p0 =	sne.s32 s6, $0x400;
	_ =	swait.ge [sflag:s16], $0x4000  }
.Ltmp0:
0x152: {  	[sflag:s16] =	ssyncset.done $0x0;
	(pc) =	sbr.rel @p0 .LBB2_2-.Ltmp0, $4  }
0x153: {  	[sflag:s16] =	ssyncadd.s32 $0xFFFFC000  }
0x154: {  	[spmem:s3] =	stream.indirect.scatter.add.f32 [tilespmem:s15], [sflag:$0x3], $0x80, s5, s12, $0xb8;
	[tilespmem:$0x1D000] =	vst v63  }
0x155: {  	_ =	swait.ge [sflag:s10], $0x4000  }
0x156: {  	s6 =	sadd.s32 $0x100, s6;
	s9 =	rddreg [dreg:$0x6];
	[sflag:s10] =	ssyncset.done $0x0  }
0x157: {  	[sflag:s10] =	ssyncadd.s32 $0xFFFFC000;
	s6 =	sadd.s32 s8, s9  }
0x158: {  	[tilespmem:s4], [sflag:$0x3] =	stream.linear.gather [hbm4b:s6+s4], $0x800, $0x38;
	[tilespmem:$0x1D000] =	vst v63  }
0x159: {  	_ =	swait.ge [sflag:s10], $0x800  }
0x15a: {  	s7 =	rddreg [dreg:$0x5];
	[sflag:s10] =	ssyncset.done $0x0  }
0x15b: {  	[sflag:s10] =	ssyncadd.s32 $0xFFFFF800;
	s6 =	sadd.s32 s8, s7  }
0x15c: {  	[tilespmem:s11], [sflag:$0x3] =	stream.linear.gather [hbm4b:s6+s4], $0x800, $0x38;
	[tilespmem:$0x1D000] =	vst v63  }
0x15d: {  	_ =	swait.ge [sflag:s10], $0x800  }
0x15e: {  	[sflag:s10] =	ssyncset.done $0x0  }
0x15f: {  	[sflag:s10] =	ssyncadd.s32 $0xFFFFF800  }
0x160: {  	[tilespmem:s13], [sflag:$0x1] =	stream.indirect.gather [hbm4b:s1+s12], $0x80, s4, s12, $0xb8;
	[tilespmem:$0x1D000] =	vst v63  }
0x161: {  	_ =	swait.ge [sflag:s14], $0x4000  }
0x162: {  	[sflag:s14] =	ssyncset.done $0x0  }
0x163: {  	[sflag:s14] =	ssyncadd.s32 $0xFFFFC000  }
0x164: {  	[tilespmem:s15], [sflag:$0x2] =	stream.indirect.gather [hbm4b:s1+s12], $0x80, s12, s12, $0xb8;
	[tilespmem:$0x1D000] =	vst v63  }
0x165: {  	_ = 	snop  }
0x166: {  	[spmem:s3] =	stream.indirect.scatter.add.f32 [tilespmem:s13], [sflag:$0x3], $0x80, s11, s12, $0xb8;
	[tilespmem:$0x1D000] =	vst v63  }
0x167: {  	_ =	swait.ge [sflag:s10], $0x4000  }
0x168: {  	[sflag:s10] =	ssyncset.done $0x0  }
0x169: {  	[sflag:s10] =	ssyncadd.s32 $0xFFFFC000  }
0x16a: {  	_ =	swait.ge [sflag:s16], $0x4000  }
0x16b: {  	[sflag:s16] =	ssyncset.done $0x0  }
0x16c: {  	s9 =	rddreg [dreg:$0x7];
	[sflag:s16] =	ssyncadd.s32 $0xFFFFC000  }
0x16d: {  	[tilespmem:s13], [sflag:$0x1] =	stream.indirect.gather [hbm4b:s1+s12], $0x80, s9, s12, $0xb8;
	[tilespmem:$0x1D000] =	vst v63  }
0x16e: {  	s7 =	rddreg [dreg:$0x8]  }
0x16f: {  	[spmem:s3] =	stream.indirect.scatter.add.f32 [tilespmem:s15], [sflag:$0x3], $0x80, s7, s12, $0xb8;
	[tilespmem:$0x1D000] =	vst v63  }
0x170: {  	_ =	swait.ge [sflag:s10], $0x4000  }
0x171: {  	[sflag:s10] =	ssyncset.done $0x0  }
0x172: {  	[sflag:s10] =	ssyncadd.s32 $0xFFFFC000  }
0x173: {  	_ =	swait.ge [sflag:s14], $0x4000  }
0x174: {  	[sflag:s14] =	ssyncset.done $0x0  }
0x175: {  	s8 =	rddreg [dreg:$0x9];
	[sflag:s14] =	ssyncadd.s32 $0xFFFFC000  }
0x176: {  	[tilespmem:s15], [sflag:$0x2] =	stream.indirect.gather [hbm4b:s1+s12], $0x80, s8, s12, $0xb8;
	[tilespmem:$0x1D000] =	vst v63  }
0x177: {  	s9 =	rddreg [dreg:$0xa]  }
0x178: {  	[spmem:s3] =	stream.indirect.scatter.add.f32 [tilespmem:s13], [sflag:$0x3], $0x80, s9, s12, $0xb8;
	[tilespmem:$0x1D000] =	vst v63  }
0x179: {  	_ =	swait.ge [sflag:s10], $0x4000  }
0x17a: {  	[sflag:s10] =	ssyncset.done $0x0  }
0x17b: {  	[sflag:s10] =	ssyncadd.s32 $0xFFFFC000  }
0x17c: {  	_ =	swait.ge [sflag:s16], $0x4000  }
0x17d: {  	[sflag:s16] =	ssyncset.done $0x0  }
0x17e: {  	s8 =	rddreg [dreg:$0xb];
	[sflag:s16] =	ssyncadd.s32 $0xFFFFC000  }
0x17f: {  	[tilespmem:s13], [sflag:$0x1] =	stream.indirect.gather [hbm4b:s1+s12], $0x80, s8, s12, $0xb8;
	[tilespmem:$0x1D000] =	vst v63  }
0x180: {  	s9 =	rddreg [dreg:$0xc]  }
0x181: {  	[spmem:s3] =	stream.indirect.scatter.add.f32 [tilespmem:s15], [sflag:$0x3], $0x80, s9, s12, $0xb8;
	[tilespmem:$0x1D000] =	vst v63  }
0x182: {  	_ =	swait.ge [sflag:s10], $0x4000  }
0x183: {  	[sflag:s10] =	ssyncset.done $0x0  }
0x184: {  	[sflag:s10] =	ssyncadd.s32 $0xFFFFC000  }
0x185: {  	_ =	swait.ge [sflag:s14], $0x4000  }
0x186: {  	[sflag:s14] =	ssyncset.done $0x0  }
0x187: {  	s8 =	rddreg [dreg:$0xd];
	[sflag:s14] =	ssyncadd.s32 $0xFFFFC000  }
0x188: {  	[tilespmem:s15], [sflag:$0x2] =	stream.indirect.gather [hbm4b:s1+s12], $0x80, s8, s12, $0xb8;
	[tilespmem:$0x1D000] =	vst v63  }
0x189: {  	s9 =	rddreg [dreg:$0xe]  }
0x18a: {  	[spmem:s3] =	stream.indirect.scatter.add.f32 [tilespmem:s13], [sflag:$0x3], $0x80, s9, s12, $0xb8;
	[tilespmem:$0x1D000] =	vst v63  }
0x18b: {  	_ =	swait.ge [sflag:s10], $0x4000  }
0x18c: {  	[sflag:s10] =	ssyncset.done $0x0  }
0x18d: {  	[sflag:s10] =	ssyncadd.s32 $0xFFFFC000  }
0x18e: {  	_ =	swait.ge [sflag:s16], $0x4000  }
0x18f: {  	[sflag:s16] =	ssyncset.done $0x0  }
0x190: {  	s8 =	rddreg [dreg:$0xf];
	[sflag:s16] =	ssyncadd.s32 $0xFFFFC000  }
0x191: {  	[tilespmem:s13], [sflag:$0x1] =	stream.indirect.gather [hbm4b:s1+s12], $0x80, s8, s12, $0xb8;
	[tilespmem:$0x1D000] =	vst v63  }
0x192: {  	s9 =	rddreg [dreg:$0x10]  }
0x193: {  	[spmem:s3] =	stream.indirect.scatter.add.f32 [tilespmem:s15], [sflag:$0x3], $0x80, s9, s12, $0xb8;
	[tilespmem:$0x1D000] =	vst v63  }
0x194: {  	_ =	swait.ge [sflag:s10], $0x4000  }
0x195: {  	[sflag:s10] =	ssyncset.done $0x0  }
0x196: {  	[sflag:s10] =	ssyncadd.s32 $0xFFFFC000  }
0x197: {  	_ =	swait.ge [sflag:s14], $0x4000  }
0x198: {  	[sflag:s14] =	ssyncset.done $0x0  }
0x199: {  	s7 =	rddreg [dreg:$0x11];
	[sflag:s14] =	ssyncadd.s32 $0xFFFFC000  }
0x19a: {  	[tilespmem:s15], [sflag:$0x2] =	stream.indirect.gather [hbm4b:s1+s12], $0x80, s7, s12, $0xb8;
	[tilespmem:$0x1D000] =	vst v63  }
0x19b: {  	s8 =	rddreg [dreg:$0x12]  }
0x19c: {  	[spmem:s3] =	stream.indirect.scatter.add.f32 [tilespmem:s13], [sflag:$0x3], $0x80, s8, s12, $0xb8;
	[tilespmem:$0x1D000] =	vst v63  }
0x19d: {  	_ =	swait.ge [sflag:s10], $0x4000  }
0x19e: {  	[sflag:s10] =	ssyncset.done $0x0  }
0x19f: {  	[sflag:s10] =	ssyncadd.s32 $0xFFFFC000  }
0x1a0: {  	_ =	swait.ge [sflag:s16], $0x4000  }
0x1a1: {  	[sflag:s16] =	ssyncset.done $0x0  }
0x1a2: {  	[sflag:s16] =	ssyncadd.s32 $0xFFFFC000  }
0x1a3: {  	[tilespmem:s13], [sflag:$0x1] =	stream.indirect.gather [hbm4b:s1+s12], $0x80, s17, s12, $0xb8;
	[tilespmem:$0x1D000] =	vst v63  }
0x1a4: {  	_ = 	snop  }
0x1a5: {  	[spmem:s3] =	stream.indirect.scatter.add.f32 [tilespmem:s15], [sflag:$0x3], $0x80, s18, s12, $0xb8;
	[tilespmem:$0x1D000] =	vst v63  }
0x1a6: {  	_ =	swait.ge [sflag:s10], $0x4000  }
0x1a7: {  	[sflag:s10] =	ssyncset.done $0x0  }
0x1a8: {  	[sflag:s10] =	ssyncadd.s32 $0xFFFFC000  }
0x1a9: {  	_ =	swait.ge [sflag:s14], $0x4000  }
0x1aa: {  	[sflag:s14] =	ssyncset.done $0x0  }
0x1ab: {  	[sflag:s14] =	ssyncadd.s32 $0xFFFFC000  }
0x1ac: {  	[tilespmem:s15], [sflag:$0x2] =	stream.indirect.gather [hbm4b:s1+s12], $0x80, s19, s12, $0xb8;
	[tilespmem:$0x1D000] =	vst v63  }
0x1ad: {  	_ = 	snop  }
0x1ae: {  	[spmem:s3] =	stream.indirect.scatter.add.f32 [tilespmem:s13], [sflag:$0x3], $0x80, s20, s12, $0xb8;
	[tilespmem:$0x1D000] =	vst v63  }
0x1af: {  	_ =	swait.ge [sflag:s10], $0x4000  }
0x1b0: {  	[sflag:s10] =	ssyncset.done $0x0  }
0x1b1: {  	[sflag:s10] =	ssyncadd.s32 $0xFFFFC000  }
0x1b2: {  	_ =	swait.ge [sflag:s16], $0x4000  }
0x1b3: {  	[sflag:s16] =	ssyncset.done $0x0  }
0x1b4: {  	[sflag:s16] =	ssyncadd.s32 $0xFFFFC000  }
0x1b5: {  	[tilespmem:s13], [sflag:$0x1] =	stream.indirect.gather [hbm4b:s1+s12], $0x80, s21, s12, $0xb8;
	[tilespmem:$0x1D000] =	vst v63  }
0x1b6: {  	_ = 	snop  }
0x1b7: {  	[spmem:s3] =	stream.indirect.scatter.add.f32 [tilespmem:s15], [sflag:$0x3], $0x80, s22, s12, $0xb8;
	[tilespmem:$0x1D000] =	vst v63  }
0x1b8: {  	_ =	swait.ge [sflag:s10], $0x4000  }
0x1b9: {  	[sflag:s10] =	ssyncset.done $0x0  }
0x1ba: {  	[sflag:s10] =	ssyncadd.s32 $0xFFFFC000  }
0x1bb: {  	_ =	swait.ge [sflag:s14], $0x4000  }
0x1bc: {  	[sflag:s14] =	ssyncset.done $0x0  }
0x1bd: {  	[sflag:s14] =	ssyncadd.s32 $0xFFFFC000  }
0x1be: {  	[tilespmem:s15], [sflag:$0x2] =	stream.indirect.gather [hbm4b:s1+s12], $0x80, s23, s12, $0xb8;
	[tilespmem:$0x1D000] =	vst v63  }
0x1bf: {  	_ = 	snop  }
0x1c0: {  	[spmem:s3] =	stream.indirect.scatter.add.f32 [tilespmem:s13], [sflag:$0x3], $0x80, s24, s12, $0xb8;
	[tilespmem:$0x1D000] =	vst v63  }
0x1c1: {  	_ =	swait.ge [sflag:s10], $0x4000  }
0x1c2: {  	[sflag:s10] =	ssyncset.done $0x0  }
0x1c3: {  	[sflag:s10] =	ssyncadd.s32 $0xFFFFC000  }
0x1c4: {  	_ =	swait.ge [sflag:s16], $0x4000  }
0x1c5: {  	[sflag:s16] =	ssyncset.done $0x0  }
0x1c6: {  	[sflag:s16] =	ssyncadd.s32 $0xFFFFC000  }
0x1c7: {  	[tilespmem:s13], [sflag:$0x1] =	stream.indirect.gather [hbm4b:s1+s12], $0x80, s25, s12, $0xb8;
	[tilespmem:$0x1D000] =	vst v63  }
0x1c8: {  	_ = 	snop  }
0x1c9: {  	[spmem:s3] =	stream.indirect.scatter.add.f32 [tilespmem:s15], [sflag:$0x3], $0x80, s26, s12, $0xb8;
	[tilespmem:$0x1D000] =	vst v63  }
0x1ca: {  	_ =	swait.ge [sflag:s10], $0x4000  }
0x1cb: {  	[sflag:s10] =	ssyncset.done $0x0  }
0x1cc: {  	[sflag:s10] =	ssyncadd.s32 $0xFFFFC000  }
0x1cd: {  	_ =	swait.ge [sflag:s14], $0x4000  }
0x1ce: {  	[sflag:s14] =	ssyncset.done $0x0  }
0x1cf: {  	[sflag:s14] =	ssyncadd.s32 $0xFFFFC000  }
0x1d0: {  	[tilespmem:s15], [sflag:$0x2] =	stream.indirect.gather [hbm4b:s1+s12], $0x80, s28, s12, $0xb8;
	[tilespmem:$0x1D000] =	vst v63  }
0x1d1: {  	_ = 	snop  }
0x1d2: {  	[spmem:s3] =	stream.indirect.scatter.add.f32 [tilespmem:s13], [sflag:$0x3], $0x80, s29, s12, $0xb8;
	[tilespmem:$0x1D000] =	vst v63  }
0x1d3: {  	_ =	swait.ge [sflag:s10], $0x4000  }
0x1d4: {  	[sflag:s10] =	ssyncset.done $0x0  }
0x1d5: {  	[sflag:s10] =	ssyncadd.s32 $0xFFFFC000  }
0x1d6: {  	_ =	swait.ge [sflag:s16], $0x4000  }
0x1d7: {  	[sflag:s16] =	ssyncset.done $0x0  }
0x1d8: {  	[sflag:s16] =	ssyncadd.s32 $0xFFFFC000  }
0x1d9: {  	[tilespmem:s13], [sflag:$0x1] =	stream.indirect.gather [hbm4b:s1+s12], $0x80, s30, s12, $0xb8;
	[tilespmem:$0x1D000] =	vst v63  }
0x1da: {  	_ = 	snop  }
0x1db: {  	[spmem:s3] =	stream.indirect.scatter.add.f32 [tilespmem:s15], [sflag:$0x3], $0x80, s31, s12, $0xb8;
	[tilespmem:$0x1D000] =	vst v63  }
0x1dc: {  	_ =	swait.ge [sflag:s10], $0x4000  }
0x1dd: {  	[sflag:s10] =	ssyncset.done $0x0  }
0x1de: {  	[sflag:s10] =	ssyncadd.s32 $0xFFFFC000  }
0x1df: {  	_ =	swait.ge [sflag:s14], $0x4000  }
0x1e0: {  	[sflag:s14] =	ssyncset.done $0x0  }
0x1e1: {  	[sflag:s14] =	ssyncadd.s32 $0xFFFFC000  }
0x1e2: {  	[tilespmem:s15], [sflag:$0x2] =	stream.indirect.gather [hbm4b:s1+s12], $0x80, s2, s12, $0xb8;
	[tilespmem:$0x1D000] =	vst v63  }
0x1e3: {  	_ = 	snop  }
0x1e4: {  	[spmem:s3] =	stream.indirect.scatter.add.f32 [tilespmem:s13], [sflag:$0x3], $0x80, s0, s12, $0xb8;
	[tilespmem:$0x1D000] =	vst v63  }
0x1e5: {  	_ =	swait.ge [sflag:s10], $0x4000  }
0x1e6: {  	[sflag:s10] =	ssyncset.done $0x0  }
0x1e7: {  	[sflag:s10] =	ssyncadd.s32 $0xFFFFC000  }
0x1e8: {  	_ =	swait.ge [sflag:s16], $0x4000  }
0x1e9: {  	[sflag:s16] =	ssyncset.done $0x0  }
0x1ea: {  	[sflag:s16] =	ssyncadd.s32 $0xFFFFC000  }
0x1eb: {  	[spmem:s3] =	stream.indirect.scatter.add.f32 [tilespmem:s15], [sflag:$0x3], $0x80, s5, s12, $0xb8;
	[tilespmem:$0x1D000] =	vst v63  }
0x1ec: {  	_ =	swait.ge [sflag:s10], $0x4000  }
0x1ed: {  	[sflag:s10] =	ssyncset.done $0x0  }
0x1ee: {  	[sflag:s10] =	ssyncadd.s32 $0xFFFFC000  }
0x1ef: {  	[bflag:$0x0] =	sbarrier.arrive $0xFFFF  }
0x1f0: {  	s7 =	rddreg [dreg:$0x14]  }
0x1f1: {  	s9 =	rddreg [dreg:$0x15]  }
0x1f2: {  	s8 =	rddreg [dreg:$0x17]  }
0x1f3: {  	[hbm:s9], [sflag:s7] =	dma.local [spmem:s8], $0x2800  }
0x1f4: {  	_ =	swait.ge [sflag:s10], $0x2800  }
0x1f5: {  	s6 =	rddreg [dreg:$0x18]  }
0x1f6: {  	s9 =	sadd.s32 $0x1, s6;
	s6 =	rddreg [dreg:$0x16]  }
0x1f7: {  	p0 =	sne.s32 s9, s6  }
.Ltmp1:
0x1f8: {  	_ = 	snop;
	(pc) =	sbr.rel @p0 .LBB2_1-.Ltmp1, $3  }
0x1f9: {  	_ =	sdelay $0x1  }
0x1fa: {  	[sflag:s10] =	ssyncset.done $0x0  }
0x1fb: {  	[sflag:s10] =	ssyncadd.s32 $0xFFFFD800  }
0x1fc: {  	_ =	sfence.sel $0x180000  }
0x1fd: {  	[bflag:$0x0] =	sbarrier.arrive $0xFFFF  }
0x1fe: {  	_ =	strace $0x90000047  }
0x1ff: {  	s0 =	stileid.u32;
	[bflag:$0x2] =	sbarrier.arrive $0xFFFF  }
0x200: {  	p0 =	sne.s32 s0, $0x0;
	s0 =	rddreg [dreg:$0x4]  }
0x201: {  	s0 =	sadd.s32 @!p0 $0x100000, s0  }
0x202: {  	[sflag:s0] =	ssyncadd.tile.s32 @!p0 $0x1;
	_ =	shalt  }
.Lfunc_end2:
_tile_overlayer_lowered:
.L_overlay_start_2:
0x203: {  	(tag) =	ssettag $0x2  }
0x204: {  	s0 =	rddreg [dreg:$0x0];
	s2 =	stileid.u32  }
0x205: {  	s1 =	rddreg [dreg:$0x1];
	p0 =	sne.s32 s2, $0x0  }
0x206: {  	s3 =	rddreg [dreg:$0x2];
	[bflag:$0x3] =	sbarrier.arrive $0xFFFF;
	s2 =	simm.s32 @!p0 $0x1C03  }
0x207: {  	[timem:s3], [sflag:s2] =	dma.local @!p0 [hbm:s0], s1  }
0x208: {  	s0 =	simm.s32 @!p0 $0x3  }
0x209: {  	_ =	swait.ge @!p0 [sflag:s0], s1  }
0x20a: {  	s1 =	ssub.s32 @!p0 $0x0, s1;
	[sflag:s0] =	ssyncset.done @!p0 $0x0  }
0x20b: {  	[sflag:s0] =	ssyncadd.s32 @!p0 s1  }
0x20c: {  	[bflag:$0x3] =	sbarrier.arrive $0xFFFF  }
0x20d: {  	_ =	shalt  }

// kernel: kernel.19.cloned.1.call-start
scs
__scs_entry_jumppad:
0x0: {  	(pc) =	sbr.rel $0x88, $3  }
0x1: {  	(tag) =	ssettag $0x0;
	lr =	simm.s32 $0x1  }
0x2: {  	[smem:$0x3F8D] =	sst lr;
	_ =	strace $0xD0000000  }
0x3: {  	_ = 	snop  }
0x4: {  	_ = 	snop  }
0x5: {  	_ = 	snop  }
0x6: {  	_ = 	snop  }
0x7: {  	_ = 	snop  }
__scs_overlays_trampoline_lowered:
0x8: {  	[smem:$0x3F9C] =	sst s0  }
0x9: {  	[smem:$0x3F9D] =	sst s1  }
0xa: {  	[smem:$0x3F9E] =	sst s2  }
0xb: {  	[smem:$0x3F9F] =	sst s3  }
0xc: {  	[smem:$0x3FA0] =	sst s4  }
0xd: {  	[smem:$0x3FA1] =	sst s5  }
0xe: {  	[smem:$0x3FA2] =	sst s6  }
0xf: {  	[smem:$0x3FA3] =	sst s7  }
0x10: {  	[smem:$0x3FA4] =	sst s8  }
0x11: {  	[smem:$0x3FA5] =	sst s9;
	s0 =	simm.s32 @!p0 $0x0  }
0x12: {  	s1 =	sld [smem:$0x3F8B];
	s0 =	simm.s32 @p0 $0x1  }
0x13: {  	[smem:$0x3FA6] =	sst s0;
	s0 =	simm.s32 @!p1 $0x0  }
0x14: {  	s2 =	sld [smem:$0x3F8A];
	s0 =	simm.s32 @p1 $0x1  }
0x15: {  	[smem:$0x3FA7] =	sst s0;
	s0 =	simm.s32 @!p2 $0x0  }
0x16: {  	s3 =	sld [smem:$0x3FDB];
	s0 =	simm.s32 @p2 $0x1  }
0x17: {  	s4 =	simm.s32 $0x1BF5;
	[smem:$0x3FA9] =	sst s0  }
0x18: {  	s0 =	sld [smem:$0x3F8C];
	_ =	swait.ge [sflag:s4], $0x0  }
0x19: {  	s7 =	sld [smem:$0x3F8D]  }
0x1a: {  	s8 =	sadd.s32 $0xFFFFE003, lr  }
0x1b: {  	s9 =	sadd.s32 $0xFFFFFEF7, lr;
	s5 =	simm.s32 $0xFFFFFFFF;
	p2 =	slt.u32 s8, $0xFFFFF086  }
0x1c: {  	p1 =	slt.u32 s9, $0xF7A;
	s5 =	simm.s32 @!p2 $0x0  }
0x1d: {  	s5 =	simm.s32 @p1 $0x1;
	p0 =	seq.s32 s7, s2  }
0x1e: {  	s7 =	smul.u32 @!p0 $0xF7A, s2;
	p2 =	seq.s32 @!p0 s5, $0x0  }
0x1f: {  	s9 =	smul.u32 $0xF7A, s1;
	s8 =	simm.s32 @!p0 $0x1BF5;
	p2 =	por !p2, p0  }
0x20: {  	[sflag:s8] =	ssyncset.s32 @!p0 $0xFFFFF086;
	s6 =	sadd.s32 @!p0 s3, s7;
	s7 =	simm.s32 @!p0 $0x108  }
0x21: {  	s3 =	sadd.s32 s3, s9;
	s6 =	sadd.s32 @!p0 $0x88, s6;
	s7 =	simm.s32 @p2 $0x1082  }
0x22: {  	[simem:s7], [sflag:s8] =	dma.local @!p0 [hbm:s6], $0xF7A  }
0x23: {  	s9 =	sor.u32 $0xD0000000, s2;
	s6 =	simm.s32 $0x108;
	_ =	swait.ge @!p0 [sflag:s8], $0x0  }
0x24: {  	s3 =	sadd.s32 $0x88, s3;
	s6 =	simm.s32 @!p1 $0x1082;
	[sflag:s4] =	ssyncset.s32 $0xFFFFF086  }
0x25: {  	[simem:s6], [sflag:s4] =	dma.local [hbm:s3], $0xF7A  }
0x26: {  	[smem:$0x3F8D] =	sst s1;
	(tag) =	ssettag s2;
	_ =	strace s9  }
0x27: {  	s1 =	sld [smem:$0x3F9D]  }
0x28: {  	s2 =	sld [smem:$0x3F9E]  }
0x29: {  	s4 =	sld [smem:$0x3FA0]  }
0x2a: {  	p0 =	seq.s32 s5, $0x0;
	s5 =	sld [smem:$0x3FA1]  }
0x2b: {  	s6 =	sld [smem:$0x3FA2]  }
0x2c: {  	s7 =	sld [smem:$0x3FA3]  }
0x2d: {  	s3 =	simm.s32 $0x108;
	s8 =	sld [smem:$0x3FA4]  }
0x2e: {  	s3 =	simm.s32 @!p0 $0x1082;
	s9 =	sld [smem:$0x3FA5]  }
0x2f: {  	lr =	sadd.s32 s0, s3;
	s0 =	sld [smem:$0x3F9C]  }
0x30: {  	s3 =	sld [smem:$0x3F9F]  }
0x31: {  	[smem:$0x3FA8] =	sst s10  }
0x32: {  	s10 =	sld [smem:$0x3FA6];
	_ =	sdelay $0x3  }
0x33: {  	p0 =	seq.s32 s10, $0x1;
	s10 =	sld [smem:$0x3FA8];
	_ =	sdelay $0x3  }
0x34: {  	[smem:$0x3FA8] =	sst s10  }
0x35: {  	s10 =	sld [smem:$0x3FA7];
	_ =	sdelay $0x3  }
0x36: {  	p1 =	seq.s32 s10, $0x1;
	s10 =	sld [smem:$0x3FA8];
	_ =	sdelay $0x3  }
0x37: {  	[smem:$0x3FA8] =	sst s10  }
0x38: {  	s10 =	sld [smem:$0x3FA9]  }
0x39: {  	_ = 	snop;
	(pc) =	sbr.ind lr, $3  }
0x3a: {  	_ = 	snop  }
0x3b: {  	_ = 	snop  }
0x3c: {  	p2 =	seq.s32 s10, $0x1;
	s10 =	sld [smem:$0x3FA8]  }
0x3d: {  	_ =	shalt  }
0x3e: {  	_ =	shalt  }
0x3f: {  	_ =	shalt  }
0x40: {  	_ =	shalt  }
0x41: {  	_ =	shalt  }
0x42: {  	_ =	shalt  }
0x43: {  	_ =	shalt  }
0x44: {  	_ =	shalt  }
0x45: {  	_ =	shalt  }
0x46: {  	_ =	shalt  }
0x47: {  	_ =	shalt  }
0x48: {  	_ =	shalt  }
0x49: {  	_ =	shalt  }
0x4a: {  	_ =	shalt  }
0x4b: {  	_ =	shalt  }
0x4c: {  	_ =	shalt  }
0x4d: {  	_ =	shalt  }
0x4e: {  	_ =	shalt  }
0x4f: {  	_ =	shalt  }
0x50: {  	_ =	shalt  }
0x51: {  	_ =	shalt  }
0x52: {  	_ =	shalt  }
0x53: {  	_ =	shalt  }
0x54: {  	_ =	shalt  }
0x55: {  	_ =	shalt  }
0x56: {  	_ =	shalt  }
0x57: {  	_ =	shalt  }
0x58: {  	_ =	shalt  }
0x59: {  	_ =	shalt  }
0x5a: {  	_ =	shalt  }
0x5b: {  	_ =	shalt  }
0x5c: {  	_ =	shalt  }
0x5d: {  	_ =	shalt  }
0x5e: {  	_ =	shalt  }
0x5f: {  	_ =	shalt  }
0x60: {  	_ =	shalt  }
0x61: {  	_ =	shalt  }
0x62: {  	_ =	shalt  }
0x63: {  	_ =	shalt  }
0x64: {  	_ =	shalt  }
0x65: {  	_ =	shalt  }
0x66: {  	_ =	shalt  }
0x67: {  	_ =	shalt  }
0x68: {  	_ =	shalt  }
0x69: {  	_ =	shalt  }
0x6a: {  	_ =	shalt  }
0x6b: {  	_ =	shalt  }
0x6c: {  	_ =	shalt  }
0x6d: {  	_ =	shalt  }
0x6e: {  	_ =	shalt  }
0x6f: {  	_ =	shalt  }
0x70: {  	_ =	shalt  }
0x71: {  	_ =	shalt  }
0x72: {  	_ =	shalt  }
0x73: {  	_ =	shalt  }
0x74: {  	_ =	shalt  }
0x75: {  	_ =	shalt  }
0x76: {  	_ =	shalt  }
0x77: {  	_ =	shalt  }
0x78: {  	_ =	shalt  }
0x79: {  	_ =	shalt  }
0x7a: {  	_ =	shalt  }
0x7b: {  	_ =	shalt  }
0x7c: {  	_ =	shalt  }
0x7d: {  	_ =	shalt  }
0x7e: {  	_ =	shalt  }
0x7f: {  	_ =	shalt  }
0x80: {  	_ =	shalt  }
0x81: {  	_ =	shalt  }
0x82: {  	_ =	shalt  }
0x83: {  	_ =	shalt  }
0x84: {  	_ =	shalt  }
0x85: {  	_ =	shalt  }
0x86: {  	_ =	shalt  }
0x87: {  	_ =	shalt  }
.Lfunc_end0:
.L_simem_size_0:
called_computation.2_lowered:
.L_overlay_start_0:
0x88: {  	s2 =	sld [smem:$0x3FD9]  }
0x89: {  	s3 =	sld [smem:$0x3FFE];
	_ =	sdelay $0x1  }
0x8a: {  	s1 =	srdreg.scid  }
0x8b: {  	s0 =	sand.u32 $0x1, s1  }
0x8c: {  	s17 =	sshll.u32 s0, $0xA;
	s2 =	sadd.s32 s3, s2  }
0x8d: {  	s2 =	sadd.s32 s2, s17  }
0x8e: {  	[smem:$0x3FB4] =	sst s2  }
0x8f: {  	_ = 	snop  }
0x90: {  	s2 =	sld [smem:$0x3FD0];
	(tm) =	ssettm $0x1  }
0x91: {  	s18 =	sld [smem:$0x3FFB];
	_ =	sdelay $0x3  }
0x92: {  	_ =	strace s18  }
0x93: {  	s3 =	sld [smem:$0x3FFC];
	_ =	sdelay $0x3  }
0x94: {  	_ =	strace s3  }
0x95: {  	s3 =	sld [smem:$0x3FFD];
	_ =	sdelay $0x3  }
0x96: {  	_ =	strace s3  }
0x97: {  	_ =	strace $0x8FFFFFFF  }
0x98: {  	s19 =	sld [smem:$0x3FDB];
	_ =	sdelay $0x1  }
0x99: {  	s4 =	simm.s32 $_scs_section_size  }
0x9a: {  	s5 =	simm.s32 $_size__tile_overlayer_lowered;
	s6 =	simm.s32 $_tile_overlayer_lowered  }
0x9b: {  	s22 =	simm.s32 $0x1BFF;
	s21 =	sshll.u32 s6, $0x1;
	s3 =	sadd.s32 s4, s19  }
0x9c: {  	s7 =	simm.s32 $0x0;
	s20 =	sshll.u32 s5, $0x1;
	s5 =	sadd.s32 s21, s3  }
0x9d: {  	[timem:s7], [sflag:s22] =	dma.local [hbm:s5], s20  }
0x9e: {  	_ =	swait.ge [sflag:s22], s20  }
0x9f: {  	s4 =	ssub.s32 $0x0, s20;
	[sflag:s22] =	ssyncset.done $0x0  }
0xa0: {  	[sflag:s22] =	ssyncadd.s32 s4;
	_ =	sdelay $0x1  }
0xa1: {  	s23 =	simm.s32 $0x1B8B  }
0xa2: {  	_ =	swait.ge [sflag:s23], $0x1  }
0xa3: {  	[sflag:s23] =	ssyncset.done $0x0  }
0xa4: {  	s25 =	simm.s32 $0x1B8E;
	s24 =	sld [smem:$0x3FFE];
	[sflag:s23] =	ssyncadd.s32 $0xFFFFFFFF  }
0xa5: {  	s26 =	simm.s32 $execute0_lowered;
	[smem:$0x3FD2] =	sst s25  }
0xa6: {  	s5 =	sshll.u32 s26, $0x1;
	_ =	strace $0x8000004C;
	[dreg:$0x1] =	wrdreg $0xFFFFFFFF  }
0xa7: {  	s28 =	simm.s32 $_size_execute0_lowered;
	s3 =	sadd.s32 s3, s5;
	[dreg:$0x0] =	wrdreg $0x0  }
0xa8: {  	s5 =	sshll.u32 s28, $0x1;
	[dreg:$0x2] =	wrdreg s3  }
0xa9: {  	[dreg:$0x3] =	wrdreg s5  }
0xaa: {  	[dreg:$0x4] =	wrdreg $0xC0  }
0xab: {  	_ =	task [dreg:s7], $0x5FFFF  }
0xac: {  	[dreg:$0x1] =	wrdreg $0xFFFFFFFF  }
0xad: {  	[dreg:$0x0] =	wrdreg $0x60  }
0xae: {  	[dreg:$0x2] =	wrdreg s24  }
0xaf: {  	[dreg:$0x3] =	wrdreg s2  }
0xb0: {  	[dreg:$0x4] =	wrdreg $0x90000  }
0xb1: {  	[dreg:$0x5] =	wrdreg $0x9  }
0xb2: {  	_ =	task.clear_ibuf [dreg:s7], $0x6FFFF;
	_ =	strace $0x9000004C  }
0xb3: {  	s29 =	simm.s32 $0x9;
	_ =	strace $0x8000004E  }
0xb4: {  	_ =	swait.ge [sflag:s29], $0x1  }
0xb5: {  	[sflag:s29] =	ssyncadd.s32 $0xFFFFFFFF  }
0xb6: {  	_ =	strace $0x9000004E  }
0xb7: {  	_ =	sfence  }
0xb8: {  	s30 =	sld [smem:$0x0];
	_ =	sdelay $0x2  }
0xb9: {  	s31 =	sshll.u32 s1, $0xD;
	s1 =	sshrl.u32 s1, $0x2  }
0xba: {  	s3 =	sand.u32 $0x4000, s31;
	s1 =	sadd.s32 s1, s30  }
0xbb: {  	s0 =	sor.u32 s3, s0;
	s1 =	sshll.u32 s1, $0x11  }
0xbc: {  	s0 =	sor.u32 s1, s0  }
0xbd: {  	s0 =	sadd.s32 $0x8F2B, s0  }
0xbe: {  	[sflag:s0] =	ssyncadd.remote.s32 $0x1  }
0xbf: {  	_ =	sfence.sel $0xFFFF  }
0xc0: {  	[dreg:$0x0] =	wrdreg $0xFFFFFFFF;
	(pc) =	sbr.abs _section_cstart, $3  }
0xc1: {  	[dreg:$0x1] =	wrdreg $0xFFFFFFFF  }
0xc2: {  	_ =	task.clear_ibuf [dreg:s7], $0x2FFFF;
	_ =	strace $0x9FFFFFFF  }
0xc3: {  	(tm) =	ssettm $0x7FFFFFFF  }
tec
execute0_lowered:
.L_overlay_start_1:
0x0: {  	(tag) =	ssettag $0x1  }
0x1: {  	s1 =	rddreg [dreg:$0x0]  }
0x2: {  	s0 =	srdreg.scid;
	s5 =	rddreg [dreg:$0x1]  }
0x3: {  	s10 =	stileid.u32;
	s2 =	rddreg [dreg:$0x2];
	s3 =	simm.s32 $0x0  }
0x4: {  	s14 =	simm.s32 $0x100;
	s15 =	simm.s32 $0x880;
	s17 =	simm.s32 $0x180  }
0x5: {  	s18 =	simm.s32 $0x900;
	[smem:$0x7FF] =	sst s3;
	s9 =	sadd.s32 $0xF600, s1  }
0x6: {  	s19 =	simm.s32 $0x200;
	_ =	strace $0x8000004D;
	[dreg:$0x12] =	wrdreg s9  }
0x7: {  	s20 =	simm.s32 $0x980;
	s21 =	simm.s32 $0x280;
	[dreg:$0x6] =	wrdreg s14  }
0x8: {  	s22 =	simm.s32 $0xA00;
	s23 =	simm.s32 $0x300;
	[dreg:$0x7] =	wrdreg s15  }
0x9: {  	s24 =	simm.s32 $0xA80;
	s25 =	simm.s32 $0x380;
	[dreg:$0x8] =	wrdreg s17  }
0xa: {  	s28 =	simm.s32 $0x680;
	s29 =	simm.s32 $0xE00;
	[dreg:$0x9] =	wrdreg s18  }
0xb: {  	s30 =	simm.s32 $0x700;
	s6 =	smul.u32 $0x2800, s10;
	[dreg:$0xa] =	wrdreg s19  }
0xc: {  	s31 =	simm.s32 $0xE80;
	s8 =	smul.u32 $0x14000, s10;
	[dreg:$0xb] =	wrdreg s20  }
0xd: {  	s0 =	sand.u32 $0x1, s0;
	s12 =	smul.u32 $0x50000, s10;
	[dreg:$0xc] =	wrdreg s21  }
0xe: {  	s16 =	sshll.u32 s10, $0x6;
	s4 =	smul.u32 $0x28000, s0;
	[dreg:$0xd] =	wrdreg s22  }
0xf: {  	s10 =	simm.s32 $0x3;
	s7 =	smul.u32 $0x140000, s0;
	[dreg:$0xe] =	wrdreg s23  }
0x10: {  	s0 =	ssub.s32 $0x2, s0;
	[dreg:$0xf] =	wrdreg s24;
	s14 =	simm.s32 $0x1  }
0x11: {  	[dreg:$0x10] =	wrdreg s25;
	s15 =	simm.s32 $0x5000;
	s17 =	simm.s32 $0x400  }
0x12: {  	s18 =	simm.s32 $0xB80;
	s19 =	simm.s32 $0x480;
	s20 =	simm.s32 $0xC00  }
0x13: {  	s21 =	simm.s32 $0x500;
	s22 =	simm.s32 $0xC80;
	s23 =	simm.s32 $0x580  }
0x14: {  	s24 =	simm.s32 $0xD00;
	s25 =	simm.s32 $0x600;
	s9 =	simm.s32 $0x0  }
0x15: {  	s11 =	sshrl.u32 s0, $0x1;
	s13 =	sshrl.u32 s12, $0x2;
	s12 =	simm.s32 $0x80  }
0x16: {  	s4 =	sadd.s32 s6, s4;
	s7 =	sadd.s32 s8, s7;
	s0 =	ssub.s32 s0, s11  }
0x17: {  	s11 =	simm.s32 $0x800;
	s6 =	sshrl.u32 s4, $0x3;
	s4 =	sadd.s32 $0x11E00, s1  }
0x18: {  	s7 =	sshrl.u32 s7, $0x3;
	s0 =	smax.u32 s0, $0x1;
	s26 =	sadd.s32 s6, s1  }
0x19: {  	s1 =	sadd.s32 s7, s1;
	s5 =	sadd.s32 s6, s5;
	[dreg:$0x15] =	wrdreg s0  }
0x1a: {  	s6 =	sadd.s32 s13, s2;
	s7 =	sor.u32 $0x1C03, s16;
	[dreg:$0x5] =	wrdreg s5  }
0x1b: {  	s13 =	simm.s32 $0x1000;
	s8 =	sadd.s32 $0x5600, s26;
	[dreg:$0x13] =	wrdreg s7  }
0x1c: {  	s16 =	simm.s32 $0x2;
	s1 =	sadd.s32 $0xB2600, s1;
	[dreg:$0x4] =	wrdreg s8  }
0x1d: {  	s0 =	simm.s32 $0xF00;
	s26 =	simm.s32 $0xB00;
	[dreg:$0x14] =	wrdreg s1  }
0x1e: {  	s5 =	simm.s32 $0xF80;
	s8 =	sshrl.u32 s6, $0x3;
	[dreg:$0x11] =	wrdreg s26  }
0x1f: {  	s26 =	simm.s32 $0xD80;
	s1 =	simm.s32 $0x780;
	[dreg:$0x16] =	wrdreg s8  }
.LBB2_1:
0x20: {  	[dreg:$0x17] =	wrdreg s9  }
0x21: {  	s6 =	rddreg [dreg:$0x12]  }
0x22: {  	[spmem:s8], [sflag:s7] =	dma.local [hbm:s6], $0x2800  }
0x23: {  	_ =	swait.ge [sflag:s10], $0x2800  }
0x24: {  	[sflag:s10] =	ssyncset.done $0x0  }
0x25: {  	[sflag:s10] =	ssyncadd.s32 $0xFFFFD800  }
0x26: {  	[bflag:$0x0] =	sbarrier.arrive $0xFFFF  }
0x27: {  	s7 =	rddreg [dreg:$0x5]  }
0x28: {  	s6 =	sadd.s32 $0x0, s7  }
0x29: {  	[tilespmem:s3], [sflag:$0x3] =	stream.linear.gather [hbm4b:s6+s3], $0x800, $0x38;
	[tilespmem:$0x1D000] =	vst v63  }
0x2a: {  	_ =	swait.ge [sflag:s10], $0x800  }
0x2b: {  	s8 =	rddreg [dreg:$0x4];
	[sflag:s10] =	ssyncset.done $0x0  }
0x2c: {  	[sflag:s10] =	ssyncadd.s32 $0xFFFFF800;
	s6 =	sadd.s32 $0x0, s8  }
0x2d: {  	[tilespmem:s11], [sflag:$0x3] =	stream.linear.gather [hbm4b:s6+s3], $0x800, $0x38;
	[tilespmem:$0x1D000] =	vst v63  }
0x2e: {  	_ =	swait.ge [sflag:s10], $0x800  }
0x2f: {  	[sflag:s10] =	ssyncset.done $0x0  }
0x30: {  	[sflag:s10] =	ssyncadd.s32 $0xFFFFF800  }
0x31: {  	[tilespmem:s13], [sflag:$0x1] =	stream.indirect.gather [hbm4b:s4+s12], $0x80, s3, s12, $0xb8;
	[tilespmem:$0x1D000] =	vst v63  }
0x32: {  	_ =	swait.ge [sflag:s14], $0x4000  }
0x33: {  	[sflag:s14] =	ssyncset.done $0x0  }
0x34: {  	[sflag:s14] =	ssyncadd.s32 $0xFFFFC000  }
0x35: {  	[tilespmem:s15], [sflag:$0x2] =	stream.indirect.gather [hbm4b:s4+s12], $0x80, s12, s12, $0xb8;
	[tilespmem:$0x1D000] =	vst v63  }
0x36: {  	_ = 	snop  }
0x37: {  	[spmem:s2] =	stream.indirect.scatter.add.f32 [tilespmem:s13], [sflag:$0x3], $0x80, s11, s12, $0xb8;
	[tilespmem:$0x1D000] =	vst v63  }
0x38: {  	_ =	swait.ge [sflag:s10], $0x4000  }
0x39: {  	[sflag:s10] =	ssyncset.done $0x0  }
0x3a: {  	[sflag:s10] =	ssyncadd.s32 $0xFFFFC000  }
0x3b: {  	_ =	swait.ge [sflag:s16], $0x4000  }
0x3c: {  	[sflag:s16] =	ssyncset.done $0x0  }
0x3d: {  	s9 =	rddreg [dreg:$0x6];
	[sflag:s16] =	ssyncadd.s32 $0xFFFFC000  }
0x3e: {  	[tilespmem:s13], [sflag:$0x1] =	stream.indirect.gather [hbm4b:s4+s12], $0x80, s9, s12, $0xb8;
	[tilespmem:$0x1D000] =	vst v63  }
0x3f: {  	s7 =	rddreg [dreg:$0x7]  }
0x40: {  	[spmem:s2] =	stream.indirect.scatter.add.f32 [tilespmem:s15], [sflag:$0x3], $0x80, s7, s12, $0xb8;
	[tilespmem:$0x1D000] =	vst v63  }
0x41: {  	_ =	swait.ge [sflag:s10], $0x4000  }
0x42: {  	[sflag:s10] =	ssyncset.done $0x0  }
0x43: {  	[sflag:s10] =	ssyncadd.s32 $0xFFFFC000  }
0x44: {  	_ =	swait.ge [sflag:s14], $0x4000  }
0x45: {  	[sflag:s14] =	ssyncset.done $0x0  }
0x46: {  	s9 =	rddreg [dreg:$0x8];
	[sflag:s14] =	ssyncadd.s32 $0xFFFFC000  }
0x47: {  	[tilespmem:s15], [sflag:$0x2] =	stream.indirect.gather [hbm4b:s4+s12], $0x80, s9, s12, $0xb8;
	[tilespmem:$0x1D000] =	vst v63  }
0x48: {  	s7 =	rddreg [dreg:$0x9]  }
0x49: {  	[spmem:s2] =	stream.indirect.scatter.add.f32 [tilespmem:s13], [sflag:$0x3], $0x80, s7, s12, $0xb8;
	[tilespmem:$0x1D000] =	vst v63  }
0x4a: {  	_ =	swait.ge [sflag:s10], $0x4000  }
0x4b: {  	[sflag:s10] =	ssyncset.done $0x0  }
0x4c: {  	[sflag:s10] =	ssyncadd.s32 $0xFFFFC000  }
0x4d: {  	_ =	swait.ge [sflag:s16], $0x4000  }
0x4e: {  	[sflag:s16] =	ssyncset.done $0x0  }
0x4f: {  	s9 =	rddreg [dreg:$0xa];
	[sflag:s16] =	ssyncadd.s32 $0xFFFFC000  }
0x50: {  	[tilespmem:s13], [sflag:$0x1] =	stream.indirect.gather [hbm4b:s4+s12], $0x80, s9, s12, $0xb8;
	[tilespmem:$0x1D000] =	vst v63  }
0x51: {  	s7 =	rddreg [dreg:$0xb]  }
0x52: {  	[spmem:s2] =	stream.indirect.scatter.add.f32 [tilespmem:s15], [sflag:$0x3], $0x80, s7, s12, $0xb8;
	[tilespmem:$0x1D000] =	vst v63  }
0x53: {  	_ =	swait.ge [sflag:s10], $0x4000  }
0x54: {  	[sflag:s10] =	ssyncset.done $0x0  }
0x55: {  	[sflag:s10] =	ssyncadd.s32 $0xFFFFC000  }
0x56: {  	_ =	swait.ge [sflag:s14], $0x4000  }
0x57: {  	[sflag:s14] =	ssyncset.done $0x0  }
0x58: {  	s9 =	rddreg [dreg:$0xc];
	[sflag:s14] =	ssyncadd.s32 $0xFFFFC000  }
0x59: {  	[tilespmem:s15], [sflag:$0x2] =	stream.indirect.gather [hbm4b:s4+s12], $0x80, s9, s12, $0xb8;
	[tilespmem:$0x1D000] =	vst v63  }
0x5a: {  	s7 =	rddreg [dreg:$0xd]  }
0x5b: {  	[spmem:s2] =	stream.indirect.scatter.add.f32 [tilespmem:s13], [sflag:$0x3], $0x80, s7, s12, $0xb8;
	[tilespmem:$0x1D000] =	vst v63  }
0x5c: {  	_ =	swait.ge [sflag:s10], $0x4000  }
0x5d: {  	[sflag:s10] =	ssyncset.done $0x0  }
0x5e: {  	[sflag:s10] =	ssyncadd.s32 $0xFFFFC000  }
0x5f: {  	_ =	swait.ge [sflag:s16], $0x4000  }
0x60: {  	[sflag:s16] =	ssyncset.done $0x0  }
0x61: {  	s9 =	rddreg [dreg:$0xe];
	[sflag:s16] =	ssyncadd.s32 $0xFFFFC000  }
0x62: {  	[tilespmem:s13], [sflag:$0x1] =	stream.indirect.gather [hbm4b:s4+s12], $0x80, s9, s12, $0xb8;
	[tilespmem:$0x1D000] =	vst v63  }
0x63: {  	s7 =	rddreg [dreg:$0xf]  }
0x64: {  	[spmem:s2] =	stream.indirect.scatter.add.f32 [tilespmem:s15], [sflag:$0x3], $0x80, s7, s12, $0xb8;
	[tilespmem:$0x1D000] =	vst v63  }
0x65: {  	_ =	swait.ge [sflag:s10], $0x4000  }
0x66: {  	[sflag:s10] =	ssyncset.done $0x0  }
0x67: {  	[sflag:s10] =	ssyncadd.s32 $0xFFFFC000  }
0x68: {  	_ =	swait.ge [sflag:s14], $0x4000  }
0x69: {  	[sflag:s14] =	ssyncset.done $0x0  }
0x6a: {  	s8 =	rddreg [dreg:$0x10];
	[sflag:s14] =	ssyncadd.s32 $0xFFFFC000  }
0x6b: {  	[tilespmem:s15], [sflag:$0x2] =	stream.indirect.gather [hbm4b:s4+s12], $0x80, s8, s12, $0xb8;
	[tilespmem:$0x1D000] =	vst v63  }
0x6c: {  	s9 =	rddreg [dreg:$0x11]  }
0x6d: {  	[spmem:s2] =	stream.indirect.scatter.add.f32 [tilespmem:s13], [sflag:$0x3], $0x80, s9, s12, $0xb8;
	[tilespmem:$0x1D000] =	vst v63  }
0x6e: {  	_ =	swait.ge [sflag:s10], $0x4000  }
0x6f: {  	[sflag:s10] =	ssyncset.done $0x0  }
0x70: {  	[sflag:s10] =	ssyncadd.s32 $0xFFFFC000  }
0x71: {  	_ =	swait.ge [sflag:s16], $0x4000  }
0x72: {  	[sflag:s16] =	ssyncset.done $0x0  }
0x73: {  	[sflag:s16] =	ssyncadd.s32 $0xFFFFC000  }
0x74: {  	[tilespmem:s13], [sflag:$0x1] =	stream.indirect.gather [hbm4b:s4+s12], $0x80, s17, s12, $0xb8;
	[tilespmem:$0x1D000] =	vst v63  }
0x75: {  	_ = 	snop  }
0x76: {  	[spmem:s2] =	stream.indirect.scatter.add.f32 [tilespmem:s15], [sflag:$0x3], $0x80, s18, s12, $0xb8;
	[tilespmem:$0x1D000] =	vst v63  }
0x77: {  	_ =	swait.ge [sflag:s10], $0x4000  }
0x78: {  	[sflag:s10] =	ssyncset.done $0x0  }
0x79: {  	[sflag:s10] =	ssyncadd.s32 $0xFFFFC000  }
0x7a: {  	_ =	swait.ge [sflag:s14], $0x4000  }
0x7b: {  	[sflag:s14] =	ssyncset.done $0x0  }
0x7c: {  	[sflag:s14] =	ssyncadd.s32 $0xFFFFC000  }
0x7d: {  	[tilespmem:s15], [sflag:$0x2] =	stream.indirect.gather [hbm4b:s4+s12], $0x80, s19, s12, $0xb8;
	[tilespmem:$0x1D000] =	vst v63  }
0x7e: {  	_ = 	snop  }
0x7f: {  	[spmem:s2] =	stream.indirect.scatter.add.f32 [tilespmem:s13], [sflag:$0x3], $0x80, s20, s12, $0xb8;
	[tilespmem:$0x1D000] =	vst v63  }
0x80: {  	_ =	swait.ge [sflag:s10], $0x4000  }
0x81: {  	[sflag:s10] =	ssyncset.done $0x0  }
0x82: {  	[sflag:s10] =	ssyncadd.s32 $0xFFFFC000  }
0x83: {  	_ =	swait.ge [sflag:s16], $0x4000  }
0x84: {  	[sflag:s16] =	ssyncset.done $0x0  }
0x85: {  	[sflag:s16] =	ssyncadd.s32 $0xFFFFC000  }
0x86: {  	[tilespmem:s13], [sflag:$0x1] =	stream.indirect.gather [hbm4b:s4+s12], $0x80, s21, s12, $0xb8;
	[tilespmem:$0x1D000] =	vst v63  }
0x87: {  	_ = 	snop  }
0x88: {  	[spmem:s2] =	stream.indirect.scatter.add.f32 [tilespmem:s15], [sflag:$0x3], $0x80, s22, s12, $0xb8;
	[tilespmem:$0x1D000] =	vst v63  }
0x89: {  	_ =	swait.ge [sflag:s10], $0x4000  }
0x8a: {  	[sflag:s10] =	ssyncset.done $0x0  }
0x8b: {  	[sflag:s10] =	ssyncadd.s32 $0xFFFFC000  }
0x8c: {  	_ =	swait.ge [sflag:s14], $0x4000  }
0x8d: {  	[sflag:s14] =	ssyncset.done $0x0  }
0x8e: {  	[sflag:s14] =	ssyncadd.s32 $0xFFFFC000  }
0x8f: {  	[tilespmem:s15], [sflag:$0x2] =	stream.indirect.gather [hbm4b:s4+s12], $0x80, s23, s12, $0xb8;
	[tilespmem:$0x1D000] =	vst v63  }
0x90: {  	_ = 	snop  }
0x91: {  	[spmem:s2] =	stream.indirect.scatter.add.f32 [tilespmem:s13], [sflag:$0x3], $0x80, s24, s12, $0xb8;
	[tilespmem:$0x1D000] =	vst v63  }
0x92: {  	_ =	swait.ge [sflag:s10], $0x4000  }
0x93: {  	[sflag:s10] =	ssyncset.done $0x0  }
0x94: {  	[sflag:s10] =	ssyncadd.s32 $0xFFFFC000  }
0x95: {  	_ =	swait.ge [sflag:s16], $0x4000  }
0x96: {  	[sflag:s16] =	ssyncset.done $0x0  }
0x97: {  	[sflag:s16] =	ssyncadd.s32 $0xFFFFC000  }
0x98: {  	[tilespmem:s13], [sflag:$0x1] =	stream.indirect.gather [hbm4b:s4+s12], $0x80, s25, s12, $0xb8;
	[tilespmem:$0x1D000] =	vst v63  }
0x99: {  	_ = 	snop  }
0x9a: {  	[spmem:s2] =	stream.indirect.scatter.add.f32 [tilespmem:s15], [sflag:$0x3], $0x80, s26, s12, $0xb8;
	[tilespmem:$0x1D000] =	vst v63  }
0x9b: {  	_ =	swait.ge [sflag:s10], $0x4000  }
0x9c: {  	[sflag:s10] =	ssyncset.done $0x0  }
0x9d: {  	[sflag:s10] =	ssyncadd.s32 $0xFFFFC000  }
0x9e: {  	_ =	swait.ge [sflag:s14], $0x4000  }
0x9f: {  	[sflag:s14] =	ssyncset.done $0x0  }
0xa0: {  	[sflag:s14] =	ssyncadd.s32 $0xFFFFC000  }
0xa1: {  	[tilespmem:s15], [sflag:$0x2] =	stream.indirect.gather [hbm4b:s4+s12], $0x80, s28, s12, $0xb8;
	[tilespmem:$0x1D000] =	vst v63  }
0xa2: {  	_ = 	snop  }
0xa3: {  	[spmem:s2] =	stream.indirect.scatter.add.f32 [tilespmem:s13], [sflag:$0x3], $0x80, s29, s12, $0xb8;
	[tilespmem:$0x1D000] =	vst v63  }
0xa4: {  	_ =	swait.ge [sflag:s10], $0x4000  }
0xa5: {  	[sflag:s10] =	ssyncset.done $0x0  }
0xa6: {  	[sflag:s10] =	ssyncadd.s32 $0xFFFFC000  }
0xa7: {  	_ =	swait.ge [sflag:s16], $0x4000  }
0xa8: {  	[sflag:s16] =	ssyncset.done $0x0  }
0xa9: {  	[sflag:s16] =	ssyncadd.s32 $0xFFFFC000  }
0xaa: {  	[tilespmem:s13], [sflag:$0x1] =	stream.indirect.gather [hbm4b:s4+s12], $0x80, s30, s12, $0xb8;
	[tilespmem:$0x1D000] =	vst v63  }
0xab: {  	_ = 	snop  }
0xac: {  	[spmem:s2] =	stream.indirect.scatter.add.f32 [tilespmem:s15], [sflag:$0x3], $0x80, s31, s12, $0xb8;
	[tilespmem:$0x1D000] =	vst v63  }
0xad: {  	_ =	swait.ge [sflag:s10], $0x4000  }
0xae: {  	[sflag:s10] =	ssyncset.done $0x0  }
0xaf: {  	[sflag:s10] =	ssyncadd.s32 $0xFFFFC000  }
0xb0: {  	_ =	swait.ge [sflag:s14], $0x4000  }
0xb1: {  	[sflag:s14] =	ssyncset.done $0x0  }
0xb2: {  	[sflag:s14] =	ssyncadd.s32 $0xFFFFC000  }
0xb3: {  	[tilespmem:s15], [sflag:$0x2] =	stream.indirect.gather [hbm4b:s4+s12], $0x80, s1, s12, $0xb8;
	[tilespmem:$0x1D000] =	vst v63  }
0xb4: {  	_ = 	snop  }
0xb5: {  	[spmem:s2] =	stream.indirect.scatter.add.f32 [tilespmem:s13], [sflag:$0x3], $0x80, s0, s12, $0xb8;
	[tilespmem:$0x1D000] =	vst v63  }
0xb6: {  	_ =	swait.ge [sflag:s10], $0x4000  }
0xb7: {  	[sflag:s10] =	ssyncset.done $0x0  }
0xb8: {  	[sflag:s10] =	ssyncadd.s32 $0xFFFFC000  }
0xb9: {  	_ =	swait.ge [sflag:s16], $0x4000  }
0xba: {  	[sflag:s16] =	ssyncset.done $0x0  }
0xbb: {  	[sflag:s16] =	ssyncadd.s32 $0xFFFFC000  }
0xbc: {  	[spmem:s2] =	stream.indirect.scatter.add.f32 [tilespmem:s15], [sflag:$0x3], $0x80, s5, s12, $0xb8;
	[tilespmem:$0x1D000] =	vst v63  }
0xbd: {  	s6 =	simm.s32 $0x200;
	_ =	swait.ge [sflag:s10], $0x4000  }
0xbe: {  	s8 =	simm.s32 $0x100;
	s9 =	rddreg [dreg:$0x5];
	[sflag:s10] =	ssyncset.done $0x0  }
.LBB2_2:
0xbf: {  	[sflag:s10] =	ssyncadd.s32 $0xFFFFC000;
	s9 =	sadd.s32 s8, s9  }
0xc0: {  	[tilespmem:s3], [sflag:$0x3] =	stream.linear.gather [hbm4b:s9+s3], $0x800, $0x38;
	[tilespmem:$0x1D000] =	vst v63  }
0xc1: {  	_ =	swait.ge [sflag:s10], $0x800  }
0xc2: {  	s9 =	rddreg [dreg:$0x4];
	[sflag:s10] =	ssyncset.done $0x0  }
0xc3: {  	[sflag:s10] =	ssyncadd.s32 $0xFFFFF800;
	s9 =	sadd.s32 s8, s9  }
0xc4: {  	[tilespmem:s11], [sflag:$0x3] =	stream.linear.gather [hbm4b:s9+s3], $0x800, $0x38;
	[tilespmem:$0x1D000] =	vst v63  }
0xc5: {  	_ =	swait.ge [sflag:s10], $0x800  }
0xc6: {  	[sflag:s10] =	ssyncset.done $0x0  }
0xc7: {  	[sflag:s10] =	ssyncadd.s32 $0xFFFFF800  }
0xc8: {  	[tilespmem:s13], [sflag:$0x1] =	stream.indirect.gather [hbm4b:s4+s12], $0x80, s3, s12, $0xb8;
	[tilespmem:$0x1D000] =	vst v63  }
0xc9: {  	_ =	swait.ge [sflag:s14], $0x4000  }
0xca: {  	[sflag:s14] =	ssyncset.done $0x0  }
0xcb: {  	[sflag:s14] =	ssyncadd.s32 $0xFFFFC000  }
0xcc: {  	[tilespmem:s15], [sflag:$0x2] =	stream.indirect.gather [hbm4b:s4+s12], $0x80, s12, s12, $0xb8;
	[tilespmem:$0x1D000] =	vst v63  }
0xcd: {  	_ = 	snop  }
0xce: {  	[spmem:s2] =	stream.indirect.scatter.add.f32 [tilespmem:s13], [sflag:$0x3], $0x80, s11, s12, $0xb8;
	[tilespmem:$0x1D000] =	vst v63  }
0xcf: {  	_ =	swait.ge [sflag:s10], $0x4000  }
0xd0: {  	[sflag:s10] =	ssyncset.done $0x0  }
0xd1: {  	[sflag:s10] =	ssyncadd.s32 $0xFFFFC000  }
0xd2: {  	_ =	swait.ge [sflag:s16], $0x4000  }
0xd3: {  	s7 =	smov.u32 s6;
	[sflag:s16] =	ssyncset.done $0x0  }
0xd4: {  	s8 =	smov.u32 s7;
	s7 =	rddreg [dreg:$0x6];
	[sflag:s16] =	ssyncadd.s32 $0xFFFFC000  }
0xd5: {  	[tilespmem:s13], [sflag:$0x1] =	stream.indirect.gather [hbm4b:s4+s12], $0x80, s7, s12, $0xb8;
	[tilespmem:$0x1D000] =	vst v63  }
0xd6: {  	s9 =	rddreg [dreg:$0x7]  }
0xd7: {  	[spmem:s2] =	stream.indirect.scatter.add.f32 [tilespmem:s15], [sflag:$0x3], $0x80, s9, s12, $0xb8;
	[tilespmem:$0x1D000] =	vst v63  }
0xd8: {  	_ =	swait.ge [sflag:s10], $0x4000  }
0xd9: {  	[sflag:s10] =	ssyncset.done $0x0  }
0xda: {  	[sflag:s10] =	ssyncadd.s32 $0xFFFFC000  }
0xdb: {  	_ =	swait.ge [sflag:s14], $0x4000  }
0xdc: {  	[sflag:s14] =	ssyncset.done $0x0  }
0xdd: {  	s7 =	rddreg [dreg:$0x8];
	[sflag:s14] =	ssyncadd.s32 $0xFFFFC000  }
0xde: {  	[tilespmem:s15], [sflag:$0x2] =	stream.indirect.gather [hbm4b:s4+s12], $0x80, s7, s12, $0xb8;
	[tilespmem:$0x1D000] =	vst v63  }
0xdf: {  	s9 =	rddreg [dreg:$0x9]  }
0xe0: {  	[spmem:s2] =	stream.indirect.scatter.add.f32 [tilespmem:s13], [sflag:$0x3], $0x80, s9, s12, $0xb8;
	[tilespmem:$0x1D000] =	vst v63  }
0xe1: {  	_ =	swait.ge [sflag:s10], $0x4000  }
0xe2: {  	[sflag:s10] =	ssyncset.done $0x0  }
0xe3: {  	[sflag:s10] =	ssyncadd.s32 $0xFFFFC000  }
0xe4: {  	_ =	swait.ge [sflag:s16], $0x4000  }
0xe5: {  	[sflag:s16] =	ssyncset.done $0x0  }
0xe6: {  	s7 =	rddreg [dreg:$0xa];
	[sflag:s16] =	ssyncadd.s32 $0xFFFFC000  }
0xe7: {  	[tilespmem:s13], [sflag:$0x1] =	stream.indirect.gather [hbm4b:s4+s12], $0x80, s7, s12, $0xb8;
	[tilespmem:$0x1D000] =	vst v63  }
0xe8: {  	s9 =	rddreg [dreg:$0xb]  }
0xe9: {  	[spmem:s2] =	stream.indirect.scatter.add.f32 [tilespmem:s15], [sflag:$0x3], $0x80, s9, s12, $0xb8;
	[tilespmem:$0x1D000] =	vst v63  }
0xea: {  	_ =	swait.ge [sflag:s10], $0x4000  }
0xeb: {  	[sflag:s10] =	ssyncset.done $0x0  }
0xec: {  	[sflag:s10] =	ssyncadd.s32 $0xFFFFC000  }
0xed: {  	_ =	swait.ge [sflag:s14], $0x4000  }
0xee: {  	[sflag:s14] =	ssyncset.done $0x0  }
0xef: {  	s7 =	rddreg [dreg:$0xc];
	[sflag:s14] =	ssyncadd.s32 $0xFFFFC000  }
0xf0: {  	[tilespmem:s15], [sflag:$0x2] =	stream.indirect.gather [hbm4b:s4+s12], $0x80, s7, s12, $0xb8;
	[tilespmem:$0x1D000] =	vst v63  }
0xf1: {  	s9 =	rddreg [dreg:$0xd]  }
0xf2: {  	[spmem:s2] =	stream.indirect.scatter.add.f32 [tilespmem:s13], [sflag:$0x3], $0x80, s9, s12, $0xb8;
	[tilespmem:$0x1D000] =	vst v63  }
0xf3: {  	_ =	swait.ge [sflag:s10], $0x4000  }
0xf4: {  	[sflag:s10] =	ssyncset.done $0x0  }
0xf5: {  	[sflag:s10] =	ssyncadd.s32 $0xFFFFC000  }
0xf6: {  	_ =	swait.ge [sflag:s16], $0x4000  }
0xf7: {  	[sflag:s16] =	ssyncset.done $0x0  }
0xf8: {  	s7 =	rddreg [dreg:$0xe];
	[sflag:s16] =	ssyncadd.s32 $0xFFFFC000  }
0xf9: {  	[tilespmem:s13], [sflag:$0x1] =	stream.indirect.gather [hbm4b:s4+s12], $0x80, s7, s12, $0xb8;
	[tilespmem:$0x1D000] =	vst v63  }
0xfa: {  	s9 =	rddreg [dreg:$0xf]  }
0xfb: {  	[spmem:s2] =	stream.indirect.scatter.add.f32 [tilespmem:s15], [sflag:$0x3], $0x80, s9, s12, $0xb8;
	[tilespmem:$0x1D000] =	vst v63  }
0xfc: {  	_ =	swait.ge [sflag:s10], $0x4000  }
0xfd: {  	[sflag:s10] =	ssyncset.done $0x0  }
0xfe: {  	[sflag:s10] =	ssyncadd.s32 $0xFFFFC000  }
0xff: {  	_ =	swait.ge [sflag:s14], $0x4000  }
0x100: {  	[sflag:s14] =	ssyncset.done $0x0  }
0x101: {  	s7 =	rddreg [dreg:$0x10];
	[sflag:s14] =	ssyncadd.s32 $0xFFFFC000  }
0x102: {  	[tilespmem:s15], [sflag:$0x2] =	stream.indirect.gather [hbm4b:s4+s12], $0x80, s7, s12, $0xb8;
	[tilespmem:$0x1D000] =	vst v63  }
0x103: {  	s9 =	rddreg [dreg:$0x11]  }
0x104: {  	[spmem:s2] =	stream.indirect.scatter.add.f32 [tilespmem:s13], [sflag:$0x3], $0x80, s9, s12, $0xb8;
	[tilespmem:$0x1D000] =	vst v63  }
0x105: {  	_ =	swait.ge [sflag:s10], $0x4000  }
0x106: {  	[sflag:s10] =	ssyncset.done $0x0  }
0x107: {  	[sflag:s10] =	ssyncadd.s32 $0xFFFFC000  }
0x108: {  	_ =	swait.ge [sflag:s16], $0x4000  }
0x109: {  	[sflag:s16] =	ssyncset.done $0x0  }
0x10a: {  	[sflag:s16] =	ssyncadd.s32 $0xFFFFC000  }
0x10b: {  	[tilespmem:s13], [sflag:$0x1] =	stream.indirect.gather [hbm4b:s4+s12], $0x80, s17, s12, $0xb8;
	[tilespmem:$0x1D000] =	vst v63  }
0x10c: {  	_ = 	snop  }
0x10d: {  	[spmem:s2] =	stream.indirect.scatter.add.f32 [tilespmem:s15], [sflag:$0x3], $0x80, s18, s12, $0xb8;
	[tilespmem:$0x1D000] =	vst v63  }
0x10e: {  	_ =	swait.ge [sflag:s10], $0x4000  }
0x10f: {  	[sflag:s10] =	ssyncset.done $0x0  }
0x110: {  	[sflag:s10] =	ssyncadd.s32 $0xFFFFC000  }
0x111: {  	_ =	swait.ge [sflag:s14], $0x4000  }
0x112: {  	[sflag:s14] =	ssyncset.done $0x0  }
0x113: {  	[sflag:s14] =	ssyncadd.s32 $0xFFFFC000  }
0x114: {  	[tilespmem:s15], [sflag:$0x2] =	stream.indirect.gather [hbm4b:s4+s12], $0x80, s19, s12, $0xb8;
	[tilespmem:$0x1D000] =	vst v63  }
0x115: {  	_ = 	snop  }
0x116: {  	[spmem:s2] =	stream.indirect.scatter.add.f32 [tilespmem:s13], [sflag:$0x3], $0x80, s20, s12, $0xb8;
	[tilespmem:$0x1D000] =	vst v63  }
0x117: {  	_ =	swait.ge [sflag:s10], $0x4000  }
0x118: {  	[sflag:s10] =	ssyncset.done $0x0  }
0x119: {  	[sflag:s10] =	ssyncadd.s32 $0xFFFFC000  }
0x11a: {  	_ =	swait.ge [sflag:s16], $0x4000  }
0x11b: {  	[sflag:s16] =	ssyncset.done $0x0  }
0x11c: {  	[sflag:s16] =	ssyncadd.s32 $0xFFFFC000  }
0x11d: {  	[tilespmem:s13], [sflag:$0x1] =	stream.indirect.gather [hbm4b:s4+s12], $0x80, s21, s12, $0xb8;
	[tilespmem:$0x1D000] =	vst v63  }
0x11e: {  	_ = 	snop  }
0x11f: {  	[spmem:s2] =	stream.indirect.scatter.add.f32 [tilespmem:s15], [sflag:$0x3], $0x80, s22, s12, $0xb8;
	[tilespmem:$0x1D000] =	vst v63  }
0x120: {  	_ =	swait.ge [sflag:s10], $0x4000  }
0x121: {  	[sflag:s10] =	ssyncset.done $0x0  }
0x122: {  	[sflag:s10] =	ssyncadd.s32 $0xFFFFC000  }
0x123: {  	_ =	swait.ge [sflag:s14], $0x4000  }
0x124: {  	[sflag:s14] =	ssyncset.done $0x0  }
0x125: {  	[sflag:s14] =	ssyncadd.s32 $0xFFFFC000  }
0x126: {  	[tilespmem:s15], [sflag:$0x2] =	stream.indirect.gather [hbm4b:s4+s12], $0x80, s23, s12, $0xb8;
	[tilespmem:$0x1D000] =	vst v63  }
0x127: {  	_ = 	snop  }
0x128: {  	[spmem:s2] =	stream.indirect.scatter.add.f32 [tilespmem:s13], [sflag:$0x3], $0x80, s24, s12, $0xb8;
	[tilespmem:$0x1D000] =	vst v63  }
0x129: {  	_ =	swait.ge [sflag:s10], $0x4000  }
0x12a: {  	[sflag:s10] =	ssyncset.done $0x0  }
0x12b: {  	[sflag:s10] =	ssyncadd.s32 $0xFFFFC000  }
0x12c: {  	_ =	swait.ge [sflag:s16], $0x4000  }
0x12d: {  	[sflag:s16] =	ssyncset.done $0x0  }
0x12e: {  	[sflag:s16] =	ssyncadd.s32 $0xFFFFC000  }
0x12f: {  	[tilespmem:s13], [sflag:$0x1] =	stream.indirect.gather [hbm4b:s4+s12], $0x80, s25, s12, $0xb8;
	[tilespmem:$0x1D000] =	vst v63  }
0x130: {  	_ = 	snop  }
0x131: {  	[spmem:s2] =	stream.indirect.scatter.add.f32 [tilespmem:s15], [sflag:$0x3], $0x80, s26, s12, $0xb8;
	[tilespmem:$0x1D000] =	vst v63  }
0x132: {  	_ =	swait.ge [sflag:s10], $0x4000  }
0x133: {  	[sflag:s10] =	ssyncset.done $0x0  }
0x134: {  	[sflag:s10] =	ssyncadd.s32 $0xFFFFC000  }
0x135: {  	_ =	swait.ge [sflag:s14], $0x4000  }
0x136: {  	[sflag:s14] =	ssyncset.done $0x0  }
0x137: {  	[sflag:s14] =	ssyncadd.s32 $0xFFFFC000  }
0x138: {  	[tilespmem:s15], [sflag:$0x2] =	stream.indirect.gather [hbm4b:s4+s12], $0x80, s28, s12, $0xb8;
	[tilespmem:$0x1D000] =	vst v63  }
0x139: {  	_ = 	snop  }
0x13a: {  	[spmem:s2] =	stream.indirect.scatter.add.f32 [tilespmem:s13], [sflag:$0x3], $0x80, s29, s12, $0xb8;
	[tilespmem:$0x1D000] =	vst v63  }
0x13b: {  	_ =	swait.ge [sflag:s10], $0x4000  }
0x13c: {  	[sflag:s10] =	ssyncset.done $0x0  }
0x13d: {  	[sflag:s10] =	ssyncadd.s32 $0xFFFFC000  }
0x13e: {  	_ =	swait.ge [sflag:s16], $0x4000  }
0x13f: {  	[sflag:s16] =	ssyncset.done $0x0  }
0x140: {  	[sflag:s16] =	ssyncadd.s32 $0xFFFFC000  }
0x141: {  	[tilespmem:s13], [sflag:$0x1] =	stream.indirect.gather [hbm4b:s4+s12], $0x80, s30, s12, $0xb8;
	[tilespmem:$0x1D000] =	vst v63  }
0x142: {  	_ = 	snop  }
0x143: {  	[spmem:s2] =	stream.indirect.scatter.add.f32 [tilespmem:s15], [sflag:$0x3], $0x80, s31, s12, $0xb8;
	[tilespmem:$0x1D000] =	vst v63  }
0x144: {  	_ =	swait.ge [sflag:s10], $0x4000  }
0x145: {  	[sflag:s10] =	ssyncset.done $0x0  }
0x146: {  	[sflag:s10] =	ssyncadd.s32 $0xFFFFC000  }
0x147: {  	_ =	swait.ge [sflag:s14], $0x4000  }
0x148: {  	[sflag:s14] =	ssyncset.done $0x0  }
0x149: {  	[sflag:s14] =	ssyncadd.s32 $0xFFFFC000  }
0x14a: {  	[tilespmem:s15], [sflag:$0x2] =	stream.indirect.gather [hbm4b:s4+s12], $0x80, s1, s12, $0xb8;
	[tilespmem:$0x1D000] =	vst v63  }
0x14b: {  	_ = 	snop  }
0x14c: {  	[spmem:s2] =	stream.indirect.scatter.add.f32 [tilespmem:s13], [sflag:$0x3], $0x80, s0, s12, $0xb8;
	[tilespmem:$0x1D000] =	vst v63  }
0x14d: {  	_ =	swait.ge [sflag:s10], $0x4000  }
0x14e: {  	[sflag:s10] =	ssyncset.done $0x0  }
0x14f: {  	[sflag:s10] =	ssyncadd.s32 $0xFFFFC000  }
0x150: {  	p0 =	sne.s32 s6, $0x400;
	_ =	swait.ge [sflag:s16], $0x4000  }
.Ltmp0:
0x151: {  	[sflag:s16] =	ssyncset.done $0x0;
	(pc) =	sbr.rel @p0 .LBB2_2-.Ltmp0, $4  }
0x152: {  	[sflag:s16] =	ssyncadd.s32 $0xFFFFC000  }
0x153: {  	[spmem:s2] =	stream.indirect.scatter.add.f32 [tilespmem:s15], [sflag:$0x3], $0x80, s5, s12, $0xb8;
	[tilespmem:$0x1D000] =	vst v63  }
0x154: {  	_ =	swait.ge [sflag:s10], $0x4000  }
0x155: {  	s6 =	sadd.s32 $0x100, s6;
	s9 =	rddreg [dreg:$0x5];
	[sflag:s10] =	ssyncset.done $0x0  }
0x156: {  	[sflag:s10] =	ssyncadd.s32 $0xFFFFC000;
	s6 =	sadd.s32 s8, s9  }
0x157: {  	[tilespmem:s3], [sflag:$0x3] =	stream.linear.gather [hbm4b:s6+s3], $0x800, $0x38;
	[tilespmem:$0x1D000] =	vst v63  }
0x158: {  	_ =	swait.ge [sflag:s10], $0x800  }
0x159: {  	s7 =	rddreg [dreg:$0x4];
	[sflag:s10] =	ssyncset.done $0x0  }
0x15a: {  	[sflag:s10] =	ssyncadd.s32 $0xFFFFF800;
	s6 =	sadd.s32 s8, s7  }
0x15b: {  	[tilespmem:s11], [sflag:$0x3] =	stream.linear.gather [hbm4b:s6+s3], $0x800, $0x38;
	[tilespmem:$0x1D000] =	vst v63  }
0x15c: {  	_ =	swait.ge [sflag:s10], $0x800  }
0x15d: {  	[sflag:s10] =	ssyncset.done $0x0  }
0x15e: {  	[sflag:s10] =	ssyncadd.s32 $0xFFFFF800  }
0x15f: {  	[tilespmem:s13], [sflag:$0x1] =	stream.indirect.gather [hbm4b:s4+s12], $0x80, s3, s12, $0xb8;
	[tilespmem:$0x1D000] =	vst v63  }
0x160: {  	_ =	swait.ge [sflag:s14], $0x4000  }
0x161: {  	[sflag:s14] =	ssyncset.done $0x0  }
0x162: {  	[sflag:s14] =	ssyncadd.s32 $0xFFFFC000  }
0x163: {  	[tilespmem:s15], [sflag:$0x2] =	stream.indirect.gather [hbm4b:s4+s12], $0x80, s12, s12, $0xb8;
	[tilespmem:$0x1D000] =	vst v63  }
0x164: {  	_ = 	snop  }
0x165: {  	[spmem:s2] =	stream.indirect.scatter.add.f32 [tilespmem:s13], [sflag:$0x3], $0x80, s11, s12, $0xb8;
	[tilespmem:$0x1D000] =	vst v63  }
0x166: {  	_ =	swait.ge [sflag:s10], $0x4000  }
0x167: {  	[sflag:s10] =	ssyncset.done $0x0  }
0x168: {  	[sflag:s10] =	ssyncadd.s32 $0xFFFFC000  }
0x169: {  	_ =	swait.ge [sflag:s16], $0x4000  }
0x16a: {  	[sflag:s16] =	ssyncset.done $0x0  }
0x16b: {  	s9 =	rddreg [dreg:$0x6];
	[sflag:s16] =	ssyncadd.s32 $0xFFFFC000  }
0x16c: {  	[tilespmem:s13], [sflag:$0x1] =	stream.indirect.gather [hbm4b:s4+s12], $0x80, s9, s12, $0xb8;
	[tilespmem:$0x1D000] =	vst v63  }
0x16d: {  	s7 =	rddreg [dreg:$0x7]  }
0x16e: {  	[spmem:s2] =	stream.indirect.scatter.add.f32 [tilespmem:s15], [sflag:$0x3], $0x80, s7, s12, $0xb8;
	[tilespmem:$0x1D000] =	vst v63  }
0x16f: {  	_ =	swait.ge [sflag:s10], $0x4000  }
0x170: {  	[sflag:s10] =	ssyncset.done $0x0  }
0x171: {  	[sflag:s10] =	ssyncadd.s32 $0xFFFFC000  }
0x172: {  	_ =	swait.ge [sflag:s14], $0x4000  }
0x173: {  	[sflag:s14] =	ssyncset.done $0x0  }
0x174: {  	s8 =	rddreg [dreg:$0x8];
	[sflag:s14] =	ssyncadd.s32 $0xFFFFC000  }
0x175: {  	[tilespmem:s15], [sflag:$0x2] =	stream.indirect.gather [hbm4b:s4+s12], $0x80, s8, s12, $0xb8;
	[tilespmem:$0x1D000] =	vst v63  }
0x176: {  	s9 =	rddreg [dreg:$0x9]  }
0x177: {  	[spmem:s2] =	stream.indirect.scatter.add.f32 [tilespmem:s13], [sflag:$0x3], $0x80, s9, s12, $0xb8;
	[tilespmem:$0x1D000] =	vst v63  }
0x178: {  	_ =	swait.ge [sflag:s10], $0x4000  }
0x179: {  	[sflag:s10] =	ssyncset.done $0x0  }
0x17a: {  	[sflag:s10] =	ssyncadd.s32 $0xFFFFC000  }
0x17b: {  	_ =	swait.ge [sflag:s16], $0x4000  }
0x17c: {  	[sflag:s16] =	ssyncset.done $0x0  }
0x17d: {  	s8 =	rddreg [dreg:$0xa];
	[sflag:s16] =	ssyncadd.s32 $0xFFFFC000  }
0x17e: {  	[tilespmem:s13], [sflag:$0x1] =	stream.indirect.gather [hbm4b:s4+s12], $0x80, s8, s12, $0xb8;
	[tilespmem:$0x1D000] =	vst v63  }
0x17f: {  	s9 =	rddreg [dreg:$0xb]  }
0x180: {  	[spmem:s2] =	stream.indirect.scatter.add.f32 [tilespmem:s15], [sflag:$0x3], $0x80, s9, s12, $0xb8;
	[tilespmem:$0x1D000] =	vst v63  }
0x181: {  	_ =	swait.ge [sflag:s10], $0x4000  }
0x182: {  	[sflag:s10] =	ssyncset.done $0x0  }
0x183: {  	[sflag:s10] =	ssyncadd.s32 $0xFFFFC000  }
0x184: {  	_ =	swait.ge [sflag:s14], $0x4000  }
0x185: {  	[sflag:s14] =	ssyncset.done $0x0  }
0x186: {  	s8 =	rddreg [dreg:$0xc];
	[sflag:s14] =	ssyncadd.s32 $0xFFFFC000  }
0x187: {  	[tilespmem:s15], [sflag:$0x2] =	stream.indirect.gather [hbm4b:s4+s12], $0x80, s8, s12, $0xb8;
	[tilespmem:$0x1D000] =	vst v63  }
0x188: {  	s9 =	rddreg [dreg:$0xd]  }
0x189: {  	[spmem:s2] =	stream.indirect.scatter.add.f32 [tilespmem:s13], [sflag:$0x3], $0x80, s9, s12, $0xb8;
	[tilespmem:$0x1D000] =	vst v63  }
0x18a: {  	_ =	swait.ge [sflag:s10], $0x4000  }
0x18b: {  	[sflag:s10] =	ssyncset.done $0x0  }
0x18c: {  	[sflag:s10] =	ssyncadd.s32 $0xFFFFC000  }
0x18d: {  	_ =	swait.ge [sflag:s16], $0x4000  }
0x18e: {  	[sflag:s16] =	ssyncset.done $0x0  }
0x18f: {  	s8 =	rddreg [dreg:$0xe];
	[sflag:s16] =	ssyncadd.s32 $0xFFFFC000  }
0x190: {  	[tilespmem:s13], [sflag:$0x1] =	stream.indirect.gather [hbm4b:s4+s12], $0x80, s8, s12, $0xb8;
	[tilespmem:$0x1D000] =	vst v63  }
0x191: {  	s9 =	rddreg [dreg:$0xf]  }
0x192: {  	[spmem:s2] =	stream.indirect.scatter.add.f32 [tilespmem:s15], [sflag:$0x3], $0x80, s9, s12, $0xb8;
	[tilespmem:$0x1D000] =	vst v63  }
0x193: {  	_ =	swait.ge [sflag:s10], $0x4000  }
0x194: {  	[sflag:s10] =	ssyncset.done $0x0  }
0x195: {  	[sflag:s10] =	ssyncadd.s32 $0xFFFFC000  }
0x196: {  	_ =	swait.ge [sflag:s14], $0x4000  }
0x197: {  	[sflag:s14] =	ssyncset.done $0x0  }
0x198: {  	s7 =	rddreg [dreg:$0x10];
	[sflag:s14] =	ssyncadd.s32 $0xFFFFC000  }
0x199: {  	[tilespmem:s15], [sflag:$0x2] =	stream.indirect.gather [hbm4b:s4+s12], $0x80, s7, s12, $0xb8;
	[tilespmem:$0x1D000] =	vst v63  }
0x19a: {  	s8 =	rddreg [dreg:$0x11]  }
0x19b: {  	[spmem:s2] =	stream.indirect.scatter.add.f32 [tilespmem:s13], [sflag:$0x3], $0x80, s8, s12, $0xb8;
	[tilespmem:$0x1D000] =	vst v63  }
0x19c: {  	_ =	swait.ge [sflag:s10], $0x4000  }
0x19d: {  	[sflag:s10] =	ssyncset.done $0x0  }
0x19e: {  	[sflag:s10] =	ssyncadd.s32 $0xFFFFC000  }
0x19f: {  	_ =	swait.ge [sflag:s16], $0x4000  }
0x1a0: {  	[sflag:s16] =	ssyncset.done $0x0  }
0x1a1: {  	[sflag:s16] =	ssyncadd.s32 $0xFFFFC000  }
0x1a2: {  	[tilespmem:s13], [sflag:$0x1] =	stream.indirect.gather [hbm4b:s4+s12], $0x80, s17, s12, $0xb8;
	[tilespmem:$0x1D000] =	vst v63  }
0x1a3: {  	_ = 	snop  }
0x1a4: {  	[spmem:s2] =	stream.indirect.scatter.add.f32 [tilespmem:s15], [sflag:$0x3], $0x80, s18, s12, $0xb8;
	[tilespmem:$0x1D000] =	vst v63  }
0x1a5: {  	_ =	swait.ge [sflag:s10], $0x4000  }
0x1a6: {  	[sflag:s10] =	ssyncset.done $0x0  }
0x1a7: {  	[sflag:s10] =	ssyncadd.s32 $0xFFFFC000  }
0x1a8: {  	_ =	swait.ge [sflag:s14], $0x4000  }
0x1a9: {  	[sflag:s14] =	ssyncset.done $0x0  }
0x1aa: {  	[sflag:s14] =	ssyncadd.s32 $0xFFFFC000  }
0x1ab: {  	[tilespmem:s15], [sflag:$0x2] =	stream.indirect.gather [hbm4b:s4+s12], $0x80, s19, s12, $0xb8;
	[tilespmem:$0x1D000] =	vst v63  }
0x1ac: {  	_ = 	snop  }
0x1ad: {  	[spmem:s2] =	stream.indirect.scatter.add.f32 [tilespmem:s13], [sflag:$0x3], $0x80, s20, s12, $0xb8;
	[tilespmem:$0x1D000] =	vst v63  }
0x1ae: {  	_ =	swait.ge [sflag:s10], $0x4000  }
0x1af: {  	[sflag:s10] =	ssyncset.done $0x0  }
0x1b0: {  	[sflag:s10] =	ssyncadd.s32 $0xFFFFC000  }
0x1b1: {  	_ =	swait.ge [sflag:s16], $0x4000  }
0x1b2: {  	[sflag:s16] =	ssyncset.done $0x0  }
0x1b3: {  	[sflag:s16] =	ssyncadd.s32 $0xFFFFC000  }
0x1b4: {  	[tilespmem:s13], [sflag:$0x1] =	stream.indirect.gather [hbm4b:s4+s12], $0x80, s21, s12, $0xb8;
	[tilespmem:$0x1D000] =	vst v63  }
0x1b5: {  	_ = 	snop  }
0x1b6: {  	[spmem:s2] =	stream.indirect.scatter.add.f32 [tilespmem:s15], [sflag:$0x3], $0x80, s22, s12, $0xb8;
	[tilespmem:$0x1D000] =	vst v63  }
0x1b7: {  	_ =	swait.ge [sflag:s10], $0x4000  }
0x1b8: {  	[sflag:s10] =	ssyncset.done $0x0  }
0x1b9: {  	[sflag:s10] =	ssyncadd.s32 $0xFFFFC000  }
0x1ba: {  	_ =	swait.ge [sflag:s14], $0x4000  }
0x1bb: {  	[sflag:s14] =	ssyncset.done $0x0  }
0x1bc: {  	[sflag:s14] =	ssyncadd.s32 $0xFFFFC000  }
0x1bd: {  	[tilespmem:s15], [sflag:$0x2] =	stream.indirect.gather [hbm4b:s4+s12], $0x80, s23, s12, $0xb8;
	[tilespmem:$0x1D000] =	vst v63  }
0x1be: {  	_ = 	snop  }
0x1bf: {  	[spmem:s2] =	stream.indirect.scatter.add.f32 [tilespmem:s13], [sflag:$0x3], $0x80, s24, s12, $0xb8;
	[tilespmem:$0x1D000] =	vst v63  }
0x1c0: {  	_ =	swait.ge [sflag:s10], $0x4000  }
0x1c1: {  	[sflag:s10] =	ssyncset.done $0x0  }
0x1c2: {  	[sflag:s10] =	ssyncadd.s32 $0xFFFFC000  }
0x1c3: {  	_ =	swait.ge [sflag:s16], $0x4000  }
0x1c4: {  	[sflag:s16] =	ssyncset.done $0x0  }
0x1c5: {  	[sflag:s16] =	ssyncadd.s32 $0xFFFFC000  }
0x1c6: {  	[tilespmem:s13], [sflag:$0x1] =	stream.indirect.gather [hbm4b:s4+s12], $0x80, s25, s12, $0xb8;
	[tilespmem:$0x1D000] =	vst v63  }
0x1c7: {  	_ = 	snop  }
0x1c8: {  	[spmem:s2] =	stream.indirect.scatter.add.f32 [tilespmem:s15], [sflag:$0x3], $0x80, s26, s12, $0xb8;
	[tilespmem:$0x1D000] =	vst v63  }
0x1c9: {  	_ =	swait.ge [sflag:s10], $0x4000  }
0x1ca: {  	[sflag:s10] =	ssyncset.done $0x0  }
0x1cb: {  	[sflag:s10] =	ssyncadd.s32 $0xFFFFC000  }
0x1cc: {  	_ =	swait.ge [sflag:s14], $0x4000  }
0x1cd: {  	[sflag:s14] =	ssyncset.done $0x0  }
0x1ce: {  	[sflag:s14] =	ssyncadd.s32 $0xFFFFC000  }
0x1cf: {  	[tilespmem:s15], [sflag:$0x2] =	stream.indirect.gather [hbm4b:s4+s12], $0x80, s28, s12, $0xb8;
	[tilespmem:$0x1D000] =	vst v63  }
0x1d0: {  	_ = 	snop  }
0x1d1: {  	[spmem:s2] =	stream.indirect.scatter.add.f32 [tilespmem:s13], [sflag:$0x3], $0x80, s29, s12, $0xb8;
	[tilespmem:$0x1D000] =	vst v63  }
0x1d2: {  	_ =	swait.ge [sflag:s10], $0x4000  }
0x1d3: {  	[sflag:s10] =	ssyncset.done $0x0  }
0x1d4: {  	[sflag:s10] =	ssyncadd.s32 $0xFFFFC000  }
0x1d5: {  	_ =	swait.ge [sflag:s16], $0x4000  }
0x1d6: {  	[sflag:s16] =	ssyncset.done $0x0  }
0x1d7: {  	[sflag:s16] =	ssyncadd.s32 $0xFFFFC000  }
0x1d8: {  	[tilespmem:s13], [sflag:$0x1] =	stream.indirect.gather [hbm4b:s4+s12], $0x80, s30, s12, $0xb8;
	[tilespmem:$0x1D000] =	vst v63  }
0x1d9: {  	_ = 	snop  }
0x1da: {  	[spmem:s2] =	stream.indirect.scatter.add.f32 [tilespmem:s15], [sflag:$0x3], $0x80, s31, s12, $0xb8;
	[tilespmem:$0x1D000] =	vst v63  }
0x1db: {  	_ =	swait.ge [sflag:s10], $0x4000  }
0x1dc: {  	[sflag:s10] =	ssyncset.done $0x0  }
0x1dd: {  	[sflag:s10] =	ssyncadd.s32 $0xFFFFC000  }
0x1de: {  	_ =	swait.ge [sflag:s14], $0x4000  }
0x1df: {  	[sflag:s14] =	ssyncset.done $0x0  }
0x1e0: {  	[sflag:s14] =	ssyncadd.s32 $0xFFFFC000  }
0x1e1: {  	[tilespmem:s15], [sflag:$0x2] =	stream.indirect.gather [hbm4b:s4+s12], $0x80, s1, s12, $0xb8;
	[tilespmem:$0x1D000] =	vst v63  }
0x1e2: {  	_ = 	snop  }
0x1e3: {  	[spmem:s2] =	stream.indirect.scatter.add.f32 [tilespmem:s13], [sflag:$0x3], $0x80, s0, s12, $0xb8;
	[tilespmem:$0x1D000] =	vst v63  }
0x1e4: {  	_ =	swait.ge [sflag:s10], $0x4000  }
0x1e5: {  	[sflag:s10] =	ssyncset.done $0x0  }
0x1e6: {  	[sflag:s10] =	ssyncadd.s32 $0xFFFFC000  }
0x1e7: {  	_ =	swait.ge [sflag:s16], $0x4000  }
0x1e8: {  	[sflag:s16] =	ssyncset.done $0x0  }
0x1e9: {  	[sflag:s16] =	ssyncadd.s32 $0xFFFFC000  }
0x1ea: {  	[spmem:s2] =	stream.indirect.scatter.add.f32 [tilespmem:s15], [sflag:$0x3], $0x80, s5, s12, $0xb8;
	[tilespmem:$0x1D000] =	vst v63  }
0x1eb: {  	_ =	swait.ge [sflag:s10], $0x4000  }
0x1ec: {  	[sflag:s10] =	ssyncset.done $0x0  }
0x1ed: {  	[sflag:s10] =	ssyncadd.s32 $0xFFFFC000  }
0x1ee: {  	[bflag:$0x0] =	sbarrier.arrive $0xFFFF  }
0x1ef: {  	s7 =	rddreg [dreg:$0x13]  }
0x1f0: {  	s9 =	rddreg [dreg:$0x14]  }
0x1f1: {  	s8 =	rddreg [dreg:$0x16]  }
0x1f2: {  	[hbm:s9], [sflag:s7] =	dma.local [spmem:s8], $0x2800  }
0x1f3: {  	_ =	swait.ge [sflag:s10], $0x2800  }
0x1f4: {  	s6 =	rddreg [dreg:$0x17]  }
0x1f5: {  	s9 =	sadd.s32 $0x1, s6;
	s6 =	rddreg [dreg:$0x15]  }
0x1f6: {  	p0 =	sne.s32 s9, s6  }
.Ltmp1:
0x1f7: {  	_ = 	snop;
	(pc) =	sbr.rel @p0 .LBB2_1-.Ltmp1, $3  }
0x1f8: {  	_ =	sdelay $0x1  }
0x1f9: {  	[sflag:s10] =	ssyncset.done $0x0  }
0x1fa: {  	[sflag:s10] =	ssyncadd.s32 $0xFFFFD800  }
0x1fb: {  	_ =	sfence.sel $0x180000  }
0x1fc: {  	[bflag:$0x0] =	sbarrier.arrive $0xFFFF  }
0x1fd: {  	_ =	strace $0x9000004D  }
0x1fe: {  	s0 =	stileid.u32;
	[bflag:$0x2] =	sbarrier.arrive $0xFFFF  }
0x1ff: {  	p0 =	sne.s32 s0, $0x0;
	s0 =	rddreg [dreg:$0x3]  }
0x200: {  	s0 =	sadd.s32 @!p0 $0x100000, s0  }
0x201: {  	[sflag:s0] =	ssyncadd.tile.s32 @!p0 $0x1;
	_ =	shalt  }
.Lfunc_end2:
_tile_overlayer_lowered:
.L_overlay_start_2:
0x202: {  	(tag) =	ssettag $0x2  }
0x203: {  	s0 =	rddreg [dreg:$0x0];
	s2 =	stileid.u32  }
0x204: {  	s1 =	rddreg [dreg:$0x1];
	p0 =	sne.s32 s2, $0x0  }
0x205: {  	s3 =	rddreg [dreg:$0x2];
	[bflag:$0x3] =	sbarrier.arrive $0xFFFF;
	s2 =	simm.s32 @!p0 $0x1C03  }
0x206: {  	[timem:s3], [sflag:s2] =	dma.local @!p0 [hbm:s0], s1  }
0x207: {  	s0 =	simm.s32 @!p0 $0x3  }
0x208: {  	_ =	swait.ge @!p0 [sflag:s0], s1  }
0x209: {  	s1 =	ssub.s32 @!p0 $0x0, s1;
	[sflag:s0] =	ssyncset.done @!p0 $0x0  }
0x20a: {  	[sflag:s0] =	ssyncadd.s32 @!p0 s1  }
0x20b: {  	[bflag:$0x3] =	sbarrier.arrive $0xFFFF  }
0x20c: {  	_ =	shalt  }

// kernel: kernel.22.cloned.1.call-start
scs
__scs_entry_jumppad:
0x0: {  	(pc) =	sbr.rel $0x88, $3  }
0x1: {  	(tag) =	ssettag $0x0;
	lr =	simm.s32 $0x1  }
0x2: {  	[smem:$0x3F8D] =	sst lr;
	_ =	strace $0xD0000000  }
0x3: {  	_ = 	snop  }
0x4: {  	_ = 	snop  }
0x5: {  	_ = 	snop  }
0x6: {  	_ = 	snop  }
0x7: {  	_ = 	snop  }
__scs_overlays_trampoline_lowered:
0x8: {  	[smem:$0x3F9C] =	sst s0  }
0x9: {  	[smem:$0x3F9D] =	sst s1  }
0xa: {  	[smem:$0x3F9E] =	sst s2  }
0xb: {  	[smem:$0x3F9F] =	sst s3  }
0xc: {  	[smem:$0x3FA0] =	sst s4  }
0xd: {  	[smem:$0x3FA1] =	sst s5  }
0xe: {  	[smem:$0x3FA2] =	sst s6  }
0xf: {  	[smem:$0x3FA3] =	sst s7  }
0x10: {  	[smem:$0x3FA4] =	sst s8  }
0x11: {  	[smem:$0x3FA5] =	sst s9;
	s0 =	simm.s32 @!p0 $0x0  }
0x12: {  	s1 =	sld [smem:$0x3F8B];
	s0 =	simm.s32 @p0 $0x1  }
0x13: {  	[smem:$0x3FA6] =	sst s0;
	s0 =	simm.s32 @!p1 $0x0  }
0x14: {  	s2 =	sld [smem:$0x3F8A];
	s0 =	simm.s32 @p1 $0x1  }
0x15: {  	[smem:$0x3FA7] =	sst s0;
	s0 =	simm.s32 @!p2 $0x0  }
0x16: {  	s3 =	sld [smem:$0x3FDB];
	s0 =	simm.s32 @p2 $0x1  }
0x17: {  	s4 =	simm.s32 $0x1BF5;
	[smem:$0x3FA9] =	sst s0  }
0x18: {  	s0 =	sld [smem:$0x3F8C];
	_ =	swait.ge [sflag:s4], $0x0  }
0x19: {  	s7 =	sld [smem:$0x3F8D]  }
0x1a: {  	s8 =	sadd.s32 $0xFFFFE003, lr  }
0x1b: {  	s9 =	sadd.s32 $0xFFFFFEF7, lr;
	s5 =	simm.s32 $0xFFFFFFFF;
	p2 =	slt.u32 s8, $0xFFFFF086  }
0x1c: {  	p1 =	slt.u32 s9, $0xF7A;
	s5 =	simm.s32 @!p2 $0x0  }
0x1d: {  	s5 =	simm.s32 @p1 $0x1;
	p0 =	seq.s32 s7, s2  }
0x1e: {  	s7 =	smul.u32 @!p0 $0xF7A, s2;
	p2 =	seq.s32 @!p0 s5, $0x0  }
0x1f: {  	s9 =	smul.u32 $0xF7A, s1;
	s8 =	simm.s32 @!p0 $0x1BF5;
	p2 =	por !p2, p0  }
0x20: {  	[sflag:s8] =	ssyncset.s32 @!p0 $0xFFFFF086;
	s6 =	sadd.s32 @!p0 s3, s7;
	s7 =	simm.s32 @!p0 $0x108  }
0x21: {  	s3 =	sadd.s32 s3, s9;
	s6 =	sadd.s32 @!p0 $0x88, s6;
	s7 =	simm.s32 @p2 $0x1082  }
0x22: {  	[simem:s7], [sflag:s8] =	dma.local @!p0 [hbm:s6], $0xF7A  }
0x23: {  	s9 =	sor.u32 $0xD0000000, s2;
	s6 =	simm.s32 $0x108;
	_ =	swait.ge @!p0 [sflag:s8], $0x0  }
0x24: {  	s3 =	sadd.s32 $0x88, s3;
	s6 =	simm.s32 @!p1 $0x1082;
	[sflag:s4] =	ssyncset.s32 $0xFFFFF086  }
0x25: {  	[simem:s6], [sflag:s4] =	dma.local [hbm:s3], $0xF7A  }
0x26: {  	[smem:$0x3F8D] =	sst s1;
	(tag) =	ssettag s2;
	_ =	strace s9  }
0x27: {  	s1 =	sld [smem:$0x3F9D]  }
0x28: {  	s2 =	sld [smem:$0x3F9E]  }
0x29: {  	s4 =	sld [smem:$0x3FA0]  }
0x2a: {  	p0 =	seq.s32 s5, $0x0;
	s5 =	sld [smem:$0x3FA1]  }
0x2b: {  	s6 =	sld [smem:$0x3FA2]  }
0x2c: {  	s7 =	sld [smem:$0x3FA3]  }
0x2d: {  	s3 =	simm.s32 $0x108;
	s8 =	sld [smem:$0x3FA4]  }
0x2e: {  	s3 =	simm.s32 @!p0 $0x1082;
	s9 =	sld [smem:$0x3FA5]  }
0x2f: {  	lr =	sadd.s32 s0, s3;
	s0 =	sld [smem:$0x3F9C]  }
0x30: {  	s3 =	sld [smem:$0x3F9F]  }
0x31: {  	[smem:$0x3FA8] =	sst s10  }
0x32: {  	s10 =	sld [smem:$0x3FA6];
	_ =	sdelay $0x3  }
0x33: {  	p0 =	seq.s32 s10, $0x1;
	s10 =	sld [smem:$0x3FA8];
	_ =	sdelay $0x3  }
0x34: {  	[smem:$0x3FA8] =	sst s10  }
0x35: {  	s10 =	sld [smem:$0x3FA7];
	_ =	sdelay $0x3  }
0x36: {  	p1 =	seq.s32 s10, $0x1;
	s10 =	sld [smem:$0x3FA8];
	_ =	sdelay $0x3  }
0x37: {  	[smem:$0x3FA8] =	sst s10  }
0x38: {  	s10 =	sld [smem:$0x3FA9]  }
0x39: {  	_ = 	snop;
	(pc) =	sbr.ind lr, $3  }
0x3a: {  	_ = 	snop  }
0x3b: {  	_ = 	snop  }
0x3c: {  	p2 =	seq.s32 s10, $0x1;
	s10 =	sld [smem:$0x3FA8]  }
0x3d: {  	_ =	shalt  }
0x3e: {  	_ =	shalt  }
0x3f: {  	_ =	shalt  }
0x40: {  	_ =	shalt  }
0x41: {  	_ =	shalt  }
0x42: {  	_ =	shalt  }
0x43: {  	_ =	shalt  }
0x44: {  	_ =	shalt  }
0x45: {  	_ =	shalt  }
0x46: {  	_ =	shalt  }
0x47: {  	_ =	shalt  }
0x48: {  	_ =	shalt  }
0x49: {  	_ =	shalt  }
0x4a: {  	_ =	shalt  }
0x4b: {  	_ =	shalt  }
0x4c: {  	_ =	shalt  }
0x4d: {  	_ =	shalt  }
0x4e: {  	_ =	shalt  }
0x4f: {  	_ =	shalt  }
0x50: {  	_ =	shalt  }
0x51: {  	_ =	shalt  }
0x52: {  	_ =	shalt  }
0x53: {  	_ =	shalt  }
0x54: {  	_ =	shalt  }
0x55: {  	_ =	shalt  }
0x56: {  	_ =	shalt  }
0x57: {  	_ =	shalt  }
0x58: {  	_ =	shalt  }
0x59: {  	_ =	shalt  }
0x5a: {  	_ =	shalt  }
0x5b: {  	_ =	shalt  }
0x5c: {  	_ =	shalt  }
0x5d: {  	_ =	shalt  }
0x5e: {  	_ =	shalt  }
0x5f: {  	_ =	shalt  }
0x60: {  	_ =	shalt  }
0x61: {  	_ =	shalt  }
0x62: {  	_ =	shalt  }
0x63: {  	_ =	shalt  }
0x64: {  	_ =	shalt  }
0x65: {  	_ =	shalt  }
0x66: {  	_ =	shalt  }
0x67: {  	_ =	shalt  }
0x68: {  	_ =	shalt  }
0x69: {  	_ =	shalt  }
0x6a: {  	_ =	shalt  }
0x6b: {  	_ =	shalt  }
0x6c: {  	_ =	shalt  }
0x6d: {  	_ =	shalt  }
0x6e: {  	_ =	shalt  }
0x6f: {  	_ =	shalt  }
0x70: {  	_ =	shalt  }
0x71: {  	_ =	shalt  }
0x72: {  	_ =	shalt  }
0x73: {  	_ =	shalt  }
0x74: {  	_ =	shalt  }
0x75: {  	_ =	shalt  }
0x76: {  	_ =	shalt  }
0x77: {  	_ =	shalt  }
0x78: {  	_ =	shalt  }
0x79: {  	_ =	shalt  }
0x7a: {  	_ =	shalt  }
0x7b: {  	_ =	shalt  }
0x7c: {  	_ =	shalt  }
0x7d: {  	_ =	shalt  }
0x7e: {  	_ =	shalt  }
0x7f: {  	_ =	shalt  }
0x80: {  	_ =	shalt  }
0x81: {  	_ =	shalt  }
0x82: {  	_ =	shalt  }
0x83: {  	_ =	shalt  }
0x84: {  	_ =	shalt  }
0x85: {  	_ =	shalt  }
0x86: {  	_ =	shalt  }
0x87: {  	_ =	shalt  }
.Lfunc_end0:
.L_simem_size_0:
called_computation.3_lowered:
.L_overlay_start_0:
0x88: {  	s2 =	sld [smem:$0x3FD9]  }
0x89: {  	s3 =	sld [smem:$0x3FFE];
	_ =	sdelay $0x1  }
0x8a: {  	s1 =	srdreg.scid  }
0x8b: {  	s0 =	sand.u32 $0x1, s1  }
0x8c: {  	s17 =	sshll.u32 s0, $0xA;
	s2 =	sadd.s32 s3, s2  }
0x8d: {  	s2 =	sadd.s32 s2, s17  }
0x8e: {  	[smem:$0x3FB4] =	sst s2  }
0x8f: {  	_ = 	snop  }
0x90: {  	s2 =	sld [smem:$0x3FD0];
	(tm) =	ssettm $0x1  }
0x91: {  	s18 =	sld [smem:$0x3FFB];
	_ =	sdelay $0x3  }
0x92: {  	_ =	strace s18  }
0x93: {  	s3 =	sld [smem:$0x3FFC];
	_ =	sdelay $0x3  }
0x94: {  	_ =	strace s3  }
0x95: {  	s3 =	sld [smem:$0x3FFD];
	_ =	sdelay $0x3  }
0x96: {  	_ =	strace s3  }
0x97: {  	_ =	strace $0x8FFFFFFF  }
0x98: {  	s19 =	sld [smem:$0x3FDB];
	_ =	sdelay $0x1  }
0x99: {  	s4 =	simm.s32 $_scs_section_size  }
0x9a: {  	s5 =	simm.s32 $_size__tile_overlayer_lowered;
	s6 =	simm.s32 $_tile_overlayer_lowered  }
0x9b: {  	s22 =	simm.s32 $0x1BFF;
	s21 =	sshll.u32 s6, $0x1;
	s3 =	sadd.s32 s4, s19  }
0x9c: {  	s7 =	simm.s32 $0x0;
	s20 =	sshll.u32 s5, $0x1;
	s5 =	sadd.s32 s21, s3  }
0x9d: {  	[timem:s7], [sflag:s22] =	dma.local [hbm:s5], s20  }
0x9e: {  	_ =	swait.ge [sflag:s22], s20  }
0x9f: {  	s4 =	ssub.s32 $0x0, s20;
	[sflag:s22] =	ssyncset.done $0x0  }
0xa0: {  	[sflag:s22] =	ssyncadd.s32 s4;
	_ =	sdelay $0x1  }
0xa1: {  	s23 =	simm.s32 $0x1B8B  }
0xa2: {  	_ =	swait.ge [sflag:s23], $0x1  }
0xa3: {  	[sflag:s23] =	ssyncset.done $0x0  }
0xa4: {  	s25 =	simm.s32 $0x1B8E;
	s24 =	sld [smem:$0x3FFE];
	[sflag:s23] =	ssyncadd.s32 $0xFFFFFFFF  }
0xa5: {  	s26 =	simm.s32 $execute0_lowered;
	[smem:$0x3FD2] =	sst s25  }
0xa6: {  	s5 =	sshll.u32 s26, $0x1;
	_ =	strace $0x8000004F;
	[dreg:$0x1] =	wrdreg $0xFFFFFFFF  }
0xa7: {  	s28 =	simm.s32 $_size_execute0_lowered;
	s3 =	sadd.s32 s3, s5;
	[dreg:$0x0] =	wrdreg $0x0  }
0xa8: {  	s5 =	sshll.u32 s28, $0x1;
	[dreg:$0x2] =	wrdreg s3  }
0xa9: {  	[dreg:$0x3] =	wrdreg s5  }
0xaa: {  	[dreg:$0x4] =	wrdreg $0xC0  }
0xab: {  	_ =	task [dreg:s7], $0x5FFFF  }
0xac: {  	[dreg:$0x1] =	wrdreg $0xFFFFFFFF  }
0xad: {  	[dreg:$0x0] =	wrdreg $0x60  }
0xae: {  	[dreg:$0x2] =	wrdreg s24  }
0xaf: {  	[dreg:$0x3] =	wrdreg s2  }
0xb0: {  	[dreg:$0x4] =	wrdreg $0x90000  }
0xb1: {  	[dreg:$0x5] =	wrdreg $0x9  }
0xb2: {  	_ =	task.clear_ibuf [dreg:s7], $0x6FFFF;
	_ =	strace $0x9000004F  }
0xb3: {  	s29 =	simm.s32 $0x9;
	_ =	strace $0x80000051  }
0xb4: {  	_ =	swait.ge [sflag:s29], $0x1  }
0xb5: {  	[sflag:s29] =	ssyncadd.s32 $0xFFFFFFFF  }
0xb6: {  	_ =	strace $0x90000051  }
0xb7: {  	_ =	sfence  }
0xb8: {  	s30 =	sld [smem:$0x0];
	_ =	sdelay $0x2  }
0xb9: {  	s31 =	sshll.u32 s1, $0xD;
	s1 =	sshrl.u32 s1, $0x2  }
0xba: {  	s3 =	sand.u32 $0x4000, s31;
	s1 =	sadd.s32 s1, s30  }
0xbb: {  	s0 =	sor.u32 s3, s0;
	s1 =	sshll.u32 s1, $0x11  }
0xbc: {  	s0 =	sor.u32 s1, s0  }
0xbd: {  	s0 =	sadd.s32 $0x8F2B, s0  }
0xbe: {  	[sflag:s0] =	ssyncadd.remote.s32 $0x1  }
0xbf: {  	_ =	sfence.sel $0xFFFF  }
0xc0: {  	[dreg:$0x0] =	wrdreg $0xFFFFFFFF;
	(pc) =	sbr.abs _section_cstart, $3  }
0xc1: {  	[dreg:$0x1] =	wrdreg $0xFFFFFFFF  }
0xc2: {  	_ =	task.clear_ibuf [dreg:s7], $0x2FFFF;
	_ =	strace $0x9FFFFFFF  }
0xc3: {  	(tm) =	ssettm $0x7FFFFFFF  }
tec
execute0_lowered:
.L_overlay_start_1:
0x0: {  	(tag) =	ssettag $0x1  }
0x1: {  	s1 =	rddreg [dreg:$0x0]  }
0x2: {  	s0 =	srdreg.scid;
	s5 =	rddreg [dreg:$0x1]  }
0x3: {  	s10 =	stileid.u32;
	s2 =	rddreg [dreg:$0x2];
	s3 =	simm.s32 $0x0  }
0x4: {  	s14 =	simm.s32 $0x100;
	s15 =	simm.s32 $0x880;
	s17 =	simm.s32 $0x180  }
0x5: {  	s18 =	simm.s32 $0x900;
	[smem:$0x7FF] =	sst s3;
	s9 =	sadd.s32 $0xF600, s1  }
0x6: {  	s19 =	simm.s32 $0x200;
	_ =	strace $0x80000050;
	[dreg:$0x12] =	wrdreg s9  }
0x7: {  	s20 =	simm.s32 $0x980;
	s21 =	simm.s32 $0x280;
	[dreg:$0x6] =	wrdreg s14  }
0x8: {  	s22 =	simm.s32 $0xA00;
	s23 =	simm.s32 $0x300;
	[dreg:$0x7] =	wrdreg s15  }
0x9: {  	s24 =	simm.s32 $0xA80;
	s25 =	simm.s32 $0x380;
	[dreg:$0x8] =	wrdreg s17  }
0xa: {  	s28 =	simm.s32 $0x680;
	s29 =	simm.s32 $0xE00;
	[dreg:$0x9] =	wrdreg s18  }
0xb: {  	s30 =	simm.s32 $0x700;
	s6 =	smul.u32 $0x2800, s10;
	[dreg:$0xa] =	wrdreg s19  }
0xc: {  	s31 =	simm.s32 $0xE80;
	s8 =	smul.u32 $0x14000, s10;
	[dreg:$0xb] =	wrdreg s20  }
0xd: {  	s0 =	sand.u32 $0x1, s0;
	s12 =	smul.u32 $0x50000, s10;
	[dreg:$0xc] =	wrdreg s21  }
0xe: {  	s16 =	sshll.u32 s10, $0x6;
	s4 =	smul.u32 $0x28000, s0;
	[dreg:$0xd] =	wrdreg s22  }
0xf: {  	s10 =	simm.s32 $0x3;
	s7 =	smul.u32 $0x140000, s0;
	[dreg:$0xe] =	wrdreg s23  }
0x10: {  	s0 =	ssub.s32 $0x2, s0;
	[dreg:$0xf] =	wrdreg s24;
	s14 =	simm.s32 $0x1  }
0x11: {  	[dreg:$0x10] =	wrdreg s25;
	s15 =	simm.s32 $0x5000;
	s17 =	simm.s32 $0x400  }
0x12: {  	s18 =	simm.s32 $0xB80;
	s19 =	simm.s32 $0x480;
	s20 =	simm.s32 $0xC00  }
0x13: {  	s21 =	simm.s32 $0x500;
	s22 =	simm.s32 $0xC80;
	s23 =	simm.s32 $0x580  }
0x14: {  	s24 =	simm.s32 $0xD00;
	s25 =	simm.s32 $0x600;
	s9 =	simm.s32 $0x0  }
0x15: {  	s11 =	sshrl.u32 s0, $0x1;
	s13 =	sshrl.u32 s12, $0x2;
	s12 =	simm.s32 $0x80  }
0x16: {  	s4 =	sadd.s32 s6, s4;
	s7 =	sadd.s32 s8, s7;
	s0 =	ssub.s32 s0, s11  }
0x17: {  	s11 =	simm.s32 $0x800;
	s6 =	sshrl.u32 s4, $0x3;
	s4 =	sadd.s32 $0x11E00, s1  }
0x18: {  	s7 =	sshrl.u32 s7, $0x3;
	s0 =	smax.u32 s0, $0x1;
	s26 =	sadd.s32 s6, s1  }
0x19: {  	s1 =	sadd.s32 s7, s1;
	s5 =	sadd.s32 s6, s5;
	[dreg:$0x15] =	wrdreg s0  }
0x1a: {  	s6 =	sadd.s32 s13, s2;
	s7 =	sor.u32 $0x1C03, s16;
	[dreg:$0x5] =	wrdreg s5  }
0x1b: {  	s13 =	simm.s32 $0x1000;
	s8 =	sadd.s32 $0x5600, s26;
	[dreg:$0x13] =	wrdreg s7  }
0x1c: {  	s16 =	simm.s32 $0x2;
	s1 =	sadd.s32 $0xB2600, s1;
	[dreg:$0x4] =	wrdreg s8  }
0x1d: {  	s0 =	simm.s32 $0xF00;
	s26 =	simm.s32 $0xB00;
	[dreg:$0x14] =	wrdreg s1  }
0x1e: {  	s5 =	simm.s32 $0xF80;
	s8 =	sshrl.u32 s6, $0x3;
	[dreg:$0x11] =	wrdreg s26  }
0x1f: {  	s26 =	simm.s32 $0xD80;
	s1 =	simm.s32 $0x780;
	[dreg:$0x16] =	wrdreg s8  }
.LBB2_1:
0x20: {  	[dreg:$0x17] =	wrdreg s9  }
0x21: {  	s6 =	rddreg [dreg:$0x12]  }
0x22: {  	[spmem:s8], [sflag:s7] =	dma.local [hbm:s6], $0x2800  }
0x23: {  	_ =	swait.ge [sflag:s10], $0x2800  }
0x24: {  	[sflag:s10] =	ssyncset.done $0x0  }
0x25: {  	[sflag:s10] =	ssyncadd.s32 $0xFFFFD800  }
0x26: {  	[bflag:$0x0] =	sbarrier.arrive $0xFFFF  }
0x27: {  	s7 =	rddreg [dreg:$0x5]  }
0x28: {  	s6 =	sadd.s32 $0x0, s7  }
0x29: {  	[tilespmem:s3], [sflag:$0x3] =	stream.linear.gather [hbm4b:s6+s3], $0x800, $0x38;
	[tilespmem:$0x1D000] =	vst v63  }
0x2a: {  	_ =	swait.ge [sflag:s10], $0x800  }
0x2b: {  	s8 =	rddreg [dreg:$0x4];
	[sflag:s10] =	ssyncset.done $0x0  }
0x2c: {  	[sflag:s10] =	ssyncadd.s32 $0xFFFFF800;
	s6 =	sadd.s32 $0x0, s8  }
0x2d: {  	[tilespmem:s11], [sflag:$0x3] =	stream.linear.gather [hbm4b:s6+s3], $0x800, $0x38;
	[tilespmem:$0x1D000] =	vst v63  }
0x2e: {  	_ =	swait.ge [sflag:s10], $0x800  }
0x2f: {  	[sflag:s10] =	ssyncset.done $0x0  }
0x30: {  	[sflag:s10] =	ssyncadd.s32 $0xFFFFF800  }
0x31: {  	[tilespmem:s13], [sflag:$0x1] =	stream.indirect.gather [hbm4b:s4+s12], $0x80, s3, s12, $0xb8;
	[tilespmem:$0x1D000] =	vst v63  }
0x32: {  	_ =	swait.ge [sflag:s14], $0x4000  }
0x33: {  	[sflag:s14] =	ssyncset.done $0x0  }
0x34: {  	[sflag:s14] =	ssyncadd.s32 $0xFFFFC000  }
0x35: {  	[tilespmem:s15], [sflag:$0x2] =	stream.indirect.gather [hbm4b:s4+s12], $0x80, s12, s12, $0xb8;
	[tilespmem:$0x1D000] =	vst v63  }
0x36: {  	_ = 	snop  }
0x37: {  	[spmem:s2] =	stream.indirect.scatter.add.f32 [tilespmem:s13], [sflag:$0x3], $0x80, s11, s12, $0xb8;
	[tilespmem:$0x1D000] =	vst v63  }
0x38: {  	_ =	swait.ge [sflag:s10], $0x4000  }
0x39: {  	[sflag:s10] =	ssyncset.done $0x0  }
0x3a: {  	[sflag:s10] =	ssyncadd.s32 $0xFFFFC000  }
0x3b: {  	_ =	swait.ge [sflag:s16], $0x4000  }
0x3c: {  	[sflag:s16] =	ssyncset.done $0x0  }
0x3d: {  	s9 =	rddreg [dreg:$0x6];
	[sflag:s16] =	ssyncadd.s32 $0xFFFFC000  }
0x3e: {  	[tilespmem:s13], [sflag:$0x1] =	stream.indirect.gather [hbm4b:s4+s12], $0x80, s9, s12, $0xb8;
	[tilespmem:$0x1D000] =	vst v63  }
0x3f: {  	s7 =	rddreg [dreg:$0x7]  }
0x40: {  	[spmem:s2] =	stream.indirect.scatter.add.f32 [tilespmem:s15], [sflag:$0x3], $0x80, s7, s12, $0xb8;
	[tilespmem:$0x1D000] =	vst v63  }
0x41: {  	_ =	swait.ge [sflag:s10], $0x4000  }
0x42: {  	[sflag:s10] =	ssyncset.done $0x0  }
0x43: {  	[sflag:s10] =	ssyncadd.s32 $0xFFFFC000  }
0x44: {  	_ =	swait.ge [sflag:s14], $0x4000  }
0x45: {  	[sflag:s14] =	ssyncset.done $0x0  }
0x46: {  	s9 =	rddreg [dreg:$0x8];
	[sflag:s14] =	ssyncadd.s32 $0xFFFFC000  }
0x47: {  	[tilespmem:s15], [sflag:$0x2] =	stream.indirect.gather [hbm4b:s4+s12], $0x80, s9, s12, $0xb8;
	[tilespmem:$0x1D000] =	vst v63  }
0x48: {  	s7 =	rddreg [dreg:$0x9]  }
0x49: {  	[spmem:s2] =	stream.indirect.scatter.add.f32 [tilespmem:s13], [sflag:$0x3], $0x80, s7, s12, $0xb8;
	[tilespmem:$0x1D000] =	vst v63  }
0x4a: {  	_ =	swait.ge [sflag:s10], $0x4000  }
0x4b: {  	[sflag:s10] =	ssyncset.done $0x0  }
0x4c: {  	[sflag:s10] =	ssyncadd.s32 $0xFFFFC000  }
0x4d: {  	_ =	swait.ge [sflag:s16], $0x4000  }
0x4e: {  	[sflag:s16] =	ssyncset.done $0x0  }
0x4f: {  	s9 =	rddreg [dreg:$0xa];
	[sflag:s16] =	ssyncadd.s32 $0xFFFFC000  }
0x50: {  	[tilespmem:s13], [sflag:$0x1] =	stream.indirect.gather [hbm4b:s4+s12], $0x80, s9, s12, $0xb8;
	[tilespmem:$0x1D000] =	vst v63  }
0x51: {  	s7 =	rddreg [dreg:$0xb]  }
0x52: {  	[spmem:s2] =	stream.indirect.scatter.add.f32 [tilespmem:s15], [sflag:$0x3], $0x80, s7, s12, $0xb8;
	[tilespmem:$0x1D000] =	vst v63  }
0x53: {  	_ =	swait.ge [sflag:s10], $0x4000  }
0x54: {  	[sflag:s10] =	ssyncset.done $0x0  }
0x55: {  	[sflag:s10] =	ssyncadd.s32 $0xFFFFC000  }
0x56: {  	_ =	swait.ge [sflag:s14], $0x4000  }
0x57: {  	[sflag:s14] =	ssyncset.done $0x0  }
0x58: {  	s9 =	rddreg [dreg:$0xc];
	[sflag:s14] =	ssyncadd.s32 $0xFFFFC000  }
0x59: {  	[tilespmem:s15], [sflag:$0x2] =	stream.indirect.gather [hbm4b:s4+s12], $0x80, s9, s12, $0xb8;
	[tilespmem:$0x1D000] =	vst v63  }
0x5a: {  	s7 =	rddreg [dreg:$0xd]  }
0x5b: {  	[spmem:s2] =	stream.indirect.scatter.add.f32 [tilespmem:s13], [sflag:$0x3], $0x80, s7, s12, $0xb8;
	[tilespmem:$0x1D000] =	vst v63  }
0x5c: {  	_ =	swait.ge [sflag:s10], $0x4000  }
0x5d: {  	[sflag:s10] =	ssyncset.done $0x0  }
0x5e: {  	[sflag:s10] =	ssyncadd.s32 $0xFFFFC000  }
0x5f: {  	_ =	swait.ge [sflag:s16], $0x4000  }
0x60: {  	[sflag:s16] =	ssyncset.done $0x0  }
0x61: {  	s9 =	rddreg [dreg:$0xe];
	[sflag:s16] =	ssyncadd.s32 $0xFFFFC000  }
0x62: {  	[tilespmem:s13], [sflag:$0x1] =	stream.indirect.gather [hbm4b:s4+s12], $0x80, s9, s12, $0xb8;
	[tilespmem:$0x1D000] =	vst v63  }
0x63: {  	s7 =	rddreg [dreg:$0xf]  }
0x64: {  	[spmem:s2] =	stream.indirect.scatter.add.f32 [tilespmem:s15], [sflag:$0x3], $0x80, s7, s12, $0xb8;
	[tilespmem:$0x1D000] =	vst v63  }
0x65: {  	_ =	swait.ge [sflag:s10], $0x4000  }
0x66: {  	[sflag:s10] =	ssyncset.done $0x0  }
0x67: {  	[sflag:s10] =	ssyncadd.s32 $0xFFFFC000  }
0x68: {  	_ =	swait.ge [sflag:s14], $0x4000  }
0x69: {  	[sflag:s14] =	ssyncset.done $0x0  }
0x6a: {  	s8 =	rddreg [dreg:$0x10];
	[sflag:s14] =	ssyncadd.s32 $0xFFFFC000  }
0x6b: {  	[tilespmem:s15], [sflag:$0x2] =	stream.indirect.gather [hbm4b:s4+s12], $0x80, s8, s12, $0xb8;
	[tilespmem:$0x1D000] =	vst v63  }
0x6c: {  	s9 =	rddreg [dreg:$0x11]  }
0x6d: {  	[spmem:s2] =	stream.indirect.scatter.add.f32 [tilespmem:s13], [sflag:$0x3], $0x80, s9, s12, $0xb8;
	[tilespmem:$0x1D000] =	vst v63  }
0x6e: {  	_ =	swait.ge [sflag:s10], $0x4000  }
0x6f: {  	[sflag:s10] =	ssyncset.done $0x0  }
0x70: {  	[sflag:s10] =	ssyncadd.s32 $0xFFFFC000  }
0x71: {  	_ =	swait.ge [sflag:s16], $0x4000  }
0x72: {  	[sflag:s16] =	ssyncset.done $0x0  }
0x73: {  	[sflag:s16] =	ssyncadd.s32 $0xFFFFC000  }
0x74: {  	[tilespmem:s13], [sflag:$0x1] =	stream.indirect.gather [hbm4b:s4+s12], $0x80, s17, s12, $0xb8;
	[tilespmem:$0x1D000] =	vst v63  }
0x75: {  	_ = 	snop  }
0x76: {  	[spmem:s2] =	stream.indirect.scatter.add.f32 [tilespmem:s15], [sflag:$0x3], $0x80, s18, s12, $0xb8;
	[tilespmem:$0x1D000] =	vst v63  }
0x77: {  	_ =	swait.ge [sflag:s10], $0x4000  }
0x78: {  	[sflag:s10] =	ssyncset.done $0x0  }
0x79: {  	[sflag:s10] =	ssyncadd.s32 $0xFFFFC000  }
0x7a: {  	_ =	swait.ge [sflag:s14], $0x4000  }
0x7b: {  	[sflag:s14] =	ssyncset.done $0x0  }
0x7c: {  	[sflag:s14] =	ssyncadd.s32 $0xFFFFC000  }
0x7d: {  	[tilespmem:s15], [sflag:$0x2] =	stream.indirect.gather [hbm4b:s4+s12], $0x80, s19, s12, $0xb8;
	[tilespmem:$0x1D000] =	vst v63  }
0x7e: {  	_ = 	snop  }
0x7f: {  	[spmem:s2] =	stream.indirect.scatter.add.f32 [tilespmem:s13], [sflag:$0x3], $0x80, s20, s12, $0xb8;
	[tilespmem:$0x1D000] =	vst v63  }
0x80: {  	_ =	swait.ge [sflag:s10], $0x4000  }
0x81: {  	[sflag:s10] =	ssyncset.done $0x0  }
0x82: {  	[sflag:s10] =	ssyncadd.s32 $0xFFFFC000  }
0x83: {  	_ =	swait.ge [sflag:s16], $0x4000  }
0x84: {  	[sflag:s16] =	ssyncset.done $0x0  }
0x85: {  	[sflag:s16] =	ssyncadd.s32 $0xFFFFC000  }
0x86: {  	[tilespmem:s13], [sflag:$0x1] =	stream.indirect.gather [hbm4b:s4+s12], $0x80, s21, s12, $0xb8;
	[tilespmem:$0x1D000] =	vst v63  }
0x87: {  	_ = 	snop  }
0x88: {  	[spmem:s2] =	stream.indirect.scatter.add.f32 [tilespmem:s15], [sflag:$0x3], $0x80, s22, s12, $0xb8;
	[tilespmem:$0x1D000] =	vst v63  }
0x89: {  	_ =	swait.ge [sflag:s10], $0x4000  }
0x8a: {  	[sflag:s10] =	ssyncset.done $0x0  }
0x8b: {  	[sflag:s10] =	ssyncadd.s32 $0xFFFFC000  }
0x8c: {  	_ =	swait.ge [sflag:s14], $0x4000  }
0x8d: {  	[sflag:s14] =	ssyncset.done $0x0  }
0x8e: {  	[sflag:s14] =	ssyncadd.s32 $0xFFFFC000  }
0x8f: {  	[tilespmem:s15], [sflag:$0x2] =	stream.indirect.gather [hbm4b:s4+s12], $0x80, s23, s12, $0xb8;
	[tilespmem:$0x1D000] =	vst v63  }
0x90: {  	_ = 	snop  }
0x91: {  	[spmem:s2] =	stream.indirect.scatter.add.f32 [tilespmem:s13], [sflag:$0x3], $0x80, s24, s12, $0xb8;
	[tilespmem:$0x1D000] =	vst v63  }
0x92: {  	_ =	swait.ge [sflag:s10], $0x4000  }
0x93: {  	[sflag:s10] =	ssyncset.done $0x0  }
0x94: {  	[sflag:s10] =	ssyncadd.s32 $0xFFFFC000  }
0x95: {  	_ =	swait.ge [sflag:s16], $0x4000  }
0x96: {  	[sflag:s16] =	ssyncset.done $0x0  }
0x97: {  	[sflag:s16] =	ssyncadd.s32 $0xFFFFC000  }
0x98: {  	[tilespmem:s13], [sflag:$0x1] =	stream.indirect.gather [hbm4b:s4+s12], $0x80, s25, s12, $0xb8;
	[tilespmem:$0x1D000] =	vst v63  }
0x99: {  	_ = 	snop  }
0x9a: {  	[spmem:s2] =	stream.indirect.scatter.add.f32 [tilespmem:s15], [sflag:$0x3], $0x80, s26, s12, $0xb8;
	[tilespmem:$0x1D000] =	vst v63  }
0x9b: {  	_ =	swait.ge [sflag:s10], $0x4000  }
0x9c: {  	[sflag:s10] =	ssyncset.done $0x0  }
0x9d: {  	[sflag:s10] =	ssyncadd.s32 $0xFFFFC000  }
0x9e: {  	_ =	swait.ge [sflag:s14], $0x4000  }
0x9f: {  	[sflag:s14] =	ssyncset.done $0x0  }
0xa0: {  	[sflag:s14] =	ssyncadd.s32 $0xFFFFC000  }
0xa1: {  	[tilespmem:s15], [sflag:$0x2] =	stream.indirect.gather [hbm4b:s4+s12], $0x80, s28, s12, $0xb8;
	[tilespmem:$0x1D000] =	vst v63  }
0xa2: {  	_ = 	snop  }
0xa3: {  	[spmem:s2] =	stream.indirect.scatter.add.f32 [tilespmem:s13], [sflag:$0x3], $0x80, s29, s12, $0xb8;
	[tilespmem:$0x1D000] =	vst v63  }
0xa4: {  	_ =	swait.ge [sflag:s10], $0x4000  }
0xa5: {  	[sflag:s10] =	ssyncset.done $0x0  }
0xa6: {  	[sflag:s10] =	ssyncadd.s32 $0xFFFFC000  }
0xa7: {  	_ =	swait.ge [sflag:s16], $0x4000  }
0xa8: {  	[sflag:s16] =	ssyncset.done $0x0  }
0xa9: {  	[sflag:s16] =	ssyncadd.s32 $0xFFFFC000  }
0xaa: {  	[tilespmem:s13], [sflag:$0x1] =	stream.indirect.gather [hbm4b:s4+s12], $0x80, s30, s12, $0xb8;
	[tilespmem:$0x1D000] =	vst v63  }
0xab: {  	_ = 	snop  }
0xac: {  	[spmem:s2] =	stream.indirect.scatter.add.f32 [tilespmem:s15], [sflag:$0x3], $0x80, s31, s12, $0xb8;
	[tilespmem:$0x1D000] =	vst v63  }
0xad: {  	_ =	swait.ge [sflag:s10], $0x4000  }
0xae: {  	[sflag:s10] =	ssyncset.done $0x0  }
0xaf: {  	[sflag:s10] =	ssyncadd.s32 $0xFFFFC000  }
0xb0: {  	_ =	swait.ge [sflag:s14], $0x4000  }
0xb1: {  	[sflag:s14] =	ssyncset.done $0x0  }
0xb2: {  	[sflag:s14] =	ssyncadd.s32 $0xFFFFC000  }
0xb3: {  	[tilespmem:s15], [sflag:$0x2] =	stream.indirect.gather [hbm4b:s4+s12], $0x80, s1, s12, $0xb8;
	[tilespmem:$0x1D000] =	vst v63  }
0xb4: {  	_ = 	snop  }
0xb5: {  	[spmem:s2] =	stream.indirect.scatter.add.f32 [tilespmem:s13], [sflag:$0x3], $0x80, s0, s12, $0xb8;
	[tilespmem:$0x1D000] =	vst v63  }
0xb6: {  	_ =	swait.ge [sflag:s10], $0x4000  }
0xb7: {  	[sflag:s10] =	ssyncset.done $0x0  }
0xb8: {  	[sflag:s10] =	ssyncadd.s32 $0xFFFFC000  }
0xb9: {  	_ =	swait.ge [sflag:s16], $0x4000  }
0xba: {  	[sflag:s16] =	ssyncset.done $0x0  }
0xbb: {  	[sflag:s16] =	ssyncadd.s32 $0xFFFFC000  }
0xbc: {  	[spmem:s2] =	stream.indirect.scatter.add.f32 [tilespmem:s15], [sflag:$0x3], $0x80, s5, s12, $0xb8;
	[tilespmem:$0x1D000] =	vst v63  }
0xbd: {  	s6 =	simm.s32 $0x200;
	_ =	swait.ge [sflag:s10], $0x4000  }
0xbe: {  	s8 =	simm.s32 $0x100;
	s9 =	rddreg [dreg:$0x5];
	[sflag:s10] =	ssyncset.done $0x0  }
.LBB2_2:
0xbf: {  	[sflag:s10] =	ssyncadd.s32 $0xFFFFC000;
	s9 =	sadd.s32 s8, s9  }
0xc0: {  	[tilespmem:s3], [sflag:$0x3] =	stream.linear.gather [hbm4b:s9+s3], $0x800, $0x38;
	[tilespmem:$0x1D000] =	vst v63  }
0xc1: {  	_ =	swait.ge [sflag:s10], $0x800  }
0xc2: {  	s9 =	rddreg [dreg:$0x4];
	[sflag:s10] =	ssyncset.done $0x0  }
0xc3: {  	[sflag:s10] =	ssyncadd.s32 $0xFFFFF800;
	s9 =	sadd.s32 s8, s9  }
0xc4: {  	[tilespmem:s11], [sflag:$0x3] =	stream.linear.gather [hbm4b:s9+s3], $0x800, $0x38;
	[tilespmem:$0x1D000] =	vst v63  }
0xc5: {  	_ =	swait.ge [sflag:s10], $0x800  }
0xc6: {  	[sflag:s10] =	ssyncset.done $0x0  }
0xc7: {  	[sflag:s10] =	ssyncadd.s32 $0xFFFFF800  }
0xc8: {  	[tilespmem:s13], [sflag:$0x1] =	stream.indirect.gather [hbm4b:s4+s12], $0x80, s3, s12, $0xb8;
	[tilespmem:$0x1D000] =	vst v63  }
0xc9: {  	_ =	swait.ge [sflag:s14], $0x4000  }
0xca: {  	[sflag:s14] =	ssyncset.done $0x0  }
0xcb: {  	[sflag:s14] =	ssyncadd.s32 $0xFFFFC000  }
0xcc: {  	[tilespmem:s15], [sflag:$0x2] =	stream.indirect.gather [hbm4b:s4+s12], $0x80, s12, s12, $0xb8;
	[tilespmem:$0x1D000] =	vst v63  }
0xcd: {  	_ = 	snop  }
0xce: {  	[spmem:s2] =	stream.indirect.scatter.add.f32 [tilespmem:s13], [sflag:$0x3], $0x80, s11, s12, $0xb8;
	[tilespmem:$0x1D000] =	vst v63  }
0xcf: {  	_ =	swait.ge [sflag:s10], $0x4000  }
0xd0: {  	[sflag:s10] =	ssyncset.done $0x0  }
0xd1: {  	[sflag:s10] =	ssyncadd.s32 $0xFFFFC000  }
0xd2: {  	_ =	swait.ge [sflag:s16], $0x4000  }
0xd3: {  	s7 =	smov.u32 s6;
	[sflag:s16] =	ssyncset.done $0x0  }
0xd4: {  	s8 =	smov.u32 s7;
	s7 =	rddreg [dreg:$0x6];
	[sflag:s16] =	ssyncadd.s32 $0xFFFFC000  }
0xd5: {  	[tilespmem:s13], [sflag:$0x1] =	stream.indirect.gather [hbm4b:s4+s12], $0x80, s7, s12, $0xb8;
	[tilespmem:$0x1D000] =	vst v63  }
0xd6: {  	s9 =	rddreg [dreg:$0x7]  }
0xd7: {  	[spmem:s2] =	stream.indirect.scatter.add.f32 [tilespmem:s15], [sflag:$0x3], $0x80, s9, s12, $0xb8;
	[tilespmem:$0x1D000] =	vst v63  }
0xd8: {  	_ =	swait.ge [sflag:s10], $0x4000  }
0xd9: {  	[sflag:s10] =	ssyncset.done $0x0  }
0xda: {  	[sflag:s10] =	ssyncadd.s32 $0xFFFFC000  }
0xdb: {  	_ =	swait.ge [sflag:s14], $0x4000  }
0xdc: {  	[sflag:s14] =	ssyncset.done $0x0  }
0xdd: {  	s7 =	rddreg [dreg:$0x8];
	[sflag:s14] =	ssyncadd.s32 $0xFFFFC000  }
0xde: {  	[tilespmem:s15], [sflag:$0x2] =	stream.indirect.gather [hbm4b:s4+s12], $0x80, s7, s12, $0xb8;
	[tilespmem:$0x1D000] =	vst v63  }
0xdf: {  	s9 =	rddreg [dreg:$0x9]  }
0xe0: {  	[spmem:s2] =	stream.indirect.scatter.add.f32 [tilespmem:s13], [sflag:$0x3], $0x80, s9, s12, $0xb8;
	[tilespmem:$0x1D000] =	vst v63  }
0xe1: {  	_ =	swait.ge [sflag:s10], $0x4000  }
0xe2: {  	[sflag:s10] =	ssyncset.done $0x0  }
0xe3: {  	[sflag:s10] =	ssyncadd.s32 $0xFFFFC000  }
0xe4: {  	_ =	swait.ge [sflag:s16], $0x4000  }
0xe5: {  	[sflag:s16] =	ssyncset.done $0x0  }
0xe6: {  	s7 =	rddreg [dreg:$0xa];
	[sflag:s16] =	ssyncadd.s32 $0xFFFFC000  }
0xe7: {  	[tilespmem:s13], [sflag:$0x1] =	stream.indirect.gather [hbm4b:s4+s12], $0x80, s7, s12, $0xb8;
	[tilespmem:$0x1D000] =	vst v63  }
0xe8: {  	s9 =	rddreg [dreg:$0xb]  }
0xe9: {  	[spmem:s2] =	stream.indirect.scatter.add.f32 [tilespmem:s15], [sflag:$0x3], $0x80, s9, s12, $0xb8;
	[tilespmem:$0x1D000] =	vst v63  }
0xea: {  	_ =	swait.ge [sflag:s10], $0x4000  }
0xeb: {  	[sflag:s10] =	ssyncset.done $0x0  }
0xec: {  	[sflag:s10] =	ssyncadd.s32 $0xFFFFC000  }
0xed: {  	_ =	swait.ge [sflag:s14], $0x4000  }
0xee: {  	[sflag:s14] =	ssyncset.done $0x0  }
0xef: {  	s7 =	rddreg [dreg:$0xc];
	[sflag:s14] =	ssyncadd.s32 $0xFFFFC000  }
0xf0: {  	[tilespmem:s15], [sflag:$0x2] =	stream.indirect.gather [hbm4b:s4+s12], $0x80, s7, s12, $0xb8;
	[tilespmem:$0x1D000] =	vst v63  }
0xf1: {  	s9 =	rddreg [dreg:$0xd]  }
0xf2: {  	[spmem:s2] =	stream.indirect.scatter.add.f32 [tilespmem:s13], [sflag:$0x3], $0x80, s9, s12, $0xb8;
	[tilespmem:$0x1D000] =	vst v63  }
0xf3: {  	_ =	swait.ge [sflag:s10], $0x4000  }
0xf4: {  	[sflag:s10] =	ssyncset.done $0x0  }
0xf5: {  	[sflag:s10] =	ssyncadd.s32 $0xFFFFC000  }
0xf6: {  	_ =	swait.ge [sflag:s16], $0x4000  }
0xf7: {  	[sflag:s16] =	ssyncset.done $0x0  }
0xf8: {  	s7 =	rddreg [dreg:$0xe];
	[sflag:s16] =	ssyncadd.s32 $0xFFFFC000  }
0xf9: {  	[tilespmem:s13], [sflag:$0x1] =	stream.indirect.gather [hbm4b:s4+s12], $0x80, s7, s12, $0xb8;
	[tilespmem:$0x1D000] =	vst v63  }
0xfa: {  	s9 =	rddreg [dreg:$0xf]  }
0xfb: {  	[spmem:s2] =	stream.indirect.scatter.add.f32 [tilespmem:s15], [sflag:$0x3], $0x80, s9, s12, $0xb8;
	[tilespmem:$0x1D000] =	vst v63  }
0xfc: {  	_ =	swait.ge [sflag:s10], $0x4000  }
0xfd: {  	[sflag:s10] =	ssyncset.done $0x0  }
0xfe: {  	[sflag:s10] =	ssyncadd.s32 $0xFFFFC000  }
0xff: {  	_ =	swait.ge [sflag:s14], $0x4000  }
0x100: {  	[sflag:s14] =	ssyncset.done $0x0  }
0x101: {  	s7 =	rddreg [dreg:$0x10];
	[sflag:s14] =	ssyncadd.s32 $0xFFFFC000  }
0x102: {  	[tilespmem:s15], [sflag:$0x2] =	stream.indirect.gather [hbm4b:s4+s12], $0x80, s7, s12, $0xb8;
	[tilespmem:$0x1D000] =	vst v63  }
0x103: {  	s9 =	rddreg [dreg:$0x11]  }
0x104: {  	[spmem:s2] =	stream.indirect.scatter.add.f32 [tilespmem:s13], [sflag:$0x3], $0x80, s9, s12, $0xb8;
	[tilespmem:$0x1D000] =	vst v63  }
0x105: {  	_ =	swait.ge [sflag:s10], $0x4000  }
0x106: {  	[sflag:s10] =	ssyncset.done $0x0  }
0x107: {  	[sflag:s10] =	ssyncadd.s32 $0xFFFFC000  }
0x108: {  	_ =	swait.ge [sflag:s16], $0x4000  }
0x109: {  	[sflag:s16] =	ssyncset.done $0x0  }
0x10a: {  	[sflag:s16] =	ssyncadd.s32 $0xFFFFC000  }
0x10b: {  	[tilespmem:s13], [sflag:$0x1] =	stream.indirect.gather [hbm4b:s4+s12], $0x80, s17, s12, $0xb8;
	[tilespmem:$0x1D000] =	vst v63  }
0x10c: {  	_ = 	snop  }
0x10d: {  	[spmem:s2] =	stream.indirect.scatter.add.f32 [tilespmem:s15], [sflag:$0x3], $0x80, s18, s12, $0xb8;
	[tilespmem:$0x1D000] =	vst v63  }
0x10e: {  	_ =	swait.ge [sflag:s10], $0x4000  }
0x10f: {  	[sflag:s10] =	ssyncset.done $0x0  }
0x110: {  	[sflag:s10] =	ssyncadd.s32 $0xFFFFC000  }
0x111: {  	_ =	swait.ge [sflag:s14], $0x4000  }
0x112: {  	[sflag:s14] =	ssyncset.done $0x0  }
0x113: {  	[sflag:s14] =	ssyncadd.s32 $0xFFFFC000  }
0x114: {  	[tilespmem:s15], [sflag:$0x2] =	stream.indirect.gather [hbm4b:s4+s12], $0x80, s19, s12, $0xb8;
	[tilespmem:$0x1D000] =	vst v63  }
0x115: {  	_ = 	snop  }
0x116: {  	[spmem:s2] =	stream.indirect.scatter.add.f32 [tilespmem:s13], [sflag:$0x3], $0x80, s20, s12, $0xb8;
	[tilespmem:$0x1D000] =	vst v63  }
0x117: {  	_ =	swait.ge [sflag:s10], $0x4000  }
0x118: {  	[sflag:s10] =	ssyncset.done $0x0  }
0x119: {  	[sflag:s10] =	ssyncadd.s32 $0xFFFFC000  }
0x11a: {  	_ =	swait.ge [sflag:s16], $0x4000  }
0x11b: {  	[sflag:s16] =	ssyncset.done $0x0  }
0x11c: {  	[sflag:s16] =	ssyncadd.s32 $0xFFFFC000  }
0x11d: {  	[tilespmem:s13], [sflag:$0x1] =	stream.indirect.gather [hbm4b:s4+s12], $0x80, s21, s12, $0xb8;
	[tilespmem:$0x1D000] =	vst v63  }
0x11e: {  	_ = 	snop  }
0x11f: {  	[spmem:s2] =	stream.indirect.scatter.add.f32 [tilespmem:s15], [sflag:$0x3], $0x80, s22, s12, $0xb8;
	[tilespmem:$0x1D000] =	vst v63  }
0x120: {  	_ =	swait.ge [sflag:s10], $0x4000  }
0x121: {  	[sflag:s10] =	ssyncset.done $0x0  }
0x122: {  	[sflag:s10] =	ssyncadd.s32 $0xFFFFC000  }
0x123: {  	_ =	swait.ge [sflag:s14], $0x4000  }
0x124: {  	[sflag:s14] =	ssyncset.done $0x0  }
0x125: {  	[sflag:s14] =	ssyncadd.s32 $0xFFFFC000  }
0x126: {  	[tilespmem:s15], [sflag:$0x2] =	stream.indirect.gather [hbm4b:s4+s12], $0x80, s23, s12, $0xb8;
	[tilespmem:$0x1D000] =	vst v63  }
0x127: {  	_ = 	snop  }
0x128: {  	[spmem:s2] =	stream.indirect.scatter.add.f32 [tilespmem:s13], [sflag:$0x3], $0x80, s24, s12, $0xb8;
	[tilespmem:$0x1D000] =	vst v63  }
0x129: {  	_ =	swait.ge [sflag:s10], $0x4000  }
0x12a: {  	[sflag:s10] =	ssyncset.done $0x0  }
0x12b: {  	[sflag:s10] =	ssyncadd.s32 $0xFFFFC000  }
0x12c: {  	_ =	swait.ge [sflag:s16], $0x4000  }
0x12d: {  	[sflag:s16] =	ssyncset.done $0x0  }
0x12e: {  	[sflag:s16] =	ssyncadd.s32 $0xFFFFC000  }
0x12f: {  	[tilespmem:s13], [sflag:$0x1] =	stream.indirect.gather [hbm4b:s4+s12], $0x80, s25, s12, $0xb8;
	[tilespmem:$0x1D000] =	vst v63  }
0x130: {  	_ = 	snop  }
0x131: {  	[spmem:s2] =	stream.indirect.scatter.add.f32 [tilespmem:s15], [sflag:$0x3], $0x80, s26, s12, $0xb8;
	[tilespmem:$0x1D000] =	vst v63  }
0x132: {  	_ =	swait.ge [sflag:s10], $0x4000  }
0x133: {  	[sflag:s10] =	ssyncset.done $0x0  }
0x134: {  	[sflag:s10] =	ssyncadd.s32 $0xFFFFC000  }
0x135: {  	_ =	swait.ge [sflag:s14], $0x4000  }
0x136: {  	[sflag:s14] =	ssyncset.done $0x0  }
0x137: {  	[sflag:s14] =	ssyncadd.s32 $0xFFFFC000  }
0x138: {  	[tilespmem:s15], [sflag:$0x2] =	stream.indirect.gather [hbm4b:s4+s12], $0x80, s28, s12, $0xb8;
	[tilespmem:$0x1D000] =	vst v63  }
0x139: {  	_ = 	snop  }
0x13a: {  	[spmem:s2] =	stream.indirect.scatter.add.f32 [tilespmem:s13], [sflag:$0x3], $0x80, s29, s12, $0xb8;
	[tilespmem:$0x1D000] =	vst v63  }
0x13b: {  	_ =	swait.ge [sflag:s10], $0x4000  }
0x13c: {  	[sflag:s10] =	ssyncset.done $0x0  }
0x13d: {  	[sflag:s10] =	ssyncadd.s32 $0xFFFFC000  }
0x13e: {  	_ =	swait.ge [sflag:s16], $0x4000  }
0x13f: {  	[sflag:s16] =	ssyncset.done $0x0  }
0x140: {  	[sflag:s16] =	ssyncadd.s32 $0xFFFFC000  }
0x141: {  	[tilespmem:s13], [sflag:$0x1] =	stream.indirect.gather [hbm4b:s4+s12], $0x80, s30, s12, $0xb8;
	[tilespmem:$0x1D000] =	vst v63  }
0x142: {  	_ = 	snop  }
0x143: {  	[spmem:s2] =	stream.indirect.scatter.add.f32 [tilespmem:s15], [sflag:$0x3], $0x80, s31, s12, $0xb8;
	[tilespmem:$0x1D000] =	vst v63  }
0x144: {  	_ =	swait.ge [sflag:s10], $0x4000  }
0x145: {  	[sflag:s10] =	ssyncset.done $0x0  }
0x146: {  	[sflag:s10] =	ssyncadd.s32 $0xFFFFC000  }
0x147: {  	_ =	swait.ge [sflag:s14], $0x4000  }
0x148: {  	[sflag:s14] =	ssyncset.done $0x0  }
0x149: {  	[sflag:s14] =	ssyncadd.s32 $0xFFFFC000  }
0x14a: {  	[tilespmem:s15], [sflag:$0x2] =	stream.indirect.gather [hbm4b:s4+s12], $0x80, s1, s12, $0xb8;
	[tilespmem:$0x1D000] =	vst v63  }
0x14b: {  	_ = 	snop  }
0x14c: {  	[spmem:s2] =	stream.indirect.scatter.add.f32 [tilespmem:s13], [sflag:$0x3], $0x80, s0, s12, $0xb8;
	[tilespmem:$0x1D000] =	vst v63  }
0x14d: {  	_ =	swait.ge [sflag:s10], $0x4000  }
0x14e: {  	[sflag:s10] =	ssyncset.done $0x0  }
0x14f: {  	[sflag:s10] =	ssyncadd.s32 $0xFFFFC000  }
0x150: {  	p0 =	sne.s32 s6, $0x400;
	_ =	swait.ge [sflag:s16], $0x4000  }
.Ltmp0:
0x151: {  	[sflag:s16] =	ssyncset.done $0x0;
	(pc) =	sbr.rel @p0 .LBB2_2-.Ltmp0, $4  }
0x152: {  	[sflag:s16] =	ssyncadd.s32 $0xFFFFC000  }
0x153: {  	[spmem:s2] =	stream.indirect.scatter.add.f32 [tilespmem:s15], [sflag:$0x3], $0x80, s5, s12, $0xb8;
	[tilespmem:$0x1D000] =	vst v63  }
0x154: {  	_ =	swait.ge [sflag:s10], $0x4000  }
0x155: {  	s6 =	sadd.s32 $0x100, s6;
	s9 =	rddreg [dreg:$0x5];
	[sflag:s10] =	ssyncset.done $0x0  }
0x156: {  	[sflag:s10] =	ssyncadd.s32 $0xFFFFC000;
	s6 =	sadd.s32 s8, s9  }
0x157: {  	[tilespmem:s3], [sflag:$0x3] =	stream.linear.gather [hbm4b:s6+s3], $0x800, $0x38;
	[tilespmem:$0x1D000] =	vst v63  }
0x158: {  	_ =	swait.ge [sflag:s10], $0x800  }
0x159: {  	s7 =	rddreg [dreg:$0x4];
	[sflag:s10] =	ssyncset.done $0x0  }
0x15a: {  	[sflag:s10] =	ssyncadd.s32 $0xFFFFF800;
	s6 =	sadd.s32 s8, s7  }
0x15b: {  	[tilespmem:s11], [sflag:$0x3] =	stream.linear.gather [hbm4b:s6+s3], $0x800, $0x38;
	[tilespmem:$0x1D000] =	vst v63  }
0x15c: {  	_ =	swait.ge [sflag:s10], $0x800  }
0x15d: {  	[sflag:s10] =	ssyncset.done $0x0  }
0x15e: {  	[sflag:s10] =	ssyncadd.s32 $0xFFFFF800  }
0x15f: {  	[tilespmem:s13], [sflag:$0x1] =	stream.indirect.gather [hbm4b:s4+s12], $0x80, s3, s12, $0xb8;
	[tilespmem:$0x1D000] =	vst v63  }
0x160: {  	_ =	swait.ge [sflag:s14], $0x4000  }
0x161: {  	[sflag:s14] =	ssyncset.done $0x0  }
0x162: {  	[sflag:s14] =	ssyncadd.s32 $0xFFFFC000  }
0x163: {  	[tilespmem:s15], [sflag:$0x2] =	stream.indirect.gather [hbm4b:s4+s12], $0x80, s12, s12, $0xb8;
	[tilespmem:$0x1D000] =	vst v63  }
0x164: {  	_ = 	snop  }
0x165: {  	[spmem:s2] =	stream.indirect.scatter.add.f32 [tilespmem:s13], [sflag:$0x3], $0x80, s11, s12, $0xb8;
	[tilespmem:$0x1D000] =	vst v63  }
0x166: {  	_ =	swait.ge [sflag:s10], $0x4000  }
0x167: {  	[sflag:s10] =	ssyncset.done $0x0  }
0x168: {  	[sflag:s10] =	ssyncadd.s32 $0xFFFFC000  }
0x169: {  	_ =	swait.ge [sflag:s16], $0x4000  }
0x16a: {  	[sflag:s16] =	ssyncset.done $0x0  }
0x16b: {  	s9 =	rddreg [dreg:$0x6];
	[sflag:s16] =	ssyncadd.s32 $0xFFFFC000  }
0x16c: {  	[tilespmem:s13], [sflag:$0x1] =	stream.indirect.gather [hbm4b:s4+s12], $0x80, s9, s12, $0xb8;
	[tilespmem:$0x1D000] =	vst v63  }
0x16d: {  	s7 =	rddreg [dreg:$0x7]  }
0x16e: {  	[spmem:s2] =	stream.indirect.scatter.add.f32 [tilespmem:s15], [sflag:$0x3], $0x80, s7, s12, $0xb8;
	[tilespmem:$0x1D000] =	vst v63  }
0x16f: {  	_ =	swait.ge [sflag:s10], $0x4000  }
0x170: {  	[sflag:s10] =	ssyncset.done $0x0  }
0x171: {  	[sflag:s10] =	ssyncadd.s32 $0xFFFFC000  }
0x172: {  	_ =	swait.ge [sflag:s14], $0x4000  }
0x173: {  	[sflag:s14] =	ssyncset.done $0x0  }
0x174: {  	s8 =	rddreg [dreg:$0x8];
	[sflag:s14] =	ssyncadd.s32 $0xFFFFC000  }
0x175: {  	[tilespmem:s15], [sflag:$0x2] =	stream.indirect.gather [hbm4b:s4+s12], $0x80, s8, s12, $0xb8;
	[tilespmem:$0x1D000] =	vst v63  }
0x176: {  	s9 =	rddreg [dreg:$0x9]  }
0x177: {  	[spmem:s2] =	stream.indirect.scatter.add.f32 [tilespmem:s13], [sflag:$0x3], $0x80, s9, s12, $0xb8;
	[tilespmem:$0x1D000] =	vst v63  }
0x178: {  	_ =	swait.ge [sflag:s10], $0x4000  }
0x179: {  	[sflag:s10] =	ssyncset.done $0x0  }
0x17a: {  	[sflag:s10] =	ssyncadd.s32 $0xFFFFC000  }
0x17b: {  	_ =	swait.ge [sflag:s16], $0x4000  }
0x17c: {  	[sflag:s16] =	ssyncset.done $0x0  }
0x17d: {  	s8 =	rddreg [dreg:$0xa];
	[sflag:s16] =	ssyncadd.s32 $0xFFFFC000  }
0x17e: {  	[tilespmem:s13], [sflag:$0x1] =	stream.indirect.gather [hbm4b:s4+s12], $0x80, s8, s12, $0xb8;
	[tilespmem:$0x1D000] =	vst v63  }
0x17f: {  	s9 =	rddreg [dreg:$0xb]  }
0x180: {  	[spmem:s2] =	stream.indirect.scatter.add.f32 [tilespmem:s15], [sflag:$0x3], $0x80, s9, s12, $0xb8;
	[tilespmem:$0x1D000] =	vst v63  }
0x181: {  	_ =	swait.ge [sflag:s10], $0x4000  }
0x182: {  	[sflag:s10] =	ssyncset.done $0x0  }
0x183: {  	[sflag:s10] =	ssyncadd.s32 $0xFFFFC000  }
0x184: {  	_ =	swait.ge [sflag:s14], $0x4000  }
0x185: {  	[sflag:s14] =	ssyncset.done $0x0  }
0x186: {  	s8 =	rddreg [dreg:$0xc];
	[sflag:s14] =	ssyncadd.s32 $0xFFFFC000  }
0x187: {  	[tilespmem:s15], [sflag:$0x2] =	stream.indirect.gather [hbm4b:s4+s12], $0x80, s8, s12, $0xb8;
	[tilespmem:$0x1D000] =	vst v63  }
0x188: {  	s9 =	rddreg [dreg:$0xd]  }
0x189: {  	[spmem:s2] =	stream.indirect.scatter.add.f32 [tilespmem:s13], [sflag:$0x3], $0x80, s9, s12, $0xb8;
	[tilespmem:$0x1D000] =	vst v63  }
0x18a: {  	_ =	swait.ge [sflag:s10], $0x4000  }
0x18b: {  	[sflag:s10] =	ssyncset.done $0x0  }
0x18c: {  	[sflag:s10] =	ssyncadd.s32 $0xFFFFC000  }
0x18d: {  	_ =	swait.ge [sflag:s16], $0x4000  }
0x18e: {  	[sflag:s16] =	ssyncset.done $0x0  }
0x18f: {  	s8 =	rddreg [dreg:$0xe];
	[sflag:s16] =	ssyncadd.s32 $0xFFFFC000  }
0x190: {  	[tilespmem:s13], [sflag:$0x1] =	stream.indirect.gather [hbm4b:s4+s12], $0x80, s8, s12, $0xb8;
	[tilespmem:$0x1D000] =	vst v63  }
0x191: {  	s9 =	rddreg [dreg:$0xf]  }
0x192: {  	[spmem:s2] =	stream.indirect.scatter.add.f32 [tilespmem:s15], [sflag:$0x3], $0x80, s9, s12, $0xb8;
	[tilespmem:$0x1D000] =	vst v63  }
0x193: {  	_ =	swait.ge [sflag:s10], $0x4000  }
0x194: {  	[sflag:s10] =	ssyncset.done $0x0  }
0x195: {  	[sflag:s10] =	ssyncadd.s32 $0xFFFFC000  }
0x196: {  	_ =	swait.ge [sflag:s14], $0x4000  }
0x197: {  	[sflag:s14] =	ssyncset.done $0x0  }
0x198: {  	s7 =	rddreg [dreg:$0x10];
	[sflag:s14] =	ssyncadd.s32 $0xFFFFC000  }
0x199: {  	[tilespmem:s15], [sflag:$0x2] =	stream.indirect.gather [hbm4b:s4+s12], $0x80, s7, s12, $0xb8;
	[tilespmem:$0x1D000] =	vst v63  }
0x19a: {  	s8 =	rddreg [dreg:$0x11]  }
0x19b: {  	[spmem:s2] =	stream.indirect.scatter.add.f32 [tilespmem:s13], [sflag:$0x3], $0x80, s8, s12, $0xb8;
	[tilespmem:$0x1D000] =	vst v63  }
0x19c: {  	_ =	swait.ge [sflag:s10], $0x4000  }
0x19d: {  	[sflag:s10] =	ssyncset.done $0x0  }
0x19e: {  	[sflag:s10] =	ssyncadd.s32 $0xFFFFC000  }
0x19f: {  	_ =	swait.ge [sflag:s16], $0x4000  }
0x1a0: {  	[sflag:s16] =	ssyncset.done $0x0  }
0x1a1: {  	[sflag:s16] =	ssyncadd.s32 $0xFFFFC000  }
0x1a2: {  	[tilespmem:s13], [sflag:$0x1] =	stream.indirect.gather [hbm4b:s4+s12], $0x80, s17, s12, $0xb8;
	[tilespmem:$0x1D000] =	vst v63  }
0x1a3: {  	_ = 	snop  }
0x1a4: {  	[spmem:s2] =	stream.indirect.scatter.add.f32 [tilespmem:s15], [sflag:$0x3], $0x80, s18, s12, $0xb8;
	[tilespmem:$0x1D000] =	vst v63  }
0x1a5: {  	_ =	swait.ge [sflag:s10], $0x4000  }
0x1a6: {  	[sflag:s10] =	ssyncset.done $0x0  }
0x1a7: {  	[sflag:s10] =	ssyncadd.s32 $0xFFFFC000  }
0x1a8: {  	_ =	swait.ge [sflag:s14], $0x4000  }
0x1a9: {  	[sflag:s14] =	ssyncset.done $0x0  }
0x1aa: {  	[sflag:s14] =	ssyncadd.s32 $0xFFFFC000  }
0x1ab: {  	[tilespmem:s15], [sflag:$0x2] =	stream.indirect.gather [hbm4b:s4+s12], $0x80, s19, s12, $0xb8;
	[tilespmem:$0x1D000] =	vst v63  }
0x1ac: {  	_ = 	snop  }
0x1ad: {  	[spmem:s2] =	stream.indirect.scatter.add.f32 [tilespmem:s13], [sflag:$0x3], $0x80, s20, s12, $0xb8;
	[tilespmem:$0x1D000] =	vst v63  }
0x1ae: {  	_ =	swait.ge [sflag:s10], $0x4000  }
0x1af: {  	[sflag:s10] =	ssyncset.done $0x0  }
0x1b0: {  	[sflag:s10] =	ssyncadd.s32 $0xFFFFC000  }
0x1b1: {  	_ =	swait.ge [sflag:s16], $0x4000  }
0x1b2: {  	[sflag:s16] =	ssyncset.done $0x0  }
0x1b3: {  	[sflag:s16] =	ssyncadd.s32 $0xFFFFC000  }
0x1b4: {  	[tilespmem:s13], [sflag:$0x1] =	stream.indirect.gather [hbm4b:s4+s12], $0x80, s21, s12, $0xb8;
	[tilespmem:$0x1D000] =	vst v63  }
0x1b5: {  	_ = 	snop  }
0x1b6: {  	[spmem:s2] =	stream.indirect.scatter.add.f32 [tilespmem:s15], [sflag:$0x3], $0x80, s22, s12, $0xb8;
	[tilespmem:$0x1D000] =	vst v63  }
0x1b7: {  	_ =	swait.ge [sflag:s10], $0x4000  }
0x1b8: {  	[sflag:s10] =	ssyncset.done $0x0  }
0x1b9: {  	[sflag:s10] =	ssyncadd.s32 $0xFFFFC000  }
0x1ba: {  	_ =	swait.ge [sflag:s14], $0x4000  }
0x1bb: {  	[sflag:s14] =	ssyncset.done $0x0  }
0x1bc: {  	[sflag:s14] =	ssyncadd.s32 $0xFFFFC000  }
0x1bd: {  	[tilespmem:s15], [sflag:$0x2] =	stream.indirect.gather [hbm4b:s4+s12], $0x80, s23, s12, $0xb8;
	[tilespmem:$0x1D000] =	vst v63  }
0x1be: {  	_ = 	snop  }
0x1bf: {  	[spmem:s2] =	stream.indirect.scatter.add.f32 [tilespmem:s13], [sflag:$0x3], $0x80, s24, s12, $0xb8;
	[tilespmem:$0x1D000] =	vst v63  }
0x1c0: {  	_ =	swait.ge [sflag:s10], $0x4000  }
0x1c1: {  	[sflag:s10] =	ssyncset.done $0x0  }
0x1c2: {  	[sflag:s10] =	ssyncadd.s32 $0xFFFFC000  }
0x1c3: {  	_ =	swait.ge [sflag:s16], $0x4000  }
0x1c4: {  	[sflag:s16] =	ssyncset.done $0x0  }
0x1c5: {  	[sflag:s16] =	ssyncadd.s32 $0xFFFFC000  }
0x1c6: {  	[tilespmem:s13], [sflag:$0x1] =	stream.indirect.gather [hbm4b:s4+s12], $0x80, s25, s12, $0xb8;
	[tilespmem:$0x1D000] =	vst v63  }
0x1c7: {  	_ = 	snop  }
0x1c8: {  	[spmem:s2] =	stream.indirect.scatter.add.f32 [tilespmem:s15], [sflag:$0x3], $0x80, s26, s12, $0xb8;
	[tilespmem:$0x1D000] =	vst v63  }
0x1c9: {  	_ =	swait.ge [sflag:s10], $0x4000  }
0x1ca: {  	[sflag:s10] =	ssyncset.done $0x0  }
0x1cb: {  	[sflag:s10] =	ssyncadd.s32 $0xFFFFC000  }
0x1cc: {  	_ =	swait.ge [sflag:s14], $0x4000  }
0x1cd: {  	[sflag:s14] =	ssyncset.done $0x0  }
0x1ce: {  	[sflag:s14] =	ssyncadd.s32 $0xFFFFC000  }
0x1cf: {  	[tilespmem:s15], [sflag:$0x2] =	stream.indirect.gather [hbm4b:s4+s12], $0x80, s28, s12, $0xb8;
	[tilespmem:$0x1D000] =	vst v63  }
0x1d0: {  	_ = 	snop  }
0x1d1: {  	[spmem:s2] =	stream.indirect.scatter.add.f32 [tilespmem:s13], [sflag:$0x3], $0x80, s29, s12, $0xb8;
	[tilespmem:$0x1D000] =	vst v63  }
0x1d2: {  	_ =	swait.ge [sflag:s10], $0x4000  }
0x1d3: {  	[sflag:s10] =	ssyncset.done $0x0  }
0x1d4: {  	[sflag:s10] =	ssyncadd.s32 $0xFFFFC000  }
0x1d5: {  	_ =	swait.ge [sflag:s16], $0x4000  }
0x1d6: {  	[sflag:s16] =	ssyncset.done $0x0  }
0x1d7: {  	[sflag:s16] =	ssyncadd.s32 $0xFFFFC000  }
0x1d8: {  	[tilespmem:s13], [sflag:$0x1] =	stream.indirect.gather [hbm4b:s4+s12], $0x80, s30, s12, $0xb8;
	[tilespmem:$0x1D000] =	vst v63  }
0x1d9: {  	_ = 	snop  }
0x1da: {  	[spmem:s2] =	stream.indirect.scatter.add.f32 [tilespmem:s15], [sflag:$0x3], $0x80, s31, s12, $0xb8;
	[tilespmem:$0x1D000] =	vst v63  }
0x1db: {  	_ =	swait.ge [sflag:s10], $0x4000  }
0x1dc: {  	[sflag:s10] =	ssyncset.done $0x0  }
0x1dd: {  	[sflag:s10] =	ssyncadd.s32 $0xFFFFC000  }
0x1de: {  	_ =	swait.ge [sflag:s14], $0x4000  }
0x1df: {  	[sflag:s14] =	ssyncset.done $0x0  }
0x1e0: {  	[sflag:s14] =	ssyncadd.s32 $0xFFFFC000  }
0x1e1: {  	[tilespmem:s15], [sflag:$0x2] =	stream.indirect.gather [hbm4b:s4+s12], $0x80, s1, s12, $0xb8;
	[tilespmem:$0x1D000] =	vst v63  }
0x1e2: {  	_ = 	snop  }
0x1e3: {  	[spmem:s2] =	stream.indirect.scatter.add.f32 [tilespmem:s13], [sflag:$0x3], $0x80, s0, s12, $0xb8;
	[tilespmem:$0x1D000] =	vst v63  }
0x1e4: {  	_ =	swait.ge [sflag:s10], $0x4000  }
0x1e5: {  	[sflag:s10] =	ssyncset.done $0x0  }
0x1e6: {  	[sflag:s10] =	ssyncadd.s32 $0xFFFFC000  }
0x1e7: {  	_ =	swait.ge [sflag:s16], $0x4000  }
0x1e8: {  	[sflag:s16] =	ssyncset.done $0x0  }
0x1e9: {  	[sflag:s16] =	ssyncadd.s32 $0xFFFFC000  }
0x1ea: {  	[spmem:s2] =	stream.indirect.scatter.add.f32 [tilespmem:s15], [sflag:$0x3], $0x80, s5, s12, $0xb8;
	[tilespmem:$0x1D000] =	vst v63  }
0x1eb: {  	_ =	swait.ge [sflag:s10], $0x4000  }
0x1ec: {  	[sflag:s10] =	ssyncset.done $0x0  }
0x1ed: {  	[sflag:s10] =	ssyncadd.s32 $0xFFFFC000  }
0x1ee: {  	[bflag:$0x0] =	sbarrier.arrive $0xFFFF  }
0x1ef: {  	s7 =	rddreg [dreg:$0x13]  }
0x1f0: {  	s9 =	rddreg [dreg:$0x14]  }
0x1f1: {  	s8 =	rddreg [dreg:$0x16]  }
0x1f2: {  	[hbm:s9], [sflag:s7] =	dma.local [spmem:s8], $0x2800  }
0x1f3: {  	_ =	swait.ge [sflag:s10], $0x2800  }
0x1f4: {  	s6 =	rddreg [dreg:$0x17]  }
0x1f5: {  	s9 =	sadd.s32 $0x1, s6;
	s6 =	rddreg [dreg:$0x15]  }
0x1f6: {  	p0 =	sne.s32 s9, s6  }
.Ltmp1:
0x1f7: {  	_ = 	snop;
	(pc) =	sbr.rel @p0 .LBB2_1-.Ltmp1, $3  }
0x1f8: {  	_ =	sdelay $0x1  }
0x1f9: {  	[sflag:s10] =	ssyncset.done $0x0  }
0x1fa: {  	[sflag:s10] =	ssyncadd.s32 $0xFFFFD800  }
0x1fb: {  	_ =	sfence.sel $0x180000  }
0x1fc: {  	[bflag:$0x0] =	sbarrier.arrive $0xFFFF  }
0x1fd: {  	_ =	strace $0x90000050  }
0x1fe: {  	s0 =	stileid.u32;
	[bflag:$0x2] =	sbarrier.arrive $0xFFFF  }
0x1ff: {  	p0 =	sne.s32 s0, $0x0;
	s0 =	rddreg [dreg:$0x3]  }
0x200: {  	s0 =	sadd.s32 @!p0 $0x100000, s0  }
0x201: {  	[sflag:s0] =	ssyncadd.tile.s32 @!p0 $0x1;
	_ =	shalt  }
.Lfunc_end2:
_tile_overlayer_lowered:
.L_overlay_start_2:
0x202: {  	(tag) =	ssettag $0x2  }
0x203: {  	s0 =	rddreg [dreg:$0x0];
	s2 =	stileid.u32  }
0x204: {  	s1 =	rddreg [dreg:$0x1];
	p0 =	sne.s32 s2, $0x0  }
0x205: {  	s3 =	rddreg [dreg:$0x2];
	[bflag:$0x3] =	sbarrier.arrive $0xFFFF;
	s2 =	simm.s32 @!p0 $0x1C03  }
0x206: {  	[timem:s3], [sflag:s2] =	dma.local @!p0 [hbm:s0], s1  }
0x207: {  	s0 =	simm.s32 @!p0 $0x3  }
0x208: {  	_ =	swait.ge @!p0 [sflag:s0], s1  }
0x209: {  	s1 =	ssub.s32 @!p0 $0x0, s1;
	[sflag:s0] =	ssyncset.done @!p0 $0x0  }
0x20a: {  	[sflag:s0] =	ssyncadd.s32 @!p0 s1  }
0x20b: {  	[bflag:$0x3] =	sbarrier.arrive $0xFFFF  }
0x20c: {  	_ =	shalt  }

</sc_bundles>
